<compile_context>
chip_gen: v7x
topology: tpu7x:2x2x1
jax: 0.10.2.dev20260603
libtpu: 0.0.44.dev20260713+nightly
codegen_flags: <defaults>
</compile_context>

<pallas_src>
import functools

import jax
import jax.numpy as jnp
from jax import lax
from jax.experimental import pallas as pl
from jax.experimental.pallas import tpu as pltpu
from jax.experimental.pallas import tpu_sc as plsc

N = 10000
E = 320000
D = 128
PE = 10000

NC = 2
NS = 16
NW = NC * NS

CHUNK = 128
E_PAD = 327680
EDGES_PER_W = E_PAD // NW
N_CHUNKS = EDGES_PER_W // CHUNK
DUMMY_ROW = N
NP = 10112
ROWS_PER_TILE = NP // NS

PE_PAD = 10240
G_TOTAL = 4 * PE_PAD
G_PER_W = G_TOTAL // NW
G_CHUNKS = G_PER_W // CHUNK

_sc_mesh = plsc.VectorSubcoreMesh(core_axis_name="c", subcore_axis_name="s")


NBUF = 2
NBUF_G = 5
NSLAB = 40


@functools.partial(
    pl.kernel,
    out_type=jax.ShapeDtypeStruct((NC, NP, D), jnp.float32),
    mesh=_sc_mesh,
    scratch_types=[
        pltpu.VMEM_SHARED((NP, D), jnp.float32),
        pltpu.VMEM((NSLAB, CHUNK), jnp.int32),
        pltpu.VMEM((NSLAB, CHUNK), jnp.int32),
        [pltpu.VMEM((CHUNK, D), jnp.float32) for _ in range(NBUF)],
        [pltpu.SemaphoreType.DMA for _ in range(NBUF)],
    ],
)
def _sc_scatter_add(h_hbm, src_hbm, dst_hbm, zeros_hbm, out_hbm,
                    acc_sh, sidx_v, didx_v, rows, sems):
    cid = lax.axis_index("c")
    sid = lax.axis_index("s")
    wid = sid * NC + cid

    pltpu.sync_copy(zeros_hbm.at[pl.ds(sid * ROWS_PER_TILE, ROWS_PER_TILE)],
                    acc_sh.at[pl.ds(sid * ROWS_PER_TILE, ROWS_PER_TILE)])
    plsc.subcore_barrier()

    def start(c, b):
        pltpu.async_copy(h_hbm.at[sidx_v.at[c]], rows[b], sems[b])

    def finish(c, b):
        pltpu.make_async_copy(h_hbm.at[sidx_v.at[c]], rows[b], sems[b]).wait()
        pltpu.sync_copy(rows[b], acc_sh.at[didx_v.at[c]], add=True)

    for p in range(N_CHUNKS // NSLAB):
        row0 = wid * N_CHUNKS + p * NSLAB
        pltpu.sync_copy(src_hbm.at[pl.ds(row0, NSLAB)], sidx_v)
        pltpu.sync_copy(dst_hbm.at[pl.ds(row0, NSLAB)], didx_v)

        for b in range(NBUF):
            start(b, b)

        def body(j, carry):
            c = j * NBUF
            for b in range(NBUF):
                finish(c + b, b)
                start(c + NBUF + b, b)
            return carry

        lax.fori_loop(0, NSLAB // NBUF - 1, body, 0)
        c0 = NSLAB - NBUF
        for b in range(NBUF):
            finish(c0 + b, b)

    plsc.subcore_barrier()

    pltpu.sync_copy(acc_sh.at[pl.ds(sid * ROWS_PER_TILE, ROWS_PER_TILE)],
                    out_hbm.at[cid].at[pl.ds(sid * ROWS_PER_TILE, ROWS_PER_TILE)])


@functools.partial(
    pl.kernel,
    out_type=jax.ShapeDtypeStruct((G_TOTAL, D), jnp.float32),
    mesh=_sc_mesh,
    scratch_types=[
        pltpu.VMEM_SHARED((NP, D), jnp.float32),
        pltpu.VMEM((G_PER_W,), jnp.int32),
        [pltpu.VMEM((CHUNK, D), jnp.float32) for _ in range(2)],
        [pltpu.SemaphoreType.DMA for _ in range(2)],
    ],
)
def _sc_gather(h_hbm, idx_hbm, out_hbm, h_sh, idx_v, rows, sems):
    cid = lax.axis_index("c")
    sid = lax.axis_index("s")
    wid = sid * NC + cid
    base = wid * G_PER_W

    slab = pl.ds(sid * ROWS_PER_TILE, ROWS_PER_TILE)
    pltpu.sync_copy(h_hbm.at[slab], h_sh.at[slab])
    pltpu.sync_copy(idx_hbm.at[pl.ds(base, G_PER_W)], idx_v)
    plsc.subcore_barrier()

    def start(c, b):
        pltpu.async_copy(h_sh.at[idx_v.at[pl.ds(c * CHUNK, CHUNK)]],
                         rows[b], sems[b])

    def finish(c, b):
        pltpu.make_async_copy(h_sh.at[idx_v.at[pl.ds(c * CHUNK, CHUNK)]],
                              rows[b], sems[b]).wait()
        pltpu.sync_copy(rows[b], out_hbm.at[pl.ds(base + c * CHUNK, CHUNK)])

    NB = 2
    for b in range(NB):
        start(b, b)

    def body(j, carry):
        c = j * NB
        for b in range(NB):
            finish(c + b, b)
            start(c + NB + b, b)
        return carry

    lax.fori_loop(0, G_CHUNKS // NB - 1, body, 0)
    c0 = G_CHUNKS - NB
    for b in range(NB):
        finish(c0 + b, b)


def _tc_mlp_body(h_ref, a0_ref, a1_ref, w1_ref, b1_ref, w2_ref, b2_ref, o_ref):
    z = h_ref[...] + a0_ref[0] + a1_ref[0]
    y = jnp.maximum(
        jnp.dot(z, w1_ref[...], preferred_element_type=jnp.float32)
        + b1_ref[...], 0.0)
    o = jnp.dot(y, w2_ref[...], preferred_element_type=jnp.float32) + b2_ref[...]
    o_ref[...] = jnp.maximum(o, 0.0)


def _tc_mlp(h, agg, w1, b1, w2, b2):
    blk = 1000
    grid = (N // blk,)
    return pl.pallas_call(
        _tc_mlp_body,
        grid=grid,
        in_specs=[
            pl.BlockSpec((blk, D), lambda i: (i, 0)),
            pl.BlockSpec((1, blk, D), lambda i: (0, i, 0)),
            pl.BlockSpec((1, blk, D), lambda i: (1, i, 0)),
            pl.BlockSpec((D, D), lambda i: (0, 0)),
            pl.BlockSpec((1, D), lambda i: (0, 0)),
            pl.BlockSpec((D, D), lambda i: (0, 0)),
            pl.BlockSpec((1, D), lambda i: (0, 0)),
        ],
        out_specs=pl.BlockSpec((blk, D), lambda i: (i, 0)),
        out_shape=jax.ShapeDtypeStruct((N, D), jnp.float32),
    )(h, agg, agg, w1, b1.reshape(1, D), w2, b2.reshape(1, D))


def _tc_pred_body(a_ref, b_ref, w1_ref, b1_ref, w2_ref, b2_ref, o_ref):
    p = a_ref[...] * b_ref[...]
    y = jnp.maximum(
        jnp.dot(p, w1_ref[...], preferred_element_type=jnp.float32)
        + b1_ref[...], 0.0)
    o_ref[...] = (jnp.dot(y, w2_ref[...], preferred_element_type=jnp.float32)
                  + b2_ref[...])


def _tc_pred(g, wp1, bp1, wp2, bp2):
    blk = 1024
    nblk = PE_PAD // blk
    grid = (2 * nblk,)
    return pl.pallas_call(
        _tc_pred_body,
        grid=grid,
        in_specs=[
            pl.BlockSpec((blk, D), lambda i: ((i // nblk) * 2 * nblk + i % nblk, 0)),
            pl.BlockSpec((blk, D), lambda i: ((i // nblk) * 2 * nblk + nblk + i % nblk, 0)),
            pl.BlockSpec((D, D // 2), lambda i: (0, 0)),
            pl.BlockSpec((1, D // 2), lambda i: (0, 0)),
            pl.BlockSpec((D // 2, 1), lambda i: (0, 0)),
            pl.BlockSpec((1, 1), lambda i: (0, 0)),
        ],
        out_specs=pl.BlockSpec((blk, 1), lambda i: (i, 0)),
        out_shape=jax.ShapeDtypeStruct((2 * PE_PAD, 1), jnp.float32),
    )(g, g, wp1, bp1.reshape(1, D // 2), wp2, bp2.reshape(1, 1))


def kernel(x, e, edge_index0, edge_index1, pos_edges, neg_edges,
           W1_0, b1_0, W2_0, b2_0, W1_1, b1_1, W2_1, b2_1,
           Wp1, bp1, Wp2, bp2):
    del e
    zeros = jnp.zeros((NP, D), jnp.float32)
    pad_src = jnp.zeros((E_PAD - E,), jnp.int32)
    pad_dst = jnp.full((E_PAD - E,), DUMMY_ROW, jnp.int32)

    src0 = jnp.concatenate([edge_index0[0], pad_src]).reshape(-1, CHUNK)
    dst0 = jnp.concatenate([edge_index0[1], pad_dst]).reshape(-1, CHUNK)
    src1 = jnp.concatenate([edge_index1[0], pad_src]).reshape(-1, CHUNK)
    dst1 = jnp.concatenate([edge_index1[1], pad_dst]).reshape(-1, CHUNK)

    agg0 = _sc_scatter_add(x, src0, dst0, zeros)
    h1 = _tc_mlp(x, agg0, W1_0, b1_0, W2_0, b2_0)

    agg1 = _sc_scatter_add(h1, src1, dst1, zeros)
    h2 = _tc_mlp(h1, agg1, W1_1, b1_1, W2_1, b2_1)

    gpad = jnp.zeros((PE_PAD - PE,), jnp.int32)
    idx_all = jnp.concatenate([
        pos_edges[0], gpad, pos_edges[1], gpad,
        neg_edges[0], gpad, neg_edges[1], gpad,
    ])
    h2_pad = jnp.concatenate([h2, jnp.zeros((NP - N, D), jnp.float32)])
    g = _sc_gather(h2_pad, idx_all)
    pred = _tc_pred(g, Wp1, bp1, Wp2, bp2)
    h_pos = pred[:PE]
    h_neg = pred[PE_PAD:PE_PAD + PE]
    return (h_pos, h_neg, h2)

# --- scband reference (transcript-rebuilt; emitter-appended) ---
"""Pipeline reference for scband-gin2-40132174414143 (READ-ONLY COPY).

The authoritative reference and input builder live on the scoring server;
editing this copy changes nothing except your own understanding.
"""

import jax, jax.numpy as jnp
import numpy as np

N = 10000
E = 320000
D = 128
H = 128
MLPH = 128
FD = 1
PE = 10000


def setup_inputs(seed: int = 0) -> dict:
    key = jax.random.key(seed)
    ks = jax.random.split(key, 20)
    s = 0.05
    inp = {}
    inp["x"] = jax.random.normal(ks[0], (N, D), dtype=jnp.float32)
    inp["e"] = jnp.zeros((E, 4), dtype=jnp.float32)
    inp["edge_index0"] = jax.random.randint(ks[1], (2, E), 0, N, dtype=jnp.int32)
    inp["edge_index1"] = jax.random.randint(ks[2], (2, E), 0, N, dtype=jnp.int32)
    inp["pos_edges"] = jax.random.randint(ks[3], (2, PE), 0, N, dtype=jnp.int32)
    inp["neg_edges"] = jax.random.randint(ks[4], (2, PE), 0, N, dtype=jnp.int32)
    # GIN layer 0 MLP: Linear(D, MLPH) -> ReLU -> Linear(MLPH, H)
    inp["W1_0"] = jax.random.normal(ks[5], (D, MLPH), dtype=jnp.float32) * s
    inp["b1_0"] = jnp.zeros((MLPH,), dtype=jnp.float32)
    inp["W2_0"] = jax.random.normal(ks[6], (MLPH, H), dtype=jnp.float32) * s
    inp["b2_0"] = jnp.zeros((H,), dtype=jnp.float32)
    # GIN layer 1 MLP: Linear(H, MLPH) -> ReLU -> Linear(MLPH, H)
    inp["W1_1"] = jax.random.normal(ks[7], (H, MLPH), dtype=jnp.float32) * s
    inp["b1_1"] = jnp.zeros((MLPH,), dtype=jnp.float32)
    inp["W2_1"] = jax.random.normal(ks[8], (MLPH, H), dtype=jnp.float32) * s
    inp["b2_1"] = jnp.zeros((H,), dtype=jnp.float32)
    # predictor: Linear(H, H//2) -> ReLU -> Linear(H//2, FD)
    inp["Wp1"] = jax.random.normal(ks[9], (H, H // 2), dtype=jnp.float32) * s
    inp["bp1"] = jnp.zeros((H // 2,), dtype=jnp.float32)
    inp["Wp2"] = jax.random.normal(ks[10], (H // 2, FD), dtype=jnp.float32) * s
    inp["bp2"] = jnp.zeros((FD,), dtype=jnp.float32)
    return inp


def reference(x, e, edge_index0, edge_index1, pos_edges, neg_edges,
              W1_0, b1_0, W2_0, b2_0, W1_1, b1_1, W2_1, b2_1,
              Wp1, bp1, Wp2, bp2):
    # e is unused (kept for interface compatibility, as in the torch module)
    def gin_conv(h, ei, W1, b1, W2, b2):
        src = ei[0]
        dst = ei[1]
        # 'sum' aggregation: sum_{u in N(v)} h_u, scatter-add over dst
        agg = jnp.zeros_like(h).at[dst].add(h[src])
        # DGL GINConv with eps=0: mlp(h_self + agg)
        z = h + agg
        z = jax.nn.relu(z @ W1 + b1)
        z = z @ W2 + b2
        return z

    h = x
    h = jax.nn.relu(gin_conv(h, edge_index0, W1_0, b1_0, W2_0, b2_0))
    h = jax.nn.relu(gin_conv(h, edge_index1, W1_1, b1_1, W2_1, b2_1))

    def predictor(hp):
        return jax.nn.relu(hp @ Wp1 + bp1) @ Wp2 + bp2

    h_pos = predictor(h[pos_edges[0]] * h[pos_edges[1]])
    h_neg = predictor(h[neg_edges[0]] * h[neg_edges[1]])
    return (h_pos, h_neg, h)

if __name__ == "__main__":
    import jax
    _d = setup_inputs()
    print(jax.jit(kernel)(*tuple(_d.values())))

</pallas_src>

<mosaic_0001>
#map = affine_map<(d0, d1) -> (0, 0)>
#map1 = affine_map<(d0, d1) -> (0, 0, 0)>
module attributes {stable_mosaic.version = 14 : i64} {
  func.func @_sc_scatter_add(%arg0: i32, %arg1: i32, %arg2: memref<10000x128xf32, #tpu.memory_space<hbm>>, %arg3: memref<2560x128xi32, #tpu.memory_space<hbm>>, %arg4: memref<2560x128xi32, #tpu.memory_space<hbm>>, %arg5: memref<10112x128xf32, #tpu.memory_space<hbm>>, %arg6: memref<2x10112x128xf32, #tpu.memory_space<hbm>>, %arg7: memref<10112x128xf32, #tpu.memory_space<vmem_shared>>, %arg8: memref<40x128xi32, #tpu.memory_space<vmem>>, %arg9: memref<40x128xi32, #tpu.memory_space<vmem>>, %arg10: memref<128x128xf32, #tpu.memory_space<vmem>>, %arg11: memref<128x128xf32, #tpu.memory_space<vmem>>, %arg12: memref<!tpu.dma_semaphore, #tpu.memory_space<semaphore_mem>>, %arg13: memref<!tpu.dma_semaphore, #tpu.memory_space<semaphore_mem>>) attributes {dimension_semantics = [#tpu.dimension_semantics<core_parallel>, #tpu.dimension_semantics<subcore_parallel>], iteration_bounds = array<i64: 2, 16>, scalar_prefetch = 0 : i64, scratch_operands = 7 : i64, tpu.core_type = #tpu.core_type<sc_vector_subcore>, window_params = [{transform_indices = #map}, {transform_indices = #map}, {transform_indices = #map}, {transform_indices = #map}, {transform_indices = #map1}]} {
    %mul3A = arith.constant 2 : i32
    %mul3A_0 = arith.muli %arg1, %mul3A : i32
    %add3A = arith.addi %mul3A_0, %arg0 : i32
    %mul3A_1 = arith.constant 632 : i32
    %mul3A_2 = arith.muli %arg1, %mul3A_1 : i32
    %mul3A_3 = arith.constant 632 : i32
    %mul3A_4 = arith.muli %arg1, %mul3A_3 : i32
    "tpu.region"() ({
      %run_scoped3A_86 = tpu.sem_alloc : memref<!tpu.dma_semaphore, #tpu.memory_space<semaphore_mem>>
      %dma_start3A_87 = arith.constant 0 : i32
      %dma_start3A_88 = tpu.memref_slice %arg7[%mul3A_4, %dma_start3A_87] : memref<10112x128xf32, #tpu.memory_space<vmem_shared>> -> memref<632x128xf32, #tpu.memory_space<vmem_shared>>
      %dma_start3A_89 = arith.constant 0 : i32
      %dma_start3A_90 = tpu.memref_slice %arg5[%mul3A_2, %dma_start3A_89] : memref<10112x128xf32, #tpu.memory_space<hbm>> -> memref<632x128xf32, #tpu.memory_space<hbm>>
      tpu.enqueue_dma source(%dma_start3A_90 : memref<632x128xf32, #tpu.memory_space<hbm>>) target(%dma_start3A_88 : memref<632x128xf32, #tpu.memory_space<vmem_shared>>) target_semaphore(%run_scoped3A_86 : memref<!tpu.dma_semaphore, #tpu.memory_space<semaphore_mem>>)
      %dma_wait3A_91 = arith.constant 0 : i32
      %dma_wait3A_92 = tpu.memref_slice %arg7[%mul3A_4, %dma_wait3A_91] : memref<10112x128xf32, #tpu.memory_space<vmem_shared>> -> memref<632x128xf32, #tpu.memory_space<vmem_shared>>
      %dma_wait3A_93 = arith.constant 0 : i32
      %dma_wait3A_94 = tpu.memref_slice %arg5[%mul3A_2, %dma_wait3A_93] : memref<10112x128xf32, #tpu.memory_space<hbm>> -> memref<632x128xf32, #tpu.memory_space<hbm>>
      tpu.wait_dma2 semaphore(%run_scoped3A_86 : memref<!tpu.dma_semaphore, #tpu.memory_space<semaphore_mem>>) src(%dma_wait3A_94 : memref<632x128xf32, #tpu.memory_space<hbm>>) dst(%dma_wait3A_92 : memref<632x128xf32, #tpu.memory_space<vmem_shared>>)
      tpu.yield
    }) : () -> ()
    %barrier3A = arith.constant 0 : index
    tpu.barrier barrier_id(%barrier3A)
    %mul3A_5 = arith.constant 80 : i32
    %mul3A_6 = arith.muli %add3A, %mul3A_5 : i32
    %add3A_7 = arith.constant 0 : i32
    %add3A_8 = arith.addi %mul3A_6, %add3A_7 : i32
    "tpu.region"() ({
      %run_scoped3A_86 = tpu.sem_alloc : memref<!tpu.dma_semaphore, #tpu.memory_space<semaphore_mem>>
      %dma_start3A_87 = arith.constant 0 : i32
      %dma_start3A_88 = tpu.memref_slice %arg3[%add3A_8, %dma_start3A_87] : memref<2560x128xi32, #tpu.memory_space<hbm>> -> memref<40x128xi32, #tpu.memory_space<hbm>>
      %dma_start3A_89 = arith.constant 0 : i32
      %dma_start3A_90 = tpu.memref_slice %arg3[%add3A_8, %dma_start3A_89] : memref<2560x128xi32, #tpu.memory_space<hbm>> -> memref<40x128xi32, #tpu.memory_space<hbm>>
      tpu.enqueue_dma source(%dma_start3A_90 : memref<40x128xi32, #tpu.memory_space<hbm>>) target(%arg8 : memref<40x128xi32, #tpu.memory_space<vmem>>) target_semaphore(%run_scoped3A_86 : memref<!tpu.dma_semaphore, #tpu.memory_space<semaphore_mem>>)
      %dma_wait3A_91 = arith.constant 0 : i32
      %dma_wait3A_92 = tpu.memref_slice %arg3[%add3A_8, %dma_wait3A_91] : memref<2560x128xi32, #tpu.memory_space<hbm>> -> memref<40x128xi32, #tpu.memory_space<hbm>>
      %dma_wait3A_93 = arith.constant 0 : i32
      %dma_wait3A_94 = tpu.memref_slice %arg3[%add3A_8, %dma_wait3A_93] : memref<2560x128xi32, #tpu.memory_space<hbm>> -> memref<40x128xi32, #tpu.memory_space<hbm>>
      tpu.wait_dma2 semaphore(%run_scoped3A_86 : memref<!tpu.dma_semaphore, #tpu.memory_space<semaphore_mem>>) src(%dma_wait3A_94 : memref<40x128xi32, #tpu.memory_space<hbm>>) dst(%arg8 : memref<40x128xi32, #tpu.memory_space<vmem>>)
      tpu.yield
    }) : () -> ()
    "tpu.region"() ({
      %run_scoped3A_86 = tpu.sem_alloc : memref<!tpu.dma_semaphore, #tpu.memory_space<semaphore_mem>>
      %dma_start3A_87 = arith.constant 0 : i32
      %dma_start3A_88 = tpu.memref_slice %arg4[%add3A_8, %dma_start3A_87] : memref<2560x128xi32, #tpu.memory_space<hbm>> -> memref<40x128xi32, #tpu.memory_space<hbm>>
      %dma_start3A_89 = arith.constant 0 : i32
      %dma_start3A_90 = tpu.memref_slice %arg4[%add3A_8, %dma_start3A_89] : memref<2560x128xi32, #tpu.memory_space<hbm>> -> memref<40x128xi32, #tpu.memory_space<hbm>>
      tpu.enqueue_dma source(%dma_start3A_90 : memref<40x128xi32, #tpu.memory_space<hbm>>) target(%arg9 : memref<40x128xi32, #tpu.memory_space<vmem>>) target_semaphore(%run_scoped3A_86 : memref<!tpu.dma_semaphore, #tpu.memory_space<semaphore_mem>>)
      %dma_wait3A_91 = arith.constant 0 : i32
      %dma_wait3A_92 = tpu.memref_slice %arg4[%add3A_8, %dma_wait3A_91] : memref<2560x128xi32, #tpu.memory_space<hbm>> -> memref<40x128xi32, #tpu.memory_space<hbm>>
      %dma_wait3A_93 = arith.constant 0 : i32
      %dma_wait3A_94 = tpu.memref_slice %arg4[%add3A_8, %dma_wait3A_93] : memref<2560x128xi32, #tpu.memory_space<hbm>> -> memref<40x128xi32, #tpu.memory_space<hbm>>
      tpu.wait_dma2 semaphore(%run_scoped3A_86 : memref<!tpu.dma_semaphore, #tpu.memory_space<semaphore_mem>>) src(%dma_wait3A_94 : memref<40x128xi32, #tpu.memory_space<hbm>>) dst(%arg9 : memref<40x128xi32, #tpu.memory_space<vmem>>)
      tpu.yield
    }) : () -> ()
    %dma_start3A = arith.constant 0 : i32
    %dma_start3A_9 = arith.constant 0 : i32
    %dma_start3A_10 = tpu.memref_slice %arg8[%dma_start3A, %dma_start3A_9] : memref<40x128xi32, #tpu.memory_space<vmem>> -> memref<1x128xi32, #tpu.memory_space<vmem>>
    %dma_start3A_11 = tpu.memref_squeeze %dma_start3A_10 : memref<1x128xi32, #tpu.memory_space<vmem>> -> memref<128xi32, #tpu.memory_space<vmem>>
    %dma_start3A_12 = arith.constant 0 : i32
    %dma_start3A_13 = arith.constant 0 : i32
    %dma_start3A_14 = tpu.memref_slice %arg2[%dma_start3A_12, %dma_start3A_13] : memref<10000x128xf32, #tpu.memory_space<hbm>> -> memref<10000x128xf32, #tpu.memory_space<hbm>>
    tpu.enqueue_indirect_dma source(%dma_start3A_14 : memref<10000x128xf32, #tpu.memory_space<hbm>>) target(%arg10 : memref<128x128xf32, #tpu.memory_space<vmem>>) offsets(%dma_start3A_11 : memref<128xi32, #tpu.memory_space<vmem>>) semaphore(%arg12 : memref<!tpu.dma_semaphore, #tpu.memory_space<semaphore_mem>>)
    %dma_start3A_15 = arith.constant 1 : i32
    %dma_start3A_16 = arith.constant 0 : i32
    %dma_start3A_17 = tpu.memref_slice %arg8[%dma_start3A_15, %dma_start3A_16] : memref<40x128xi32, #tpu.memory_space<vmem>> -> memref<1x128xi32, #tpu.memory_space<vmem>>
    %dma_start3A_18 = tpu.memref_squeeze %dma_start3A_17 : memref<1x128xi32, #tpu.memory_space<vmem>> -> memref<128xi32, #tpu.memory_space<vmem>>
    %dma_start3A_19 = arith.constant 0 : i32
    %dma_start3A_20 = arith.constant 0 : i32
    %dma_start3A_21 = tpu.memref_slice %arg2[%dma_start3A_19, %dma_start3A_20] : memref<10000x128xf32, #tpu.memory_space<hbm>> -> memref<10000x128xf32, #tpu.memory_space<hbm>>
    tpu.enqueue_indirect_dma source(%dma_start3A_21 : memref<10000x128xf32, #tpu.memory_space<hbm>>) target(%arg11 : memref<128x128xf32, #tpu.memory_space<vmem>>) offsets(%dma_start3A_18 : memref<128xi32, #tpu.memory_space<vmem>>) semaphore(%arg13 : memref<!tpu.dma_semaphore, #tpu.memory_space<semaphore_mem>>)
    %scan3A = arith.constant 0 : i32
    %scan3A_22 = arith.constant 0 : i32
    %scan3A_23 = arith.constant 19 : i32
    %scan3A_24 = arith.addi %scan3A_22, %scan3A_23 : i32
    %scan3A_25 = arith.constant 1 : i32
    scf.for %scan3A_86 = %scan3A_22 to %scan3A_24 step %scan3A_25  : i32 {
      %mul3A_87 = arith.constant 2 : i32
      %mul3A_88 = arith.muli %scan3A_86, %mul3A_87 : i32
      %add3A_89 = arith.constant 0 : i32
      %add3A_90 = arith.addi %mul3A_88, %add3A_89 : i32
      %dma_wait3A_91 = arith.constant 0 : i32
      %dma_wait3A_92 = tpu.memref_slice %arg8[%add3A_90, %dma_wait3A_91] : memref<40x128xi32, #tpu.memory_space<vmem>> -> memref<1x128xi32, #tpu.memory_space<vmem>>
      %dma_wait3A_93 = tpu.memref_squeeze %dma_wait3A_92 : memref<1x128xi32, #tpu.memory_space<vmem>> -> memref<128xi32, #tpu.memory_space<vmem>>
      %dma_wait3A_94 = arith.constant 0 : i32
      %dma_wait3A_95 = arith.constant 0 : i32
      %dma_wait3A_96 = tpu.memref_slice %arg2[%dma_wait3A_94, %dma_wait3A_95] : memref<10000x128xf32, #tpu.memory_space<hbm>> -> memref<10000x128xf32, #tpu.memory_space<hbm>>
      tpu.wait_indirect_dma semaphore(%arg12 : memref<!tpu.dma_semaphore, #tpu.memory_space<semaphore_mem>>) src(%dma_wait3A_96 : memref<10000x128xf32, #tpu.memory_space<hbm>>) dst(%arg10 : memref<128x128xf32, #tpu.memory_space<vmem>>)
      "tpu.region"() ({
        %run_scoped3A_125 = tpu.sem_alloc : memref<!tpu.dma_semaphore, #tpu.memory_space<semaphore_mem>>
        %dma_start3A_126 = arith.constant 0 : i32
        %dma_start3A_127 = tpu.memref_slice %arg9[%add3A_90, %dma_start3A_126] : memref<40x128xi32, #tpu.memory_space<vmem>> -> memref<1x128xi32, #tpu.memory_space<vmem>>
        %dma_start3A_128 = tpu.memref_squeeze %dma_start3A_127 : memref<1x128xi32, #tpu.memory_space<vmem>> -> memref<128xi32, #tpu.memory_space<vmem>>
        %dma_start3A_129 = arith.constant 0 : i32
        %dma_start3A_130 = arith.constant 0 : i32
        %dma_start3A_131 = tpu.memref_slice %arg7[%dma_start3A_129, %dma_start3A_130] : memref<10112x128xf32, #tpu.memory_space<vmem_shared>> -> memref<10112x128xf32, #tpu.memory_space<vmem_shared>>
        tpu.enqueue_indirect_dma source(%arg10 : memref<128x128xf32, #tpu.memory_space<vmem>>) target(%dma_start3A_131 : memref<10112x128xf32, #tpu.memory_space<vmem_shared>>) offsets(%dma_start3A_128 : memref<128xi32, #tpu.memory_space<vmem>>) semaphore(%run_scoped3A_125 : memref<!tpu.dma_semaphore, #tpu.memory_space<semaphore_mem>>) {add = true}
        %dma_wait3A_132 = arith.constant 0 : i32
        %dma_wait3A_133 = tpu.memref_slice %arg9[%add3A_90, %dma_wait3A_132] : memref<40x128xi32, #tpu.memory_space<vmem>> -> memref<1x128xi32, #tpu.memory_space<vmem>>
        %dma_wait3A_134 = tpu.memref_squeeze %dma_wait3A_133 : memref<1x128xi32, #tpu.memory_space<vmem>> -> memref<128xi32, #tpu.memory_space<vmem>>
        %dma_wait3A_135 = arith.constant 0 : i32
        %dma_wait3A_136 = arith.constant 0 : i32
        %dma_wait3A_137 = tpu.memref_slice %arg7[%dma_wait3A_135, %dma_wait3A_136] : memref<10112x128xf32, #tpu.memory_space<vmem_shared>> -> memref<10112x128xf32, #tpu.memory_space<vmem_shared>>
        tpu.wait_indirect_dma semaphore(%run_scoped3A_125 : memref<!tpu.dma_semaphore, #tpu.memory_space<semaphore_mem>>) src(%arg10 : memref<128x128xf32, #tpu.memory_space<vmem>>) dst(%dma_wait3A_137 : memref<10112x128xf32, #tpu.memory_space<vmem_shared>>)
        tpu.yield
      }) : () -> ()
      %add3A_97 = arith.constant 2 : i32
      %add3A_98 = arith.addi %mul3A_88, %add3A_97 : i32
      %add3A_99 = arith.constant 0 : i32
      %add3A_100 = arith.addi %add3A_98, %add3A_99 : i32
      %dma_start3A_101 = arith.constant 0 : i32
      %dma_start3A_102 = tpu.memref_slice %arg8[%add3A_100, %dma_start3A_101] : memref<40x128xi32, #tpu.memory_space<vmem>> -> memref<1x128xi32, #tpu.memory_space<vmem>>
      %dma_start3A_103 = tpu.memref_squeeze %dma_start3A_102 : memref<1x128xi32, #tpu.memory_space<vmem>> -> memref<128xi32, #tpu.memory_space<vmem>>
      %dma_start3A_104 = arith.constant 0 : i32
      %dma_start3A_105 = arith.constant 0 : i32
      %dma_start3A_106 = tpu.memref_slice %arg2[%dma_start3A_104, %dma_start3A_105] : memref<10000x128xf32, #tpu.memory_space<hbm>> -> memref<10000x128xf32, #tpu.memory_space<hbm>>
      tpu.enqueue_indirect_dma source(%dma_start3A_106 : memref<10000x128xf32, #tpu.memory_space<hbm>>) target(%arg10 : memref<128x128xf32, #tpu.memory_space<vmem>>) offsets(%dma_start3A_103 : memref<128xi32, #tpu.memory_space<vmem>>) semaphore(%arg12 : memref<!tpu.dma_semaphore, #tpu.memory_space<semaphore_mem>>)
      %add3A_107 = arith.constant 1 : i32
      %add3A_108 = arith.addi %mul3A_88, %add3A_107 : i32
      %dma_wait3A_109 = arith.constant 0 : i32
      %dma_wait3A_110 = tpu.memref_slice %arg8[%add3A_108, %dma_wait3A_109] : memref<40x128xi32, #tpu.memory_space<vmem>> -> memref<1x128xi32, #tpu.memory_space<vmem>>
      %dma_wait3A_111 = tpu.memref_squeeze %dma_wait3A_110 : memref<1x128xi32, #tpu.memory_space<vmem>> -> memref<128xi32, #tpu.memory_space<vmem>>
      %dma_wait3A_112 = arith.constant 0 : i32
      %dma_wait3A_113 = arith.constant 0 : i32
      %dma_wait3A_114 = tpu.memref_slice %arg2[%dma_wait3A_112, %dma_wait3A_113] : memref<10000x128xf32, #tpu.memory_space<hbm>> -> memref<10000x128xf32, #tpu.memory_space<hbm>>
      tpu.wait_indirect_dma semaphore(%arg13 : memref<!tpu.dma_semaphore, #tpu.memory_space<semaphore_mem>>) src(%dma_wait3A_114 : memref<10000x128xf32, #tpu.memory_space<hbm>>) dst(%arg11 : memref<128x128xf32, #tpu.memory_space<vmem>>)
      "tpu.region"() ({
        %run_scoped3A_125 = tpu.sem_alloc : memref<!tpu.dma_semaphore, #tpu.memory_space<semaphore_mem>>
        %dma_start3A_126 = arith.constant 0 : i32
        %dma_start3A_127 = tpu.memref_slice %arg9[%add3A_108, %dma_start3A_126] : memref<40x128xi32, #tpu.memory_space<vmem>> -> memref<1x128xi32, #tpu.memory_space<vmem>>
        %dma_start3A_128 = tpu.memref_squeeze %dma_start3A_127 : memref<1x128xi32, #tpu.memory_space<vmem>> -> memref<128xi32, #tpu.memory_space<vmem>>
        %dma_start3A_129 = arith.constant 0 : i32
        %dma_start3A_130 = arith.constant 0 : i32
        %dma_start3A_131 = tpu.memref_slice %arg7[%dma_start3A_129, %dma_start3A_130] : memref<10112x128xf32, #tpu.memory_space<vmem_shared>> -> memref<10112x128xf32, #tpu.memory_space<vmem_shared>>
        tpu.enqueue_indirect_dma source(%arg11 : memref<128x128xf32, #tpu.memory_space<vmem>>) target(%dma_start3A_131 : memref<10112x128xf32, #tpu.memory_space<vmem_shared>>) offsets(%dma_start3A_128 : memref<128xi32, #tpu.memory_space<vmem>>) semaphore(%run_scoped3A_125 : memref<!tpu.dma_semaphore, #tpu.memory_space<semaphore_mem>>) {add = true}
        %dma_wait3A_132 = arith.constant 0 : i32
        %dma_wait3A_133 = tpu.memref_slice %arg9[%add3A_108, %dma_wait3A_132] : memref<40x128xi32, #tpu.memory_space<vmem>> -> memref<1x128xi32, #tpu.memory_space<vmem>>
        %dma_wait3A_134 = tpu.memref_squeeze %dma_wait3A_133 : memref<1x128xi32, #tpu.memory_space<vmem>> -> memref<128xi32, #tpu.memory_space<vmem>>
        %dma_wait3A_135 = arith.constant 0 : i32
        %dma_wait3A_136 = arith.constant 0 : i32
        %dma_wait3A_137 = tpu.memref_slice %arg7[%dma_wait3A_135, %dma_wait3A_136] : memref<10112x128xf32, #tpu.memory_space<vmem_shared>> -> memref<10112x128xf32, #tpu.memory_space<vmem_shared>>
        tpu.wait_indirect_dma semaphore(%run_scoped3A_125 : memref<!tpu.dma_semaphore, #tpu.memory_space<semaphore_mem>>) src(%arg11 : memref<128x128xf32, #tpu.memory_space<vmem>>) dst(%dma_wait3A_137 : memref<10112x128xf32, #tpu.memory_space<vmem_shared>>)
        tpu.yield
      }) : () -> ()
      %add3A_115 = arith.constant 2 : i32
      %add3A_116 = arith.addi %mul3A_88, %add3A_115 : i32
      %add3A_117 = arith.constant 1 : i32
      %add3A_118 = arith.addi %add3A_116, %add3A_117 : i32
      %dma_start3A_119 = arith.constant 0 : i32
      %dma_start3A_120 = tpu.memref_slice %arg8[%add3A_118, %dma_start3A_119] : memref<40x128xi32, #tpu.memory_space<vmem>> -> memref<1x128xi32, #tpu.memory_space<vmem>>
      %dma_start3A_121 = tpu.memref_squeeze %dma_start3A_120 : memref<1x128xi32, #tpu.memory_space<vmem>> -> memref<128xi32, #tpu.memory_space<vmem>>
      %dma_start3A_122 = arith.constant 0 : i32
      %dma_start3A_123 = arith.constant 0 : i32
      %dma_start3A_124 = tpu.memref_slice %arg2[%dma_start3A_122, %dma_start3A_123] : memref<10000x128xf32, #tpu.memory_space<hbm>> -> memref<10000x128xf32, #tpu.memory_space<hbm>>
      tpu.enqueue_indirect_dma source(%dma_start3A_124 : memref<10000x128xf32, #tpu.memory_space<hbm>>) target(%arg11 : memref<128x128xf32, #tpu.memory_space<vmem>>) offsets(%dma_start3A_121 : memref<128xi32, #tpu.memory_space<vmem>>) semaphore(%arg13 : memref<!tpu.dma_semaphore, #tpu.memory_space<semaphore_mem>>)
    }
    %scan3A_26 = arith.constant 19 : i32
    %dma_wait3A = arith.constant 38 : i32
    %dma_wait3A_27 = arith.constant 0 : i32
    %dma_wait3A_28 = tpu.memref_slice %arg8[%dma_wait3A, %dma_wait3A_27] : memref<40x128xi32, #tpu.memory_space<vmem>> -> memref<1x128xi32, #tpu.memory_space<vmem>>
    %dma_wait3A_29 = tpu.memref_squeeze %dma_wait3A_28 : memref<1x128xi32, #tpu.memory_space<vmem>> -> memref<128xi32, #tpu.memory_space<vmem>>
    %dma_wait3A_30 = arith.constant 0 : i32
    %dma_wait3A_31 = arith.constant 0 : i32
    %dma_wait3A_32 = tpu.memref_slice %arg2[%dma_wait3A_30, %dma_wait3A_31] : memref<10000x128xf32, #tpu.memory_space<hbm>> -> memref<10000x128xf32, #tpu.memory_space<hbm>>
    tpu.wait_indirect_dma semaphore(%arg12 : memref<!tpu.dma_semaphore, #tpu.memory_space<semaphore_mem>>) src(%dma_wait3A_32 : memref<10000x128xf32, #tpu.memory_space<hbm>>) dst(%arg10 : memref<128x128xf32, #tpu.memory_space<vmem>>)
    %run_scoped3A = arith.constant 38 : i32
    "tpu.region"() ({
      %run_scoped3A_86 = tpu.sem_alloc : memref<!tpu.dma_semaphore, #tpu.memory_space<semaphore_mem>>
      %dma_start3A_87 = arith.constant 0 : i32
      %dma_start3A_88 = tpu.memref_slice %arg9[%run_scoped3A, %dma_start3A_87] : memref<40x128xi32, #tpu.memory_space<vmem>> -> memref<1x128xi32, #tpu.memory_space<vmem>>
      %dma_start3A_89 = tpu.memref_squeeze %dma_start3A_88 : memref<1x128xi32, #tpu.memory_space<vmem>> -> memref<128xi32, #tpu.memory_space<vmem>>
      %dma_start3A_90 = arith.constant 0 : i32
      %dma_start3A_91 = arith.constant 0 : i32
      %dma_start3A_92 = tpu.memref_slice %arg7[%dma_start3A_90, %dma_start3A_91] : memref<10112x128xf32, #tpu.memory_space<vmem_shared>> -> memref<10112x128xf32, #tpu.memory_space<vmem_shared>>
      tpu.enqueue_indirect_dma source(%arg10 : memref<128x128xf32, #tpu.memory_space<vmem>>) target(%dma_start3A_92 : memref<10112x128xf32, #tpu.memory_space<vmem_shared>>) offsets(%dma_start3A_89 : memref<128xi32, #tpu.memory_space<vmem>>) semaphore(%run_scoped3A_86 : memref<!tpu.dma_semaphore, #tpu.memory_space<semaphore_mem>>) {add = true}
      %dma_wait3A_93 = arith.constant 0 : i32
      %dma_wait3A_94 = tpu.memref_slice %arg9[%run_scoped3A, %dma_wait3A_93] : memref<40x128xi32, #tpu.memory_space<vmem>> -> memref<1x128xi32, #tpu.memory_space<vmem>>
      %dma_wait3A_95 = tpu.memref_squeeze %dma_wait3A_94 : memref<1x128xi32, #tpu.memory_space<vmem>> -> memref<128xi32, #tpu.memory_space<vmem>>
      %dma_wait3A_96 = arith.constant 0 : i32
      %dma_wait3A_97 = arith.constant 0 : i32
      %dma_wait3A_98 = tpu.memref_slice %arg7[%dma_wait3A_96, %dma_wait3A_97] : memref<10112x128xf32, #tpu.memory_space<vmem_shared>> -> memref<10112x128xf32, #tpu.memory_space<vmem_shared>>
      tpu.wait_indirect_dma semaphore(%run_scoped3A_86 : memref<!tpu.dma_semaphore, #tpu.memory_space<semaphore_mem>>) src(%arg10 : memref<128x128xf32, #tpu.memory_space<vmem>>) dst(%dma_wait3A_98 : memref<10112x128xf32, #tpu.memory_space<vmem_shared>>)
      tpu.yield
    }) : () -> ()
    %dma_wait3A_33 = arith.constant 39 : i32
    %dma_wait3A_34 = arith.constant 0 : i32
    %dma_wait3A_35 = tpu.memref_slice %arg8[%dma_wait3A_33, %dma_wait3A_34] : memref<40x128xi32, #tpu.memory_space<vmem>> -> memref<1x128xi32, #tpu.memory_space<vmem>>
    %dma_wait3A_36 = tpu.memref_squeeze %dma_wait3A_35 : memref<1x128xi32, #tpu.memory_space<vmem>> -> memref<128xi32, #tpu.memory_space<vmem>>
    %dma_wait3A_37 = arith.constant 0 : i32
    %dma_wait3A_38 = arith.constant 0 : i32
    %dma_wait3A_39 = tpu.memref_slice %arg2[%dma_wait3A_37, %dma_wait3A_38] : memref<10000x128xf32, #tpu.memory_space<hbm>> -> memref<10000x128xf32, #tpu.memory_space<hbm>>
    tpu.wait_indirect_dma semaphore(%arg13 : memref<!tpu.dma_semaphore, #tpu.memory_space<semaphore_mem>>) src(%dma_wait3A_39 : memref<10000x128xf32, #tpu.memory_space<hbm>>) dst(%arg11 : memref<128x128xf32, #tpu.memory_space<vmem>>)
    %run_scoped3A_40 = arith.constant 39 : i32
    "tpu.region"() ({
      %run_scoped3A_86 = tpu.sem_alloc : memref<!tpu.dma_semaphore, #tpu.memory_space<semaphore_mem>>
      %dma_start3A_87 = arith.constant 0 : i32
      %dma_start3A_88 = tpu.memref_slice %arg9[%run_scoped3A_40, %dma_start3A_87] : memref<40x128xi32, #tpu.memory_space<vmem>> -> memref<1x128xi32, #tpu.memory_space<vmem>>
      %dma_start3A_89 = tpu.memref_squeeze %dma_start3A_88 : memref<1x128xi32, #tpu.memory_space<vmem>> -> memref<128xi32, #tpu.memory_space<vmem>>
      %dma_start3A_90 = arith.constant 0 : i32
      %dma_start3A_91 = arith.constant 0 : i32
      %dma_start3A_92 = tpu.memref_slice %arg7[%dma_start3A_90, %dma_start3A_91] : memref<10112x128xf32, #tpu.memory_space<vmem_shared>> -> memref<10112x128xf32, #tpu.memory_space<vmem_shared>>
      tpu.enqueue_indirect_dma source(%arg11 : memref<128x128xf32, #tpu.memory_space<vmem>>) target(%dma_start3A_92 : memref<10112x128xf32, #tpu.memory_space<vmem_shared>>) offsets(%dma_start3A_89 : memref<128xi32, #tpu.memory_space<vmem>>) semaphore(%run_scoped3A_86 : memref<!tpu.dma_semaphore, #tpu.memory_space<semaphore_mem>>) {add = true}
      %dma_wait3A_93 = arith.constant 0 : i32
      %dma_wait3A_94 = tpu.memref_slice %arg9[%run_scoped3A_40, %dma_wait3A_93] : memref<40x128xi32, #tpu.memory_space<vmem>> -> memref<1x128xi32, #tpu.memory_space<vmem>>
      %dma_wait3A_95 = tpu.memref_squeeze %dma_wait3A_94 : memref<1x128xi32, #tpu.memory_space<vmem>> -> memref<128xi32, #tpu.memory_space<vmem>>
      %dma_wait3A_96 = arith.constant 0 : i32
      %dma_wait3A_97 = arith.constant 0 : i32
      %dma_wait3A_98 = tpu.memref_slice %arg7[%dma_wait3A_96, %dma_wait3A_97] : memref<10112x128xf32, #tpu.memory_space<vmem_shared>> -> memref<10112x128xf32, #tpu.memory_space<vmem_shared>>
      tpu.wait_indirect_dma semaphore(%run_scoped3A_86 : memref<!tpu.dma_semaphore, #tpu.memory_space<semaphore_mem>>) src(%arg11 : memref<128x128xf32, #tpu.memory_space<vmem>>) dst(%dma_wait3A_98 : memref<10112x128xf32, #tpu.memory_space<vmem_shared>>)
      tpu.yield
    }) : () -> ()
    %mul3A_41 = arith.constant 80 : i32
    %mul3A_42 = arith.muli %add3A, %mul3A_41 : i32
    %add3A_43 = arith.constant 40 : i32
    %add3A_44 = arith.addi %mul3A_42, %add3A_43 : i32
    "tpu.region"() ({
      %run_scoped3A_86 = tpu.sem_alloc : memref<!tpu.dma_semaphore, #tpu.memory_space<semaphore_mem>>
      %dma_start3A_87 = arith.constant 0 : i32
      %dma_start3A_88 = tpu.memref_slice %arg3[%add3A_44, %dma_start3A_87] : memref<2560x128xi32, #tpu.memory_space<hbm>> -> memref<40x128xi32, #tpu.memory_space<hbm>>
      %dma_start3A_89 = arith.constant 0 : i32
      %dma_start3A_90 = tpu.memref_slice %arg3[%add3A_44, %dma_start3A_89] : memref<2560x128xi32, #tpu.memory_space<hbm>> -> memref<40x128xi32, #tpu.memory_space<hbm>>
      tpu.enqueue_dma source(%dma_start3A_90 : memref<40x128xi32, #tpu.memory_space<hbm>>) target(%arg8 : memref<40x128xi32, #tpu.memory_space<vmem>>) target_semaphore(%run_scoped3A_86 : memref<!tpu.dma_semaphore, #tpu.memory_space<semaphore_mem>>)
      %dma_wait3A_91 = arith.constant 0 : i32
      %dma_wait3A_92 = tpu.memref_slice %arg3[%add3A_44, %dma_wait3A_91] : memref<2560x128xi32, #tpu.memory_space<hbm>> -> memref<40x128xi32, #tpu.memory_space<hbm>>
      %dma_wait3A_93 = arith.constant 0 : i32
      %dma_wait3A_94 = tpu.memref_slice %arg3[%add3A_44, %dma_wait3A_93] : memref<2560x128xi32, #tpu.memory_space<hbm>> -> memref<40x128xi32, #tpu.memory_space<hbm>>
      tpu.wait_dma2 semaphore(%run_scoped3A_86 : memref<!tpu.dma_semaphore, #tpu.memory_space<semaphore_mem>>) src(%dma_wait3A_94 : memref<40x128xi32, #tpu.memory_space<hbm>>) dst(%arg8 : memref<40x128xi32, #tpu.memory_space<vmem>>)
      tpu.yield
    }) : () -> ()
    "tpu.region"() ({
      %run_scoped3A_86 = tpu.sem_alloc : memref<!tpu.dma_semaphore, #tpu.memory_space<semaphore_mem>>
      %dma_start3A_87 = arith.constant 0 : i32
      %dma_start3A_88 = tpu.memref_slice %arg4[%add3A_44, %dma_start3A_87] : memref<2560x128xi32, #tpu.memory_space<hbm>> -> memref<40x128xi32, #tpu.memory_space<hbm>>
      %dma_start3A_89 = arith.constant 0 : i32
      %dma_start3A_90 = tpu.memref_slice %arg4[%add3A_44, %dma_start3A_89] : memref<2560x128xi32, #tpu.memory_space<hbm>> -> memref<40x128xi32, #tpu.memory_space<hbm>>
      tpu.enqueue_dma source(%dma_start3A_90 : memref<40x128xi32, #tpu.memory_space<hbm>>) target(%arg9 : memref<40x128xi32, #tpu.memory_space<vmem>>) target_semaphore(%run_scoped3A_86 : memref<!tpu.dma_semaphore, #tpu.memory_space<semaphore_mem>>)
      %dma_wait3A_91 = arith.constant 0 : i32
      %dma_wait3A_92 = tpu.memref_slice %arg4[%add3A_44, %dma_wait3A_91] : memref<2560x128xi32, #tpu.memory_space<hbm>> -> memref<40x128xi32, #tpu.memory_space<hbm>>
      %dma_wait3A_93 = arith.constant 0 : i32
      %dma_wait3A_94 = tpu.memref_slice %arg4[%add3A_44, %dma_wait3A_93] : memref<2560x128xi32, #tpu.memory_space<hbm>> -> memref<40x128xi32, #tpu.memory_space<hbm>>
      tpu.wait_dma2 semaphore(%run_scoped3A_86 : memref<!tpu.dma_semaphore, #tpu.memory_space<semaphore_mem>>) src(%dma_wait3A_94 : memref<40x128xi32, #tpu.memory_space<hbm>>) dst(%arg9 : memref<40x128xi32, #tpu.memory_space<vmem>>)
      tpu.yield
    }) : () -> ()
    %dma_start3A_45 = arith.constant 0 : i32
    %dma_start3A_46 = arith.constant 0 : i32
    %dma_start3A_47 = tpu.memref_slice %arg8[%dma_start3A_45, %dma_start3A_46] : memref<40x128xi32, #tpu.memory_space<vmem>> -> memref<1x128xi32, #tpu.memory_space<vmem>>
    %dma_start3A_48 = tpu.memref_squeeze %dma_start3A_47 : memref<1x128xi32, #tpu.memory_space<vmem>> -> memref<128xi32, #tpu.memory_space<vmem>>
    %dma_start3A_49 = arith.constant 0 : i32
    %dma_start3A_50 = arith.constant 0 : i32
    %dma_start3A_51 = tpu.memref_slice %arg2[%dma_start3A_49, %dma_start3A_50] : memref<10000x128xf32, #tpu.memory_space<hbm>> -> memref<10000x128xf32, #tpu.memory_space<hbm>>
    tpu.enqueue_indirect_dma source(%dma_start3A_51 : memref<10000x128xf32, #tpu.memory_space<hbm>>) target(%arg10 : memref<128x128xf32, #tpu.memory_space<vmem>>) offsets(%dma_start3A_48 : memref<128xi32, #tpu.memory_space<vmem>>) semaphore(%arg12 : memref<!tpu.dma_semaphore, #tpu.memory_space<semaphore_mem>>)
    %dma_start3A_52 = arith.constant 1 : i32
    %dma_start3A_53 = arith.constant 0 : i32
    %dma_start3A_54 = tpu.memref_slice %arg8[%dma_start3A_52, %dma_start3A_53] : memref<40x128xi32, #tpu.memory_space<vmem>> -> memref<1x128xi32, #tpu.memory_space<vmem>>
    %dma_start3A_55 = tpu.memref_squeeze %dma_start3A_54 : memref<1x128xi32, #tpu.memory_space<vmem>> -> memref<128xi32, #tpu.memory_space<vmem>>
    %dma_start3A_56 = arith.constant 0 : i32
    %dma_start3A_57 = arith.constant 0 : i32
    %dma_start3A_58 = tpu.memref_slice %arg2[%dma_start3A_56, %dma_start3A_57] : memref<10000x128xf32, #tpu.memory_space<hbm>> -> memref<10000x128xf32, #tpu.memory_space<hbm>>
    tpu.enqueue_indirect_dma source(%dma_start3A_58 : memref<10000x128xf32, #tpu.memory_space<hbm>>) target(%arg11 : memref<128x128xf32, #tpu.memory_space<vmem>>) offsets(%dma_start3A_55 : memref<128xi32, #tpu.memory_space<vmem>>) semaphore(%arg13 : memref<!tpu.dma_semaphore, #tpu.memory_space<semaphore_mem>>)
    %scan3A_59 = arith.constant 0 : i32
    %scan3A_60 = arith.constant 0 : i32
    %scan3A_61 = arith.constant 19 : i32
    %scan3A_62 = arith.addi %scan3A_60, %scan3A_61 : i32
    %scan3A_63 = arith.constant 1 : i32
    scf.for %scan3A_86 = %scan3A_60 to %scan3A_62 step %scan3A_63  : i32 {
      %mul3A_87 = arith.constant 2 : i32
      %mul3A_88 = arith.muli %scan3A_86, %mul3A_87 : i32
      %add3A_89 = arith.constant 0 : i32
      %add3A_90 = arith.addi %mul3A_88, %add3A_89 : i32
      %dma_wait3A_91 = arith.constant 0 : i32
      %dma_wait3A_92 = tpu.memref_slice %arg8[%add3A_90, %dma_wait3A_91] : memref<40x128xi32, #tpu.memory_space<vmem>> -> memref<1x128xi32, #tpu.memory_space<vmem>>
      %dma_wait3A_93 = tpu.memref_squeeze %dma_wait3A_92 : memref<1x128xi32, #tpu.memory_space<vmem>> -> memref<128xi32, #tpu.memory_space<vmem>>
      %dma_wait3A_94 = arith.constant 0 : i32
      %dma_wait3A_95 = arith.constant 0 : i32
      %dma_wait3A_96 = tpu.memref_slice %arg2[%dma_wait3A_94, %dma_wait3A_95] : memref<10000x128xf32, #tpu.memory_space<hbm>> -> memref<10000x128xf32, #tpu.memory_space<hbm>>
      tpu.wait_indirect_dma semaphore(%arg12 : memref<!tpu.dma_semaphore, #tpu.memory_space<semaphore_mem>>) src(%dma_wait3A_96 : memref<10000x128xf32, #tpu.memory_space<hbm>>) dst(%arg10 : memref<128x128xf32, #tpu.memory_space<vmem>>)
      "tpu.region"() ({
        %run_scoped3A_125 = tpu.sem_alloc : memref<!tpu.dma_semaphore, #tpu.memory_space<semaphore_mem>>
        %dma_start3A_126 = arith.constant 0 : i32
        %dma_start3A_127 = tpu.memref_slice %arg9[%add3A_90, %dma_start3A_126] : memref<40x128xi32, #tpu.memory_space<vmem>> -> memref<1x128xi32, #tpu.memory_space<vmem>>
        %dma_start3A_128 = tpu.memref_squeeze %dma_start3A_127 : memref<1x128xi32, #tpu.memory_space<vmem>> -> memref<128xi32, #tpu.memory_space<vmem>>
        %dma_start3A_129 = arith.constant 0 : i32
        %dma_start3A_130 = arith.constant 0 : i32
        %dma_start3A_131 = tpu.memref_slice %arg7[%dma_start3A_129, %dma_start3A_130] : memref<10112x128xf32, #tpu.memory_space<vmem_shared>> -> memref<10112x128xf32, #tpu.memory_space<vmem_shared>>
        tpu.enqueue_indirect_dma source(%arg10 : memref<128x128xf32, #tpu.memory_space<vmem>>) target(%dma_start3A_131 : memref<10112x128xf32, #tpu.memory_space<vmem_shared>>) offsets(%dma_start3A_128 : memref<128xi32, #tpu.memory_space<vmem>>) semaphore(%run_scoped3A_125 : memref<!tpu.dma_semaphore, #tpu.memory_space<semaphore_mem>>) {add = true}
        %dma_wait3A_132 = arith.constant 0 : i32
        %dma_wait3A_133 = tpu.memref_slice %arg9[%add3A_90, %dma_wait3A_132] : memref<40x128xi32, #tpu.memory_space<vmem>> -> memref<1x128xi32, #tpu.memory_space<vmem>>
        %dma_wait3A_134 = tpu.memref_squeeze %dma_wait3A_133 : memref<1x128xi32, #tpu.memory_space<vmem>> -> memref<128xi32, #tpu.memory_space<vmem>>
        %dma_wait3A_135 = arith.constant 0 : i32
        %dma_wait3A_136 = arith.constant 0 : i32
        %dma_wait3A_137 = tpu.memref_slice %arg7[%dma_wait3A_135, %dma_wait3A_136] : memref<10112x128xf32, #tpu.memory_space<vmem_shared>> -> memref<10112x128xf32, #tpu.memory_space<vmem_shared>>
        tpu.wait_indirect_dma semaphore(%run_scoped3A_125 : memref<!tpu.dma_semaphore, #tpu.memory_space<semaphore_mem>>) src(%arg10 : memref<128x128xf32, #tpu.memory_space<vmem>>) dst(%dma_wait3A_137 : memref<10112x128xf32, #tpu.memory_space<vmem_shared>>)
        tpu.yield
      }) : () -> ()
      %add3A_97 = arith.constant 2 : i32
      %add3A_98 = arith.addi %mul3A_88, %add3A_97 : i32
      %add3A_99 = arith.constant 0 : i32
      %add3A_100 = arith.addi %add3A_98, %add3A_99 : i32
      %dma_start3A_101 = arith.constant 0 : i32
      %dma_start3A_102 = tpu.memref_slice %arg8[%add3A_100, %dma_start3A_101] : memref<40x128xi32, #tpu.memory_space<vmem>> -> memref<1x128xi32, #tpu.memory_space<vmem>>
      %dma_start3A_103 = tpu.memref_squeeze %dma_start3A_102 : memref<1x128xi32, #tpu.memory_space<vmem>> -> memref<128xi32, #tpu.memory_space<vmem>>
      %dma_start3A_104 = arith.constant 0 : i32
      %dma_start3A_105 = arith.constant 0 : i32
      %dma_start3A_106 = tpu.memref_slice %arg2[%dma_start3A_104, %dma_start3A_105] : memref<10000x128xf32, #tpu.memory_space<hbm>> -> memref<10000x128xf32, #tpu.memory_space<hbm>>
      tpu.enqueue_indirect_dma source(%dma_start3A_106 : memref<10000x128xf32, #tpu.memory_space<hbm>>) target(%arg10 : memref<128x128xf32, #tpu.memory_space<vmem>>) offsets(%dma_start3A_103 : memref<128xi32, #tpu.memory_space<vmem>>) semaphore(%arg12 : memref<!tpu.dma_semaphore, #tpu.memory_space<semaphore_mem>>)
      %add3A_107 = arith.constant 1 : i32
      %add3A_108 = arith.addi %mul3A_88, %add3A_107 : i32
      %dma_wait3A_109 = arith.constant 0 : i32
      %dma_wait3A_110 = tpu.memref_slice %arg8[%add3A_108, %dma_wait3A_109] : memref<40x128xi32, #tpu.memory_space<vmem>> -> memref<1x128xi32, #tpu.memory_space<vmem>>
      %dma_wait3A_111 = tpu.memref_squeeze %dma_wait3A_110 : memref<1x128xi32, #tpu.memory_space<vmem>> -> memref<128xi32, #tpu.memory_space<vmem>>
      %dma_wait3A_112 = arith.constant 0 : i32
      %dma_wait3A_113 = arith.constant 0 : i32
      %dma_wait3A_114 = tpu.memref_slice %arg2[%dma_wait3A_112, %dma_wait3A_113] : memref<10000x128xf32, #tpu.memory_space<hbm>> -> memref<10000x128xf32, #tpu.memory_space<hbm>>
      tpu.wait_indirect_dma semaphore(%arg13 : memref<!tpu.dma_semaphore, #tpu.memory_space<semaphore_mem>>) src(%dma_wait3A_114 : memref<10000x128xf32, #tpu.memory_space<hbm>>) dst(%arg11 : memref<128x128xf32, #tpu.memory_space<vmem>>)
      "tpu.region"() ({
        %run_scoped3A_125 = tpu.sem_alloc : memref<!tpu.dma_semaphore, #tpu.memory_space<semaphore_mem>>
        %dma_start3A_126 = arith.constant 0 : i32
        %dma_start3A_127 = tpu.memref_slice %arg9[%add3A_108, %dma_start3A_126] : memref<40x128xi32, #tpu.memory_space<vmem>> -> memref<1x128xi32, #tpu.memory_space<vmem>>
        %dma_start3A_128 = tpu.memref_squeeze %dma_start3A_127 : memref<1x128xi32, #tpu.memory_space<vmem>> -> memref<128xi32, #tpu.memory_space<vmem>>
        %dma_start3A_129 = arith.constant 0 : i32
        %dma_start3A_130 = arith.constant 0 : i32
        %dma_start3A_131 = tpu.memref_slice %arg7[%dma_start3A_129, %dma_start3A_130] : memref<10112x128xf32, #tpu.memory_space<vmem_shared>> -> memref<10112x128xf32, #tpu.memory_space<vmem_shared>>
        tpu.enqueue_indirect_dma source(%arg11 : memref<128x128xf32, #tpu.memory_space<vmem>>) target(%dma_start3A_131 : memref<10112x128xf32, #tpu.memory_space<vmem_shared>>) offsets(%dma_start3A_128 : memref<128xi32, #tpu.memory_space<vmem>>) semaphore(%run_scoped3A_125 : memref<!tpu.dma_semaphore, #tpu.memory_space<semaphore_mem>>) {add = true}
        %dma_wait3A_132 = arith.constant 0 : i32
        %dma_wait3A_133 = tpu.memref_slice %arg9[%add3A_108, %dma_wait3A_132] : memref<40x128xi32, #tpu.memory_space<vmem>> -> memref<1x128xi32, #tpu.memory_space<vmem>>
        %dma_wait3A_134 = tpu.memref_squeeze %dma_wait3A_133 : memref<1x128xi32, #tpu.memory_space<vmem>> -> memref<128xi32, #tpu.memory_space<vmem>>
        %dma_wait3A_135 = arith.constant 0 : i32
        %dma_wait3A_136 = arith.constant 0 : i32
        %dma_wait3A_137 = tpu.memref_slice %arg7[%dma_wait3A_135, %dma_wait3A_136] : memref<10112x128xf32, #tpu.memory_space<vmem_shared>> -> memref<10112x128xf32, #tpu.memory_space<vmem_shared>>
        tpu.wait_indirect_dma semaphore(%run_scoped3A_125 : memref<!tpu.dma_semaphore, #tpu.memory_space<semaphore_mem>>) src(%arg11 : memref<128x128xf32, #tpu.memory_space<vmem>>) dst(%dma_wait3A_137 : memref<10112x128xf32, #tpu.memory_space<vmem_shared>>)
        tpu.yield
      }) : () -> ()
      %add3A_115 = arith.constant 2 : i32
      %add3A_116 = arith.addi %mul3A_88, %add3A_115 : i32
      %add3A_117 = arith.constant 1 : i32
      %add3A_118 = arith.addi %add3A_116, %add3A_117 : i32
      %dma_start3A_119 = arith.constant 0 : i32
      %dma_start3A_120 = tpu.memref_slice %arg8[%add3A_118, %dma_start3A_119] : memref<40x128xi32, #tpu.memory_space<vmem>> -> memref<1x128xi32, #tpu.memory_space<vmem>>
      %dma_start3A_121 = tpu.memref_squeeze %dma_start3A_120 : memref<1x128xi32, #tpu.memory_space<vmem>> -> memref<128xi32, #tpu.memory_space<vmem>>
      %dma_start3A_122 = arith.constant 0 : i32
      %dma_start3A_123 = arith.constant 0 : i32
      %dma_start3A_124 = tpu.memref_slice %arg2[%dma_start3A_122, %dma_start3A_123] : memref<10000x128xf32, #tpu.memory_space<hbm>> -> memref<10000x128xf32, #tpu.memory_space<hbm>>
      tpu.enqueue_indirect_dma source(%dma_start3A_124 : memref<10000x128xf32, #tpu.memory_space<hbm>>) target(%arg11 : memref<128x128xf32, #tpu.memory_space<vmem>>) offsets(%dma_start3A_121 : memref<128xi32, #tpu.memory_space<vmem>>) semaphore(%arg13 : memref<!tpu.dma_semaphore, #tpu.memory_space<semaphore_mem>>)
    }
    %scan3A_64 = arith.constant 19 : i32
    %dma_wait3A_65 = arith.constant 38 : i32
    %dma_wait3A_66 = arith.constant 0 : i32
    %dma_wait3A_67 = tpu.memref_slice %arg8[%dma_wait3A_65, %dma_wait3A_66] : memref<40x128xi32, #tpu.memory_space<vmem>> -> memref<1x128xi32, #tpu.memory_space<vmem>>
    %dma_wait3A_68 = tpu.memref_squeeze %dma_wait3A_67 : memref<1x128xi32, #tpu.memory_space<vmem>> -> memref<128xi32, #tpu.memory_space<vmem>>
    %dma_wait3A_69 = arith.constant 0 : i32
    %dma_wait3A_70 = arith.constant 0 : i32
    %dma_wait3A_71 = tpu.memref_slice %arg2[%dma_wait3A_69, %dma_wait3A_70] : memref<10000x128xf32, #tpu.memory_space<hbm>> -> memref<10000x128xf32, #tpu.memory_space<hbm>>
    tpu.wait_indirect_dma semaphore(%arg12 : memref<!tpu.dma_semaphore, #tpu.memory_space<semaphore_mem>>) src(%dma_wait3A_71 : memref<10000x128xf32, #tpu.memory_space<hbm>>) dst(%arg10 : memref<128x128xf32, #tpu.memory_space<vmem>>)
    %run_scoped3A_72 = arith.constant 38 : i32
    "tpu.region"() ({
      %run_scoped3A_86 = tpu.sem_alloc : memref<!tpu.dma_semaphore, #tpu.memory_space<semaphore_mem>>
      %dma_start3A_87 = arith.constant 0 : i32
      %dma_start3A_88 = tpu.memref_slice %arg9[%run_scoped3A_72, %dma_start3A_87] : memref<40x128xi32, #tpu.memory_space<vmem>> -> memref<1x128xi32, #tpu.memory_space<vmem>>
      %dma_start3A_89 = tpu.memref_squeeze %dma_start3A_88 : memref<1x128xi32, #tpu.memory_space<vmem>> -> memref<128xi32, #tpu.memory_space<vmem>>
      %dma_start3A_90 = arith.constant 0 : i32
      %dma_start3A_91 = arith.constant 0 : i32
      %dma_start3A_92 = tpu.memref_slice %arg7[%dma_start3A_90, %dma_start3A_91] : memref<10112x128xf32, #tpu.memory_space<vmem_shared>> -> memref<10112x128xf32, #tpu.memory_space<vmem_shared>>
      tpu.enqueue_indirect_dma source(%arg10 : memref<128x128xf32, #tpu.memory_space<vmem>>) target(%dma_start3A_92 : memref<10112x128xf32, #tpu.memory_space<vmem_shared>>) offsets(%dma_start3A_89 : memref<128xi32, #tpu.memory_space<vmem>>) semaphore(%run_scoped3A_86 : memref<!tpu.dma_semaphore, #tpu.memory_space<semaphore_mem>>) {add = true}
      %dma_wait3A_93 = arith.constant 0 : i32
      %dma_wait3A_94 = tpu.memref_slice %arg9[%run_scoped3A_72, %dma_wait3A_93] : memref<40x128xi32, #tpu.memory_space<vmem>> -> memref<1x128xi32, #tpu.memory_space<vmem>>
      %dma_wait3A_95 = tpu.memref_squeeze %dma_wait3A_94 : memref<1x128xi32, #tpu.memory_space<vmem>> -> memref<128xi32, #tpu.memory_space<vmem>>
      %dma_wait3A_96 = arith.constant 0 : i32
      %dma_wait3A_97 = arith.constant 0 : i32
      %dma_wait3A_98 = tpu.memref_slice %arg7[%dma_wait3A_96, %dma_wait3A_97] : memref<10112x128xf32, #tpu.memory_space<vmem_shared>> -> memref<10112x128xf32, #tpu.memory_space<vmem_shared>>
      tpu.wait_indirect_dma semaphore(%run_scoped3A_86 : memref<!tpu.dma_semaphore, #tpu.memory_space<semaphore_mem>>) src(%arg10 : memref<128x128xf32, #tpu.memory_space<vmem>>) dst(%dma_wait3A_98 : memref<10112x128xf32, #tpu.memory_space<vmem_shared>>)
      tpu.yield
    }) : () -> ()
    %dma_wait3A_73 = arith.constant 39 : i32
    %dma_wait3A_74 = arith.constant 0 : i32
    %dma_wait3A_75 = tpu.memref_slice %arg8[%dma_wait3A_73, %dma_wait3A_74] : memref<40x128xi32, #tpu.memory_space<vmem>> -> memref<1x128xi32, #tpu.memory_space<vmem>>
    %dma_wait3A_76 = tpu.memref_squeeze %dma_wait3A_75 : memref<1x128xi32, #tpu.memory_space<vmem>> -> memref<128xi32, #tpu.memory_space<vmem>>
    %dma_wait3A_77 = arith.constant 0 : i32
    %dma_wait3A_78 = arith.constant 0 : i32
    %dma_wait3A_79 = tpu.memref_slice %arg2[%dma_wait3A_77, %dma_wait3A_78] : memref<10000x128xf32, #tpu.memory_space<hbm>> -> memref<10000x128xf32, #tpu.memory_space<hbm>>
    tpu.wait_indirect_dma semaphore(%arg13 : memref<!tpu.dma_semaphore, #tpu.memory_space<semaphore_mem>>) src(%dma_wait3A_79 : memref<10000x128xf32, #tpu.memory_space<hbm>>) dst(%arg11 : memref<128x128xf32, #tpu.memory_space<vmem>>)
    %run_scoped3A_80 = arith.constant 39 : i32
    "tpu.region"() ({
      %run_scoped3A_86 = tpu.sem_alloc : memref<!tpu.dma_semaphore, #tpu.memory_space<semaphore_mem>>
      %dma_start3A_87 = arith.constant 0 : i32
      %dma_start3A_88 = tpu.memref_slice %arg9[%run_scoped3A_80, %dma_start3A_87] : memref<40x128xi32, #tpu.memory_space<vmem>> -> memref<1x128xi32, #tpu.memory_space<vmem>>
      %dma_start3A_89 = tpu.memref_squeeze %dma_start3A_88 : memref<1x128xi32, #tpu.memory_space<vmem>> -> memref<128xi32, #tpu.memory_space<vmem>>
      %dma_start3A_90 = arith.constant 0 : i32
      %dma_start3A_91 = arith.constant 0 : i32
      %dma_start3A_92 = tpu.memref_slice %arg7[%dma_start3A_90, %dma_start3A_91] : memref<10112x128xf32, #tpu.memory_space<vmem_shared>> -> memref<10112x128xf32, #tpu.memory_space<vmem_shared>>
      tpu.enqueue_indirect_dma source(%arg11 : memref<128x128xf32, #tpu.memory_space<vmem>>) target(%dma_start3A_92 : memref<10112x128xf32, #tpu.memory_space<vmem_shared>>) offsets(%dma_start3A_89 : memref<128xi32, #tpu.memory_space<vmem>>) semaphore(%run_scoped3A_86 : memref<!tpu.dma_semaphore, #tpu.memory_space<semaphore_mem>>) {add = true}
      %dma_wait3A_93 = arith.constant 0 : i32
      %dma_wait3A_94 = tpu.memref_slice %arg9[%run_scoped3A_80, %dma_wait3A_93] : memref<40x128xi32, #tpu.memory_space<vmem>> -> memref<1x128xi32, #tpu.memory_space<vmem>>
      %dma_wait3A_95 = tpu.memref_squeeze %dma_wait3A_94 : memref<1x128xi32, #tpu.memory_space<vmem>> -> memref<128xi32, #tpu.memory_space<vmem>>
      %dma_wait3A_96 = arith.constant 0 : i32
      %dma_wait3A_97 = arith.constant 0 : i32
      %dma_wait3A_98 = tpu.memref_slice %arg7[%dma_wait3A_96, %dma_wait3A_97] : memref<10112x128xf32, #tpu.memory_space<vmem_shared>> -> memref<10112x128xf32, #tpu.memory_space<vmem_shared>>
      tpu.wait_indirect_dma semaphore(%run_scoped3A_86 : memref<!tpu.dma_semaphore, #tpu.memory_space<semaphore_mem>>) src(%arg11 : memref<128x128xf32, #tpu.memory_space<vmem>>) dst(%dma_wait3A_98 : memref<10112x128xf32, #tpu.memory_space<vmem_shared>>)
      tpu.yield
    }) : () -> ()
    %barrier3A_81 = arith.constant 0 : index
    tpu.barrier barrier_id(%barrier3A_81)
    %mul3A_82 = arith.constant 632 : i32
    %mul3A_83 = arith.muli %arg1, %mul3A_82 : i32
    %mul3A_84 = arith.constant 632 : i32
    %mul3A_85 = arith.muli %arg1, %mul3A_84 : i32
    "tpu.region"() ({
      %run_scoped3A_86 = tpu.sem_alloc : memref<!tpu.dma_semaphore, #tpu.memory_space<semaphore_mem>>
      %dma_start3A_87 = arith.constant 0 : i32
      %dma_start3A_88 = arith.constant 0 : i32
      %dma_start3A_89 = tpu.memref_slice %arg6[%arg0, %dma_start3A_87, %dma_start3A_88] : memref<2x10112x128xf32, #tpu.memory_space<hbm>> -> memref<1x10112x128xf32, #tpu.memory_space<hbm>>
      %dma_start3A_90 = tpu.memref_squeeze %dma_start3A_89 : memref<1x10112x128xf32, #tpu.memory_space<hbm>> -> memref<10112x128xf32, #tpu.memory_space<hbm>>
      %dma_start3A_91 = arith.constant 0 : i32
      %dma_start3A_92 = tpu.memref_slice %dma_start3A_90[%mul3A_85, %dma_start3A_91] : memref<10112x128xf32, #tpu.memory_space<hbm>> -> memref<632x128xf32, #tpu.memory_space<hbm>>
      %dma_start3A_93 = arith.constant 0 : i32
      %dma_start3A_94 = tpu.memref_slice %arg7[%mul3A_83, %dma_start3A_93] : memref<10112x128xf32, #tpu.memory_space<vmem_shared>> -> memref<632x128xf32, #tpu.memory_space<vmem_shared>>
      tpu.enqueue_dma source(%dma_start3A_94 : memref<632x128xf32, #tpu.memory_space<vmem_shared>>) target(%dma_start3A_92 : memref<632x128xf32, #tpu.memory_space<hbm>>) target_semaphore(%run_scoped3A_86 : memref<!tpu.dma_semaphore, #tpu.memory_space<semaphore_mem>>)
      %dma_wait3A_95 = arith.constant 0 : i32
      %dma_wait3A_96 = arith.constant 0 : i32
      %dma_wait3A_97 = tpu.memref_slice %arg6[%arg0, %dma_wait3A_95, %dma_wait3A_96] : memref<2x10112x128xf32, #tpu.memory_space<hbm>> -> memref<1x10112x128xf32, #tpu.memory_space<hbm>>
      %dma_wait3A_98 = tpu.memref_squeeze %dma_wait3A_97 : memref<1x10112x128xf32, #tpu.memory_space<hbm>> -> memref<10112x128xf32, #tpu.memory_space<hbm>>
      %dma_wait3A_99 = arith.constant 0 : i32
      %dma_wait3A_100 = tpu.memref_slice %dma_wait3A_98[%mul3A_85, %dma_wait3A_99] : memref<10112x128xf32, #tpu.memory_space<hbm>> -> memref<632x128xf32, #tpu.memory_space<hbm>>
      %dma_wait3A_101 = arith.constant 0 : i32
      %dma_wait3A_102 = tpu.memref_slice %arg7[%mul3A_83, %dma_wait3A_101] : memref<10112x128xf32, #tpu.memory_space<vmem_shared>> -> memref<632x128xf32, #tpu.memory_space<vmem_shared>>
      tpu.wait_dma2 semaphore(%run_scoped3A_86 : memref<!tpu.dma_semaphore, #tpu.memory_space<semaphore_mem>>) src(%dma_wait3A_102 : memref<632x128xf32, #tpu.memory_space<vmem_shared>>) dst(%dma_wait3A_100 : memref<632x128xf32, #tpu.memory_space<hbm>>)
      tpu.yield
    }) : () -> ()
    return
  }
}

#map = affine_map<(d0, d1) -> (0, 0)>
#map1 = affine_map<(d0, d1) -> (0, 0, 0)>
module attributes {stable_mosaic.version = 14 : i64} {
  func.func @_sc_scatter_add(%arg0: i32, %arg1: i32, %arg2: memref<10000x128xf32, #tpu.memory_space<hbm>>, %arg3: memref<2560x128xi32, #tpu.memory_space<hbm>>, %arg4: memref<2560x128xi32, #tpu.memory_space<hbm>>, %arg5: memref<10112x128xf32, #tpu.memory_space<hbm>>, %arg6: memref<2x10112x128xf32, #tpu.memory_space<hbm>>, %arg7: memref<10112x128xf32, #tpu.memory_space<vmem_shared>>, %arg8: memref<40x128xi32, #tpu.memory_space<vmem>>, %arg9: memref<40x128xi32, #tpu.memory_space<vmem>>, %arg10: memref<128x128xf32, #tpu.memory_space<vmem>>, %arg11: memref<128x128xf32, #tpu.memory_space<vmem>>, %arg12: memref<!tpu.dma_semaphore, #tpu.memory_space<semaphore_mem>>, %arg13: memref<!tpu.dma_semaphore, #tpu.memory_space<semaphore_mem>>) attributes {dimension_semantics = [#tpu.dimension_semantics<core_parallel>, #tpu.dimension_semantics<subcore_parallel>], iteration_bounds = array<i64: 2, 16>, scalar_prefetch = 0 : i64, scratch_operands = 7 : i64, tpu.core_type = #tpu.core_type<sc_vector_subcore>, window_params = [{transform_indices = #map}, {transform_indices = #map}, {transform_indices = #map}, {transform_indices = #map}, {transform_indices = #map1}]} {
    %mul3A = arith.constant 2 : i32
    %mul3A_0 = arith.muli %arg1, %mul3A : i32
    %add3A = arith.addi %mul3A_0, %arg0 : i32
    %mul3A_1 = arith.constant 632 : i32
    %mul3A_2 = arith.muli %arg1, %mul3A_1 : i32
    %mul3A_3 = arith.constant 632 : i32
    %mul3A_4 = arith.muli %arg1, %mul3A_3 : i32
    "tpu.region"() ({
      %run_scoped3A_86 = tpu.sem_alloc : memref<!tpu.dma_semaphore, #tpu.memory_space<semaphore_mem>>
      %dma_start3A_87 = arith.constant 0 : i32
      %dma_start3A_88 = tpu.memref_slice %arg7[%mul3A_4, %dma_start3A_87] : memref<10112x128xf32, #tpu.memory_space<vmem_shared>> -> memref<632x128xf32, #tpu.memory_space<vmem_shared>>
      %dma_start3A_89 = arith.constant 0 : i32
      %dma_start3A_90 = tpu.memref_slice %arg5[%mul3A_2, %dma_start3A_89] : memref<10112x128xf32, #tpu.memory_space<hbm>> -> memref<632x128xf32, #tpu.memory_space<hbm>>
      tpu.enqueue_dma source(%dma_start3A_90 : memref<632x128xf32, #tpu.memory_space<hbm>>) target(%dma_start3A_88 : memref<632x128xf32, #tpu.memory_space<vmem_shared>>) target_semaphore(%run_scoped3A_86 : memref<!tpu.dma_semaphore, #tpu.memory_space<semaphore_mem>>)
      %dma_wait3A_91 = arith.constant 0 : i32
      %dma_wait3A_92 = tpu.memref_slice %arg7[%mul3A_4, %dma_wait3A_91] : memref<10112x128xf32, #tpu.memory_space<vmem_shared>> -> memref<632x128xf32, #tpu.memory_space<vmem_shared>>
      %dma_wait3A_93 = arith.constant 0 : i32
      %dma_wait3A_94 = tpu.memref_slice %arg5[%mul3A_2, %dma_wait3A_93] : memref<10112x128xf32, #tpu.memory_space<hbm>> -> memref<632x128xf32, #tpu.memory_space<hbm>>
      tpu.wait_dma2 semaphore(%run_scoped3A_86 : memref<!tpu.dma_semaphore, #tpu.memory_space<semaphore_mem>>) src(%dma_wait3A_94 : memref<632x128xf32, #tpu.memory_space<hbm>>) dst(%dma_wait3A_92 : memref<632x128xf32, #tpu.memory_space<vmem_shared>>)
      tpu.yield
    }) : () -> ()
    %barrier3A = arith.constant 0 : index
    tpu.barrier barrier_id(%barrier3A)
    %mul3A_5 = arith.constant 80 : i32
    %mul3A_6 = arith.muli %add3A, %mul3A_5 : i32
    %add3A_7 = arith.constant 0 : i32
    %add3A_8 = arith.addi %mul3A_6, %add3A_7 : i32
    "tpu.region"() ({
      %run_scoped3A_86 = tpu.sem_alloc : memref<!tpu.dma_semaphore, #tpu.memory_space<semaphore_mem>>
      %dma_start3A_87 = arith.constant 0 : i32
      %dma_start3A_88 = tpu.memref_slice %arg3[%add3A_8, %dma_start3A_87] : memref<2560x128xi32, #tpu.memory_space<hbm>> -> memref<40x128xi32, #tpu.memory_space<hbm>>
      %dma_start3A_89 = arith.constant 0 : i32
      %dma_start3A_90 = tpu.memref_slice %arg3[%add3A_8, %dma_start3A_89] : memref<2560x128xi32, #tpu.memory_space<hbm>> -> memref<40x128xi32, #tpu.memory_space<hbm>>
      tpu.enqueue_dma source(%dma_start3A_90 : memref<40x128xi32, #tpu.memory_space<hbm>>) target(%arg8 : memref<40x128xi32, #tpu.memory_space<vmem>>) target_semaphore(%run_scoped3A_86 : memref<!tpu.dma_semaphore, #tpu.memory_space<semaphore_mem>>)
      %dma_wait3A_91 = arith.constant 0 : i32
      %dma_wait3A_92 = tpu.memref_slice %arg3[%add3A_8, %dma_wait3A_91] : memref<2560x128xi32, #tpu.memory_space<hbm>> -> memref<40x128xi32, #tpu.memory_space<hbm>>
      %dma_wait3A_93 = arith.constant 0 : i32
      %dma_wait3A_94 = tpu.memref_slice %arg3[%add3A_8, %dma_wait3A_93] : memref<2560x128xi32, #tpu.memory_space<hbm>> -> memref<40x128xi32, #tpu.memory_space<hbm>>
      tpu.wait_dma2 semaphore(%run_scoped3A_86 : memref<!tpu.dma_semaphore, #tpu.memory_space<semaphore_mem>>) src(%dma_wait3A_94 : memref<40x128xi32, #tpu.memory_space<hbm>>) dst(%arg8 : memref<40x128xi32, #tpu.memory_space<vmem>>)
      tpu.yield
    }) : () -> ()
    "tpu.region"() ({
      %run_scoped3A_86 = tpu.sem_alloc : memref<!tpu.dma_semaphore, #tpu.memory_space<semaphore_mem>>
      %dma_start3A_87 = arith.constant 0 : i32
      %dma_start3A_88 = tpu.memref_slice %arg4[%add3A_8, %dma_start3A_87] : memref<2560x128xi32, #tpu.memory_space<hbm>> -> memref<40x128xi32, #tpu.memory_space<hbm>>
      %dma_start3A_89 = arith.constant 0 : i32
      %dma_start3A_90 = tpu.memref_slice %arg4[%add3A_8, %dma_start3A_89] : memref<2560x128xi32, #tpu.memory_space<hbm>> -> memref<40x128xi32, #tpu.memory_space<hbm>>
      tpu.enqueue_dma source(%dma_start3A_90 : memref<40x128xi32, #tpu.memory_space<hbm>>) target(%arg9 : memref<40x128xi32, #tpu.memory_space<vmem>>) target_semaphore(%run_scoped3A_86 : memref<!tpu.dma_semaphore, #tpu.memory_space<semaphore_mem>>)
      %dma_wait3A_91 = arith.constant 0 : i32
      %dma_wait3A_92 = tpu.memref_slice %arg4[%add3A_8, %dma_wait3A_91] : memref<2560x128xi32, #tpu.memory_space<hbm>> -> memref<40x128xi32, #tpu.memory_space<hbm>>
      %dma_wait3A_93 = arith.constant 0 : i32
      %dma_wait3A_94 = tpu.memref_slice %arg4[%add3A_8, %dma_wait3A_93] : memref<2560x128xi32, #tpu.memory_space<hbm>> -> memref<40x128xi32, #tpu.memory_space<hbm>>
      tpu.wait_dma2 semaphore(%run_scoped3A_86 : memref<!tpu.dma_semaphore, #tpu.memory_space<semaphore_mem>>) src(%dma_wait3A_94 : memref<40x128xi32, #tpu.memory_space<hbm>>) dst(%arg9 : memref<40x128xi32, #tpu.memory_space<vmem>>)
      tpu.yield
    }) : () -> ()
    %dma_start3A = arith.constant 0 : i32
    %dma_start3A_9 = arith.constant 0 : i32
    %dma_start3A_10 = tpu.memref_slice %arg8[%dma_start3A, %dma_start3A_9] : memref<40x128xi32, #tpu.memory_space<vmem>> -> memref<1x128xi32, #tpu.memory_space<vmem>>
    %dma_start3A_11 = tpu.memref_squeeze %dma_start3A_10 : memref<1x128xi32, #tpu.memory_space<vmem>> -> memref<128xi32, #tpu.memory_space<vmem>>
    %dma_start3A_12 = arith.constant 0 : i32
    %dma_start3A_13 = arith.constant 0 : i32
    %dma_start3A_14 = tpu.memref_slice %arg2[%dma_start3A_12, %dma_start3A_13] : memref<10000x128xf32, #tpu.memory_space<hbm>> -> memref<10000x128xf32, #tpu.memory_space<hbm>>
    tpu.enqueue_indirect_dma source(%dma_start3A_14 : memref<10000x128xf32, #tpu.memory_space<hbm>>) target(%arg10 : memref<128x128xf32, #tpu.memory_space<vmem>>) offsets(%dma_start3A_11 : memref<128xi32, #tpu.memory_space<vmem>>) semaphore(%arg12 : memref<!tpu.dma_semaphore, #tpu.memory_space<semaphore_mem>>)
    %dma_start3A_15 = arith.constant 1 : i32
    %dma_start3A_16 = arith.constant 0 : i32
    %dma_start3A_17 = tpu.memref_slice %arg8[%dma_start3A_15, %dma_start3A_16] : memref<40x128xi32, #tpu.memory_space<vmem>> -> memref<1x128xi32, #tpu.memory_space<vmem>>
    %dma_start3A_18 = tpu.memref_squeeze %dma_start3A_17 : memref<1x128xi32, #tpu.memory_space<vmem>> -> memref<128xi32, #tpu.memory_space<vmem>>
    %dma_start3A_19 = arith.constant 0 : i32
    %dma_start3A_20 = arith.constant 0 : i32
    %dma_start3A_21 = tpu.memref_slice %arg2[%dma_start3A_19, %dma_start3A_20] : memref<10000x128xf32, #tpu.memory_space<hbm>> -> memref<10000x128xf32, #tpu.memory_space<hbm>>
    tpu.enqueue_indirect_dma source(%dma_start3A_21 : memref<10000x128xf32, #tpu.memory_space<hbm>>) target(%arg11 : memref<128x128xf32, #tpu.memory_space<vmem>>) offsets(%dma_start3A_18 : memref<128xi32, #tpu.memory_space<vmem>>) semaphore(%arg13 : memref<!tpu.dma_semaphore, #tpu.memory_space<semaphore_mem>>)
    %scan3A = arith.constant 0 : i32
    %scan3A_22 = arith.constant 0 : i32
    %scan3A_23 = arith.constant 19 : i32
    %scan3A_24 = arith.addi %scan3A_22, %scan3A_23 : i32
    %scan3A_25 = arith.constant 1 : i32
    scf.for %scan3A_86 = %scan3A_22 to %scan3A_24 step %scan3A_25  : i32 {
      %mul3A_87 = arith.constant 2 : i32
      %mul3A_88 = arith.muli %scan3A_86, %mul3A_87 : i32
      %add3A_89 = arith.constant 0 : i32
      %add3A_90 = arith.addi %mul3A_88, %add3A_89 : i32
      %dma_wait3A_91 = arith.constant 0 : i32
      %dma_wait3A_92 = tpu.memref_slice %arg8[%add3A_90, %dma_wait3A_91] : memref<40x128xi32, #tpu.memory_space<vmem>> -> memref<1x128xi32, #tpu.memory_space<vmem>>
      %dma_wait3A_93 = tpu.memref_squeeze %dma_wait3A_92 : memref<1x128xi32, #tpu.memory_space<vmem>> -> memref<128xi32, #tpu.memory_space<vmem>>
      %dma_wait3A_94 = arith.constant 0 : i32
      %dma_wait3A_95 = arith.constant 0 : i32
      %dma_wait3A_96 = tpu.memref_slice %arg2[%dma_wait3A_94, %dma_wait3A_95] : memref<10000x128xf32, #tpu.memory_space<hbm>> -> memref<10000x128xf32, #tpu.memory_space<hbm>>
      tpu.wait_indirect_dma semaphore(%arg12 : memref<!tpu.dma_semaphore, #tpu.memory_space<semaphore_mem>>) src(%dma_wait3A_96 : memref<10000x128xf32, #tpu.memory_space<hbm>>) dst(%arg10 : memref<128x128xf32, #tpu.memory_space<vmem>>)
      "tpu.region"() ({
        %run_scoped3A_125 = tpu.sem_alloc : memref<!tpu.dma_semaphore, #tpu.memory_space<semaphore_mem>>
        %dma_start3A_126 = arith.constant 0 : i32
        %dma_start3A_127 = tpu.memref_slice %arg9[%add3A_90, %dma_start3A_126] : memref<40x128xi32, #tpu.memory_space<vmem>> -> memref<1x128xi32, #tpu.memory_space<vmem>>
        %dma_start3A_128 = tpu.memref_squeeze %dma_start3A_127 : memref<1x128xi32, #tpu.memory_space<vmem>> -> memref<128xi32, #tpu.memory_space<vmem>>
        %dma_start3A_129 = arith.constant 0 : i32
        %dma_start3A_130 = arith.constant 0 : i32
        %dma_start3A_131 = tpu.memref_slice %arg7[%dma_start3A_129, %dma_start3A_130] : memref<10112x128xf32, #tpu.memory_space<vmem_shared>> -> memref<10112x128xf32, #tpu.memory_space<vmem_shared>>
        tpu.enqueue_indirect_dma source(%arg10 : memref<128x128xf32, #tpu.memory_space<vmem>>) target(%dma_start3A_131 : memref<10112x128xf32, #tpu.memory_space<vmem_shared>>) offsets(%dma_start3A_128 : memref<128xi32, #tpu.memory_space<vmem>>) semaphore(%run_scoped3A_125 : memref<!tpu.dma_semaphore, #tpu.memory_space<semaphore_mem>>) {add = true}
        %dma_wait3A_132 = arith.constant 0 : i32
        %dma_wait3A_133 = tpu.memref_slice %arg9[%add3A_90, %dma_wait3A_132] : memref<40x128xi32, #tpu.memory_space<vmem>> -> memref<1x128xi32, #tpu.memory_space<vmem>>
        %dma_wait3A_134 = tpu.memref_squeeze %dma_wait3A_133 : memref<1x128xi32, #tpu.memory_space<vmem>> -> memref<128xi32, #tpu.memory_space<vmem>>
        %dma_wait3A_135 = arith.constant 0 : i32
        %dma_wait3A_136 = arith.constant 0 : i32
        %dma_wait3A_137 = tpu.memref_slice %arg7[%dma_wait3A_135, %dma_wait3A_136] : memref<10112x128xf32, #tpu.memory_space<vmem_shared>> -> memref<10112x128xf32, #tpu.memory_space<vmem_shared>>
        tpu.wait_indirect_dma semaphore(%run_scoped3A_125 : memref<!tpu.dma_semaphore, #tpu.memory_space<semaphore_mem>>) src(%arg10 : memref<128x128xf32, #tpu.memory_space<vmem>>) dst(%dma_wait3A_137 : memref<10112x128xf32, #tpu.memory_space<vmem_shared>>)
        tpu.yield
      }) : () -> ()
      %add3A_97 = arith.constant 2 : i32
      %add3A_98 = arith.addi %mul3A_88, %add3A_97 : i32
      %add3A_99 = arith.constant 0 : i32
      %add3A_100 = arith.addi %add3A_98, %add3A_99 : i32
      %dma_start3A_101 = arith.constant 0 : i32
      %dma_start3A_102 = tpu.memref_slice %arg8[%add3A_100, %dma_start3A_101] : memref<40x128xi32, #tpu.memory_space<vmem>> -> memref<1x128xi32, #tpu.memory_space<vmem>>
      %dma_start3A_103 = tpu.memref_squeeze %dma_start3A_102 : memref<1x128xi32, #tpu.memory_space<vmem>> -> memref<128xi32, #tpu.memory_space<vmem>>
      %dma_start3A_104 = arith.constant 0 : i32
      %dma_start3A_105 = arith.constant 0 : i32
      %dma_start3A_106 = tpu.memref_slice %arg2[%dma_start3A_104, %dma_start3A_105] : memref<10000x128xf32, #tpu.memory_space<hbm>> -> memref<10000x128xf32, #tpu.memory_space<hbm>>
      tpu.enqueue_indirect_dma source(%dma_start3A_106 : memref<10000x128xf32, #tpu.memory_space<hbm>>) target(%arg10 : memref<128x128xf32, #tpu.memory_space<vmem>>) offsets(%dma_start3A_103 : memref<128xi32, #tpu.memory_space<vmem>>) semaphore(%arg12 : memref<!tpu.dma_semaphore, #tpu.memory_space<semaphore_mem>>)
      %add3A_107 = arith.constant 1 : i32
      %add3A_108 = arith.addi %mul3A_88, %add3A_107 : i32
      %dma_wait3A_109 = arith.constant 0 : i32
      %dma_wait3A_110 = tpu.memref_slice %arg8[%add3A_108, %dma_wait3A_109] : memref<40x128xi32, #tpu.memory_space<vmem>> -> memref<1x128xi32, #tpu.memory_space<vmem>>
      %dma_wait3A_111 = tpu.memref_squeeze %dma_wait3A_110 : memref<1x128xi32, #tpu.memory_space<vmem>> -> memref<128xi32, #tpu.memory_space<vmem>>
      %dma_wait3A_112 = arith.constant 0 : i32
      %dma_wait3A_113 = arith.constant 0 : i32
      %dma_wait3A_114 = tpu.memref_slice %arg2[%dma_wait3A_112, %dma_wait3A_113] : memref<10000x128xf32, #tpu.memory_space<hbm>> -> memref<10000x128xf32, #tpu.memory_space<hbm>>
      tpu.wait_indirect_dma semaphore(%arg13 : memref<!tpu.dma_semaphore, #tpu.memory_space<semaphore_mem>>) src(%dma_wait3A_114 : memref<10000x128xf32, #tpu.memory_space<hbm>>) dst(%arg11 : memref<128x128xf32, #tpu.memory_space<vmem>>)
      "tpu.region"() ({
        %run_scoped3A_125 = tpu.sem_alloc : memref<!tpu.dma_semaphore, #tpu.memory_space<semaphore_mem>>
        %dma_start3A_126 = arith.constant 0 : i32
        %dma_start3A_127 = tpu.memref_slice %arg9[%add3A_108, %dma_start3A_126] : memref<40x128xi32, #tpu.memory_space<vmem>> -> memref<1x128xi32, #tpu.memory_space<vmem>>
        %dma_start3A_128 = tpu.memref_squeeze %dma_start3A_127 : memref<1x128xi32, #tpu.memory_space<vmem>> -> memref<128xi32, #tpu.memory_space<vmem>>
        %dma_start3A_129 = arith.constant 0 : i32
        %dma_start3A_130 = arith.constant 0 : i32
        %dma_start3A_131 = tpu.memref_slice %arg7[%dma_start3A_129, %dma_start3A_130] : memref<10112x128xf32, #tpu.memory_space<vmem_shared>> -> memref<10112x128xf32, #tpu.memory_space<vmem_shared>>
        tpu.enqueue_indirect_dma source(%arg11 : memref<128x128xf32, #tpu.memory_space<vmem>>) target(%dma_start3A_131 : memref<10112x128xf32, #tpu.memory_space<vmem_shared>>) offsets(%dma_start3A_128 : memref<128xi32, #tpu.memory_space<vmem>>) semaphore(%run_scoped3A_125 : memref<!tpu.dma_semaphore, #tpu.memory_space<semaphore_mem>>) {add = true}
        %dma_wait3A_132 = arith.constant 0 : i32
        %dma_wait3A_133 = tpu.memref_slice %arg9[%add3A_108, %dma_wait3A_132] : memref<40x128xi32, #tpu.memory_space<vmem>> -> memref<1x128xi32, #tpu.memory_space<vmem>>
        %dma_wait3A_134 = tpu.memref_squeeze %dma_wait3A_133 : memref<1x128xi32, #tpu.memory_space<vmem>> -> memref<128xi32, #tpu.memory_space<vmem>>
        %dma_wait3A_135 = arith.constant 0 : i32
        %dma_wait3A_136 = arith.constant 0 : i32
        %dma_wait3A_137 = tpu.memref_slice %arg7[%dma_wait3A_135, %dma_wait3A_136] : memref<10112x128xf32, #tpu.memory_space<vmem_shared>> -> memref<10112x128xf32, #tpu.memory_space<vmem_shared>>
        tpu.wait_indirect_dma semaphore(%run_scoped3A_125 : memref<!tpu.dma_semaphore, #tpu.memory_space<semaphore_mem>>) src(%arg11 : memref<128x128xf32, #tpu.memory_space<vmem>>) dst(%dma_wait3A_137 : memref<10112x128xf32, #tpu.memory_space<vmem_shared>>)
        tpu.yield
      }) : () -> ()
      %add3A_115 = arith.constant 2 : i32
      %add3A_116 = arith.addi %mul3A_88, %add3A_115 : i32
      %add3A_117 = arith.constant 1 : i32
      %add3A_118 = arith.addi %add3A_116, %add3A_117 : i32
      %dma_start3A_119 = arith.constant 0 : i32
      %dma_start3A_120 = tpu.memref_slice %arg8[%add3A_118, %dma_start3A_119] : memref<40x128xi32, #tpu.memory_space<vmem>> -> memref<1x128xi32, #tpu.memory_space<vmem>>
      %dma_start3A_121 = tpu.memref_squeeze %dma_start3A_120 : memref<1x128xi32, #tpu.memory_space<vmem>> -> memref<128xi32, #tpu.memory_space<vmem>>
      %dma_start3A_122 = arith.constant 0 : i32
      %dma_start3A_123 = arith.constant 0 : i32
      %dma_start3A_124 = tpu.memref_slice %arg2[%dma_start3A_122, %dma_start3A_123] : memref<10000x128xf32, #tpu.memory_space<hbm>> -> memref<10000x128xf32, #tpu.memory_space<hbm>>
      tpu.enqueue_indirect_dma source(%dma_start3A_124 : memref<10000x128xf32, #tpu.memory_space<hbm>>) target(%arg11 : memref<128x128xf32, #tpu.memory_space<vmem>>) offsets(%dma_start3A_121 : memref<128xi32, #tpu.memory_space<vmem>>) semaphore(%arg13 : memref<!tpu.dma_semaphore, #tpu.memory_space<semaphore_mem>>)
    }
    %scan3A_26 = arith.constant 19 : i32
    %dma_wait3A = arith.constant 38 : i32
    %dma_wait3A_27 = arith.constant 0 : i32
    %dma_wait3A_28 = tpu.memref_slice %arg8[%dma_wait3A, %dma_wait3A_27] : memref<40x128xi32, #tpu.memory_space<vmem>> -> memref<1x128xi32, #tpu.memory_space<vmem>>
    %dma_wait3A_29 = tpu.memref_squeeze %dma_wait3A_28 : memref<1x128xi32, #tpu.memory_space<vmem>> -> memref<128xi32, #tpu.memory_space<vmem>>
    %dma_wait3A_30 = arith.constant 0 : i32
    %dma_wait3A_31 = arith.constant 0 : i32
    %dma_wait3A_32 = tpu.memref_slice %arg2[%dma_wait3A_30, %dma_wait3A_31] : memref<10000x128xf32, #tpu.memory_space<hbm>> -> memref<10000x128xf32, #tpu.memory_space<hbm>>
    tpu.wait_indirect_dma semaphore(%arg12 : memref<!tpu.dma_semaphore, #tpu.memory_space<semaphore_mem>>) src(%dma_wait3A_32 : memref<10000x128xf32, #tpu.memory_space<hbm>>) dst(%arg10 : memref<128x128xf32, #tpu.memory_space<vmem>>)
    %run_scoped3A = arith.constant 38 : i32
    "tpu.region"() ({
      %run_scoped3A_86 = tpu.sem_alloc : memref<!tpu.dma_semaphore, #tpu.memory_space<semaphore_mem>>
      %dma_start3A_87 = arith.constant 0 : i32
      %dma_start3A_88 = tpu.memref_slice %arg9[%run_scoped3A, %dma_start3A_87] : memref<40x128xi32, #tpu.memory_space<vmem>> -> memref<1x128xi32, #tpu.memory_space<vmem>>
      %dma_start3A_89 = tpu.memref_squeeze %dma_start3A_88 : memref<1x128xi32, #tpu.memory_space<vmem>> -> memref<128xi32, #tpu.memory_space<vmem>>
      %dma_start3A_90 = arith.constant 0 : i32
      %dma_start3A_91 = arith.constant 0 : i32
      %dma_start3A_92 = tpu.memref_slice %arg7[%dma_start3A_90, %dma_start3A_91] : memref<10112x128xf32, #tpu.memory_space<vmem_shared>> -> memref<10112x128xf32, #tpu.memory_space<vmem_shared>>
      tpu.enqueue_indirect_dma source(%arg10 : memref<128x128xf32, #tpu.memory_space<vmem>>) target(%dma_start3A_92 : memref<10112x128xf32, #tpu.memory_space<vmem_shared>>) offsets(%dma_start3A_89 : memref<128xi32, #tpu.memory_space<vmem>>) semaphore(%run_scoped3A_86 : memref<!tpu.dma_semaphore, #tpu.memory_space<semaphore_mem>>) {add = true}
      %dma_wait3A_93 = arith.constant 0 : i32
      %dma_wait3A_94 = tpu.memref_slice %arg9[%run_scoped3A, %dma_wait3A_93] : memref<40x128xi32, #tpu.memory_space<vmem>> -> memref<1x128xi32, #tpu.memory_space<vmem>>
      %dma_wait3A_95 = tpu.memref_squeeze %dma_wait3A_94 : memref<1x128xi32, #tpu.memory_space<vmem>> -> memref<128xi32, #tpu.memory_space<vmem>>
      %dma_wait3A_96 = arith.constant 0 : i32
      %dma_wait3A_97 = arith.constant 0 : i32
      %dma_wait3A_98 = tpu.memref_slice %arg7[%dma_wait3A_96, %dma_wait3A_97] : memref<10112x128xf32, #tpu.memory_space<vmem_shared>> -> memref<10112x128xf32, #tpu.memory_space<vmem_shared>>
      tpu.wait_indirect_dma semaphore(%run_scoped3A_86 : memref<!tpu.dma_semaphore, #tpu.memory_space<semaphore_mem>>) src(%arg10 : memref<128x128xf32, #tpu.memory_space<vmem>>) dst(%dma_wait3A_98 : memref<10112x128xf32, #tpu.memory_space<vmem_shared>>)
      tpu.yield
    }) : () -> ()
    %dma_wait3A_33 = arith.constant 39 : i32
    %dma_wait3A_34 = arith.constant 0 : i32
    %dma_wait3A_35 = tpu.memref_slice %arg8[%dma_wait3A_33, %dma_wait3A_34] : memref<40x128xi32, #tpu.memory_space<vmem>> -> memref<1x128xi32, #tpu.memory_space<vmem>>
    %dma_wait3A_36 = tpu.memref_squeeze %dma_wait3A_35 : memref<1x128xi32, #tpu.memory_space<vmem>> -> memref<128xi32, #tpu.memory_space<vmem>>
    %dma_wait3A_37 = arith.constant 0 : i32
    %dma_wait3A_38 = arith.constant 0 : i32
    %dma_wait3A_39 = tpu.memref_slice %arg2[%dma_wait3A_37, %dma_wait3A_38] : memref<10000x128xf32, #tpu.memory_space<hbm>> -> memref<10000x128xf32, #tpu.memory_space<hbm>>
    tpu.wait_indirect_dma semaphore(%arg13 : memref<!tpu.dma_semaphore, #tpu.memory_space<semaphore_mem>>) src(%dma_wait3A_39 : memref<10000x128xf32, #tpu.memory_space<hbm>>) dst(%arg11 : memref<128x128xf32, #tpu.memory_space<vmem>>)
    %run_scoped3A_40 = arith.constant 39 : i32
    "tpu.region"() ({
      %run_scoped3A_86 = tpu.sem_alloc : memref<!tpu.dma_semaphore, #tpu.memory_space<semaphore_mem>>
      %dma_start3A_87 = arith.constant 0 : i32
      %dma_start3A_88 = tpu.memref_slice %arg9[%run_scoped3A_40, %dma_start3A_87] : memref<40x128xi32, #tpu.memory_space<vmem>> -> memref<1x128xi32, #tpu.memory_space<vmem>>
      %dma_start3A_89 = tpu.memref_squeeze %dma_start3A_88 : memref<1x128xi32, #tpu.memory_space<vmem>> -> memref<128xi32, #tpu.memory_space<vmem>>
      %dma_start3A_90 = arith.constant 0 : i32
      %dma_start3A_91 = arith.constant 0 : i32
      %dma_start3A_92 = tpu.memref_slice %arg7[%dma_start3A_90, %dma_start3A_91] : memref<10112x128xf32, #tpu.memory_space<vmem_shared>> -> memref<10112x128xf32, #tpu.memory_space<vmem_shared>>
      tpu.enqueue_indirect_dma source(%arg11 : memref<128x128xf32, #tpu.memory_space<vmem>>) target(%dma_start3A_92 : memref<10112x128xf32, #tpu.memory_space<vmem_shared>>) offsets(%dma_start3A_89 : memref<128xi32, #tpu.memory_space<vmem>>) semaphore(%run_scoped3A_86 : memref<!tpu.dma_semaphore, #tpu.memory_space<semaphore_mem>>) {add = true}
      %dma_wait3A_93 = arith.constant 0 : i32
      %dma_wait3A_94 = tpu.memref_slice %arg9[%run_scoped3A_40, %dma_wait3A_93] : memref<40x128xi32, #tpu.memory_space<vmem>> -> memref<1x128xi32, #tpu.memory_space<vmem>>
      %dma_wait3A_95 = tpu.memref_squeeze %dma_wait3A_94 : memref<1x128xi32, #tpu.memory_space<vmem>> -> memref<128xi32, #tpu.memory_space<vmem>>
      %dma_wait3A_96 = arith.constant 0 : i32
      %dma_wait3A_97 = arith.constant 0 : i32
      %dma_wait3A_98 = tpu.memref_slice %arg7[%dma_wait3A_96, %dma_wait3A_97] : memref<10112x128xf32, #tpu.memory_space<vmem_shared>> -> memref<10112x128xf32, #tpu.memory_space<vmem_shared>>
      tpu.wait_indirect_dma semaphore(%run_scoped3A_86 : memref<!tpu.dma_semaphore, #tpu.memory_space<semaphore_mem>>) src(%arg11 : memref<128x128xf32, #tpu.memory_space<vmem>>) dst(%dma_wait3A_98 : memref<10112x128xf32, #tpu.memory_space<vmem_shared>>)
      tpu.yield
    }) : () -> ()
    %mul3A_41 = arith.constant 80 : i32
    %mul3A_42 = arith.muli %add3A, %mul3A_41 : i32
    %add3A_43 = arith.constant 40 : i32
    %add3A_44 = arith.addi %mul3A_42, %add3A_43 : i32
    "tpu.region"() ({
      %run_scoped3A_86 = tpu.sem_alloc : memref<!tpu.dma_semaphore, #tpu.memory_space<semaphore_mem>>
      %dma_start3A_87 = arith.constant 0 : i32
      %dma_start3A_88 = tpu.memref_slice %arg3[%add3A_44, %dma_start3A_87] : memref<2560x128xi32, #tpu.memory_space<hbm>> -> memref<40x128xi32, #tpu.memory_space<hbm>>
      %dma_start3A_89 = arith.constant 0 : i32
      %dma_start3A_90 = tpu.memref_slice %arg3[%add3A_44, %dma_start3A_89] : memref<2560x128xi32, #tpu.memory_space<hbm>> -> memref<40x128xi32, #tpu.memory_space<hbm>>
      tpu.enqueue_dma source(%dma_start3A_90 : memref<40x128xi32, #tpu.memory_space<hbm>>) target(%arg8 : memref<40x128xi32, #tpu.memory_space<vmem>>) target_semaphore(%run_scoped3A_86 : memref<!tpu.dma_semaphore, #tpu.memory_space<semaphore_mem>>)
      %dma_wait3A_91 = arith.constant 0 : i32
      %dma_wait3A_92 = tpu.memref_slice %arg3[%add3A_44, %dma_wait3A_91] : memref<2560x128xi32, #tpu.memory_space<hbm>> -> memref<40x128xi32, #tpu.memory_space<hbm>>
      %dma_wait3A_93 = arith.constant 0 : i32
      %dma_wait3A_94 = tpu.memref_slice %arg3[%add3A_44, %dma_wait3A_93] : memref<2560x128xi32, #tpu.memory_space<hbm>> -> memref<40x128xi32, #tpu.memory_space<hbm>>
      tpu.wait_dma2 semaphore(%run_scoped3A_86 : memref<!tpu.dma_semaphore, #tpu.memory_space<semaphore_mem>>) src(%dma_wait3A_94 : memref<40x128xi32, #tpu.memory_space<hbm>>) dst(%arg8 : memref<40x128xi32, #tpu.memory_space<vmem>>)
      tpu.yield
    }) : () -> ()
    "tpu.region"() ({
      %run_scoped3A_86 = tpu.sem_alloc : memref<!tpu.dma_semaphore, #tpu.memory_space<semaphore_mem>>
      %dma_start3A_87 = arith.constant 0 : i32
      %dma_start3A_88 = tpu.memref_slice %arg4[%add3A_44, %dma_start3A_87] : memref<2560x128xi32, #tpu.memory_space<hbm>> -> memref<40x128xi32, #tpu.memory_space<hbm>>
      %dma_start3A_89 = arith.constant 0 : i32
      %dma_start3A_90 = tpu.memref_slice %arg4[%add3A_44, %dma_start3A_89] : memref<2560x128xi32, #tpu.memory_space<hbm>> -> memref<40x128xi32, #tpu.memory_space<hbm>>
      tpu.enqueue_dma source(%dma_start3A_90 : memref<40x128xi32, #tpu.memory_space<hbm>>) target(%arg9 : memref<40x128xi32, #tpu.memory_space<vmem>>) target_semaphore(%run_scoped3A_86 : memref<!tpu.dma_semaphore, #tpu.memory_space<semaphore_mem>>)
      %dma_wait3A_91 = arith.constant 0 : i32
      %dma_wait3A_92 = tpu.memref_slice %arg4[%add3A_44, %dma_wait3A_91] : memref<2560x128xi32, #tpu.memory_space<hbm>> -> memref<40x128xi32, #tpu.memory_space<hbm>>
      %dma_wait3A_93 = arith.constant 0 : i32
      %dma_wait3A_94 = tpu.memref_slice %arg4[%add3A_44, %dma_wait3A_93] : memref<2560x128xi32, #tpu.memory_space<hbm>> -> memref<40x128xi32, #tpu.memory_space<hbm>>
      tpu.wait_dma2 semaphore(%run_scoped3A_86 : memref<!tpu.dma_semaphore, #tpu.memory_space<semaphore_mem>>) src(%dma_wait3A_94 : memref<40x128xi32, #tpu.memory_space<hbm>>) dst(%arg9 : memref<40x128xi32, #tpu.memory_space<vmem>>)
      tpu.yield
    }) : () -> ()
    %dma_start3A_45 = arith.constant 0 : i32
    %dma_start3A_46 = arith.constant 0 : i32
    %dma_start3A_47 = tpu.memref_slice %arg8[%dma_start3A_45, %dma_start3A_46] : memref<40x128xi32, #tpu.memory_space<vmem>> -> memref<1x128xi32, #tpu.memory_space<vmem>>
    %dma_start3A_48 = tpu.memref_squeeze %dma_start3A_47 : memref<1x128xi32, #tpu.memory_space<vmem>> -> memref<128xi32, #tpu.memory_space<vmem>>
    %dma_start3A_49 = arith.constant 0 : i32
    %dma_start3A_50 = arith.constant 0 : i32
    %dma_start3A_51 = tpu.memref_slice %arg2[%dma_start3A_49, %dma_start3A_50] : memref<10000x128xf32, #tpu.memory_space<hbm>> -> memref<10000x128xf32, #tpu.memory_space<hbm>>
    tpu.enqueue_indirect_dma source(%dma_start3A_51 : memref<10000x128xf32, #tpu.memory_space<hbm>>) target(%arg10 : memref<128x128xf32, #tpu.memory_space<vmem>>) offsets(%dma_start3A_48 : memref<128xi32, #tpu.memory_space<vmem>>) semaphore(%arg12 : memref<!tpu.dma_semaphore, #tpu.memory_space<semaphore_mem>>)
    %dma_start3A_52 = arith.constant 1 : i32
    %dma_start3A_53 = arith.constant 0 : i32
    %dma_start3A_54 = tpu.memref_slice %arg8[%dma_start3A_52, %dma_start3A_53] : memref<40x128xi32, #tpu.memory_space<vmem>> -> memref<1x128xi32, #tpu.memory_space<vmem>>
    %dma_start3A_55 = tpu.memref_squeeze %dma_start3A_54 : memref<1x128xi32, #tpu.memory_space<vmem>> -> memref<128xi32, #tpu.memory_space<vmem>>
    %dma_start3A_56 = arith.constant 0 : i32
    %dma_start3A_57 = arith.constant 0 : i32
    %dma_start3A_58 = tpu.memref_slice %arg2[%dma_start3A_56, %dma_start3A_57] : memref<10000x128xf32, #tpu.memory_space<hbm>> -> memref<10000x128xf32, #tpu.memory_space<hbm>>
    tpu.enqueue_indirect_dma source(%dma_start3A_58 : memref<10000x128xf32, #tpu.memory_space<hbm>>) target(%arg11 : memref<128x128xf32, #tpu.memory_space<vmem>>) offsets(%dma_start3A_55 : memref<128xi32, #tpu.memory_space<vmem>>) semaphore(%arg13 : memref<!tpu.dma_semaphore, #tpu.memory_space<semaphore_mem>>)
    %scan3A_59 = arith.constant 0 : i32
    %scan3A_60 = arith.constant 0 : i32
    %scan3A_61 = arith.constant 19 : i32
    %scan3A_62 = arith.addi %scan3A_60, %scan3A_61 : i32
    %scan3A_63 = arith.constant 1 : i32
    scf.for %scan3A_86 = %scan3A_60 to %scan3A_62 step %scan3A_63  : i32 {
      %mul3A_87 = arith.constant 2 : i32
      %mul3A_88 = arith.muli %scan3A_86, %mul3A_87 : i32
      %add3A_89 = arith.constant 0 : i32
      %add3A_90 = arith.addi %mul3A_88, %add3A_89 : i32
      %dma_wait3A_91 = arith.constant 0 : i32
      %dma_wait3A_92 = tpu.memref_slice %arg8[%add3A_90, %dma_wait3A_91] : memref<40x128xi32, #tpu.memory_space<vmem>> -> memref<1x128xi32, #tpu.memory_space<vmem>>
      %dma_wait3A_93 = tpu.memref_squeeze %dma_wait3A_92 : memref<1x128xi32, #tpu.memory_space<vmem>> -> memref<128xi32, #tpu.memory_space<vmem>>
      %dma_wait3A_94 = arith.constant 0 : i32
      %dma_wait3A_95 = arith.constant 0 : i32
      %dma_wait3A_96 = tpu.memref_slice %arg2[%dma_wait3A_94, %dma_wait3A_95] : memref<10000x128xf32, #tpu.memory_space<hbm>> -> memref<10000x128xf32, #tpu.memory_space<hbm>>
      tpu.wait_indirect_dma semaphore(%arg12 : memref<!tpu.dma_semaphore, #tpu.memory_space<semaphore_mem>>) src(%dma_wait3A_96 : memref<10000x128xf32, #tpu.memory_space<hbm>>) dst(%arg10 : memref<128x128xf32, #tpu.memory_space<vmem>>)
      "tpu.region"() ({
        %run_scoped3A_125 = tpu.sem_alloc : memref<!tpu.dma_semaphore, #tpu.memory_space<semaphore_mem>>
        %dma_start3A_126 = arith.constant 0 : i32
        %dma_start3A_127 = tpu.memref_slice %arg9[%add3A_90, %dma_start3A_126] : memref<40x128xi32, #tpu.memory_space<vmem>> -> memref<1x128xi32, #tpu.memory_space<vmem>>
        %dma_start3A_128 = tpu.memref_squeeze %dma_start3A_127 : memref<1x128xi32, #tpu.memory_space<vmem>> -> memref<128xi32, #tpu.memory_space<vmem>>
        %dma_start3A_129 = arith.constant 0 : i32
        %dma_start3A_130 = arith.constant 0 : i32
        %dma_start3A_131 = tpu.memref_slice %arg7[%dma_start3A_129, %dma_start3A_130] : memref<10112x128xf32, #tpu.memory_space<vmem_shared>> -> memref<10112x128xf32, #tpu.memory_space<vmem_shared>>
        tpu.enqueue_indirect_dma source(%arg10 : memref<128x128xf32, #tpu.memory_space<vmem>>) target(%dma_start3A_131 : memref<10112x128xf32, #tpu.memory_space<vmem_shared>>) offsets(%dma_start3A_128 : memref<128xi32, #tpu.memory_space<vmem>>) semaphore(%run_scoped3A_125 : memref<!tpu.dma_semaphore, #tpu.memory_space<semaphore_mem>>) {add = true}
        %dma_wait3A_132 = arith.constant 0 : i32
        %dma_wait3A_133 = tpu.memref_slice %arg9[%add3A_90, %dma_wait3A_132] : memref<40x128xi32, #tpu.memory_space<vmem>> -> memref<1x128xi32, #tpu.memory_space<vmem>>
        %dma_wait3A_134 = tpu.memref_squeeze %dma_wait3A_133 : memref<1x128xi32, #tpu.memory_space<vmem>> -> memref<128xi32, #tpu.memory_space<vmem>>
        %dma_wait3A_135 = arith.constant 0 : i32
        %dma_wait3A_136 = arith.constant 0 : i32
        %dma_wait3A_137 = tpu.memref_slice %arg7[%dma_wait3A_135, %dma_wait3A_136] : memref<10112x128xf32, #tpu.memory_space<vmem_shared>> -> memref<10112x128xf32, #tpu.memory_space<vmem_shared>>
        tpu.wait_indirect_dma semaphore(%run_scoped3A_125 : memref<!tpu.dma_semaphore, #tpu.memory_space<semaphore_mem>>) src(%arg10 : memref<128x128xf32, #tpu.memory_space<vmem>>) dst(%dma_wait3A_137 : memref<10112x128xf32, #tpu.memory_space<vmem_shared>>)
        tpu.yield
      }) : () -> ()
      %add3A_97 = arith.constant 2 : i32
      %add3A_98 = arith.addi %mul3A_88, %add3A_97 : i32
      %add3A_99 = arith.constant 0 : i32
      %add3A_100 = arith.addi %add3A_98, %add3A_99 : i32
      %dma_start3A_101 = arith.constant 0 : i32
      %dma_start3A_102 = tpu.memref_slice %arg8[%add3A_100, %dma_start3A_101] : memref<40x128xi32, #tpu.memory_space<vmem>> -> memref<1x128xi32, #tpu.memory_space<vmem>>
      %dma_start3A_103 = tpu.memref_squeeze %dma_start3A_102 : memref<1x128xi32, #tpu.memory_space<vmem>> -> memref<128xi32, #tpu.memory_space<vmem>>
      %dma_start3A_104 = arith.constant 0 : i32
      %dma_start3A_105 = arith.constant 0 : i32
      %dma_start3A_106 = tpu.memref_slice %arg2[%dma_start3A_104, %dma_start3A_105] : memref<10000x128xf32, #tpu.memory_space<hbm>> -> memref<10000x128xf32, #tpu.memory_space<hbm>>
      tpu.enqueue_indirect_dma source(%dma_start3A_106 : memref<10000x128xf32, #tpu.memory_space<hbm>>) target(%arg10 : memref<128x128xf32, #tpu.memory_space<vmem>>) offsets(%dma_start3A_103 : memref<128xi32, #tpu.memory_space<vmem>>) semaphore(%arg12 : memref<!tpu.dma_semaphore, #tpu.memory_space<semaphore_mem>>)
      %add3A_107 = arith.constant 1 : i32
      %add3A_108 = arith.addi %mul3A_88, %add3A_107 : i32
      %dma_wait3A_109 = arith.constant 0 : i32
      %dma_wait3A_110 = tpu.memref_slice %arg8[%add3A_108, %dma_wait3A_109] : memref<40x128xi32, #tpu.memory_space<vmem>> -> memref<1x128xi32, #tpu.memory_space<vmem>>
      %dma_wait3A_111 = tpu.memref_squeeze %dma_wait3A_110 : memref<1x128xi32, #tpu.memory_space<vmem>> -> memref<128xi32, #tpu.memory_space<vmem>>
      %dma_wait3A_112 = arith.constant 0 : i32
      %dma_wait3A_113 = arith.constant 0 : i32
      %dma_wait3A_114 = tpu.memref_slice %arg2[%dma_wait3A_112, %dma_wait3A_113] : memref<10000x128xf32, #tpu.memory_space<hbm>> -> memref<10000x128xf32, #tpu.memory_space<hbm>>
      tpu.wait_indirect_dma semaphore(%arg13 : memref<!tpu.dma_semaphore, #tpu.memory_space<semaphore_mem>>) src(%dma_wait3A_114 : memref<10000x128xf32, #tpu.memory_space<hbm>>) dst(%arg11 : memref<128x128xf32, #tpu.memory_space<vmem>>)
      "tpu.region"() ({
        %run_scoped3A_125 = tpu.sem_alloc : memref<!tpu.dma_semaphore, #tpu.memory_space<semaphore_mem>>
        %dma_start3A_126 = arith.constant 0 : i32
        %dma_start3A_127 = tpu.memref_slice %arg9[%add3A_108, %dma_start3A_126] : memref<40x128xi32, #tpu.memory_space<vmem>> -> memref<1x128xi32, #tpu.memory_space<vmem>>
        %dma_start3A_128 = tpu.memref_squeeze %dma_start3A_127 : memref<1x128xi32, #tpu.memory_space<vmem>> -> memref<128xi32, #tpu.memory_space<vmem>>
        %dma_start3A_129 = arith.constant 0 : i32
        %dma_start3A_130 = arith.constant 0 : i32
        %dma_start3A_131 = tpu.memref_slice %arg7[%dma_start3A_129, %dma_start3A_130] : memref<10112x128xf32, #tpu.memory_space<vmem_shared>> -> memref<10112x128xf32, #tpu.memory_space<vmem_shared>>
        tpu.enqueue_indirect_dma source(%arg11 : memref<128x128xf32, #tpu.memory_space<vmem>>) target(%dma_start3A_131 : memref<10112x128xf32, #tpu.memory_space<vmem_shared>>) offsets(%dma_start3A_128 : memref<128xi32, #tpu.memory_space<vmem>>) semaphore(%run_scoped3A_125 : memref<!tpu.dma_semaphore, #tpu.memory_space<semaphore_mem>>) {add = true}
        %dma_wait3A_132 = arith.constant 0 : i32
        %dma_wait3A_133 = tpu.memref_slice %arg9[%add3A_108, %dma_wait3A_132] : memref<40x128xi32, #tpu.memory_space<vmem>> -> memref<1x128xi32, #tpu.memory_space<vmem>>
        %dma_wait3A_134 = tpu.memref_squeeze %dma_wait3A_133 : memref<1x128xi32, #tpu.memory_space<vmem>> -> memref<128xi32, #tpu.memory_space<vmem>>
        %dma_wait3A_135 = arith.constant 0 : i32
        %dma_wait3A_136 = arith.constant 0 : i32
        %dma_wait3A_137 = tpu.memref_slice %arg7[%dma_wait3A_135, %dma_wait3A_136] : memref<10112x128xf32, #tpu.memory_space<vmem_shared>> -> memref<10112x128xf32, #tpu.memory_space<vmem_shared>>
        tpu.wait_indirect_dma semaphore(%run_scoped3A_125 : memref<!tpu.dma_semaphore, #tpu.memory_space<semaphore_mem>>) src(%arg11 : memref<128x128xf32, #tpu.memory_space<vmem>>) dst(%dma_wait3A_137 : memref<10112x128xf32, #tpu.memory_space<vmem_shared>>)
        tpu.yield
      }) : () -> ()
      %add3A_115 = arith.constant 2 : i32
      %add3A_116 = arith.addi %mul3A_88, %add3A_115 : i32
      %add3A_117 = arith.constant 1 : i32
      %add3A_118 = arith.addi %add3A_116, %add3A_117 : i32
      %dma_start3A_119 = arith.constant 0 : i32
      %dma_start3A_120 = tpu.memref_slice %arg8[%add3A_118, %dma_start3A_119] : memref<40x128xi32, #tpu.memory_space<vmem>> -> memref<1x128xi32, #tpu.memory_space<vmem>>
      %dma_start3A_121 = tpu.memref_squeeze %dma_start3A_120 : memref<1x128xi32, #tpu.memory_space<vmem>> -> memref<128xi32, #tpu.memory_space<vmem>>
      %dma_start3A_122 = arith.constant 0 : i32
      %dma_start3A_123 = arith.constant 0 : i32
      %dma_start3A_124 = tpu.memref_slice %arg2[%dma_start3A_122, %dma_start3A_123] : memref<10000x128xf32, #tpu.memory_space<hbm>> -> memref<10000x128xf32, #tpu.memory_space<hbm>>
      tpu.enqueue_indirect_dma source(%dma_start3A_124 : memref<10000x128xf32, #tpu.memory_space<hbm>>) target(%arg11 : memref<128x128xf32, #tpu.memory_space<vmem>>) offsets(%dma_start3A_121 : memref<128xi32, #tpu.memory_space<vmem>>) semaphore(%arg13 : memref<!tpu.dma_semaphore, #tpu.memory_space<semaphore_mem>>)
    }
    %scan3A_64 = arith.constant 19 : i32
    %dma_wait3A_65 = arith.constant 38 : i32
    %dma_wait3A_66 = arith.constant 0 : i32
    %dma_wait3A_67 = tpu.memref_slice %arg8[%dma_wait3A_65, %dma_wait3A_66] : memref<40x128xi32, #tpu.memory_space<vmem>> -> memref<1x128xi32, #tpu.memory_space<vmem>>
    %dma_wait3A_68 = tpu.memref_squeeze %dma_wait3A_67 : memref<1x128xi32, #tpu.memory_space<vmem>> -> memref<128xi32, #tpu.memory_space<vmem>>
    %dma_wait3A_69 = arith.constant 0 : i32
    %dma_wait3A_70 = arith.constant 0 : i32
    %dma_wait3A_71 = tpu.memref_slice %arg2[%dma_wait3A_69, %dma_wait3A_70] : memref<10000x128xf32, #tpu.memory_space<hbm>> -> memref<10000x128xf32, #tpu.memory_space<hbm>>
    tpu.wait_indirect_dma semaphore(%arg12 : memref<!tpu.dma_semaphore, #tpu.memory_space<semaphore_mem>>) src(%dma_wait3A_71 : memref<10000x128xf32, #tpu.memory_space<hbm>>) dst(%arg10 : memref<128x128xf32, #tpu.memory_space<vmem>>)
    %run_scoped3A_72 = arith.constant 38 : i32
    "tpu.region"() ({
      %run_scoped3A_86 = tpu.sem_alloc : memref<!tpu.dma_semaphore, #tpu.memory_space<semaphore_mem>>
      %dma_start3A_87 = arith.constant 0 : i32
      %dma_start3A_88 = tpu.memref_slice %arg9[%run_scoped3A_72, %dma_start3A_87] : memref<40x128xi32, #tpu.memory_space<vmem>> -> memref<1x128xi32, #tpu.memory_space<vmem>>
      %dma_start3A_89 = tpu.memref_squeeze %dma_start3A_88 : memref<1x128xi32, #tpu.memory_space<vmem>> -> memref<128xi32, #tpu.memory_space<vmem>>
      %dma_start3A_90 = arith.constant 0 : i32
      %dma_start3A_91 = arith.constant 0 : i32
      %dma_start3A_92 = tpu.memref_slice %arg7[%dma_start3A_90, %dma_start3A_91] : memref<10112x128xf32, #tpu.memory_space<vmem_shared>> -> memref<10112x128xf32, #tpu.memory_space<vmem_shared>>
      tpu.enqueue_indirect_dma source(%arg10 : memref<128x128xf32, #tpu.memory_space<vmem>>) target(%dma_start3A_92 : memref<10112x128xf32, #tpu.memory_space<vmem_shared>>) offsets(%dma_start3A_89 : memref<128xi32, #tpu.memory_space<vmem>>) semaphore(%run_scoped3A_86 : memref<!tpu.dma_semaphore, #tpu.memory_space<semaphore_mem>>) {add = true}
      %dma_wait3A_93 = arith.constant 0 : i32
      %dma_wait3A_94 = tpu.memref_slice %arg9[%run_scoped3A_72, %dma_wait3A_93] : memref<40x128xi32, #tpu.memory_space<vmem>> -> memref<1x128xi32, #tpu.memory_space<vmem>>
      %dma_wait3A_95 = tpu.memref_squeeze %dma_wait3A_94 : memref<1x128xi32, #tpu.memory_space<vmem>> -> memref<128xi32, #tpu.memory_space<vmem>>
      %dma_wait3A_96 = arith.constant 0 : i32
      %dma_wait3A_97 = arith.constant 0 : i32
      %dma_wait3A_98 = tpu.memref_slice %arg7[%dma_wait3A_96, %dma_wait3A_97] : memref<10112x128xf32, #tpu.memory_space<vmem_shared>> -> memref<10112x128xf32, #tpu.memory_space<vmem_shared>>
      tpu.wait_indirect_dma semaphore(%run_scoped3A_86 : memref<!tpu.dma_semaphore, #tpu.memory_space<semaphore_mem>>) src(%arg10 : memref<128x128xf32, #tpu.memory_space<vmem>>) dst(%dma_wait3A_98 : memref<10112x128xf32, #tpu.memory_space<vmem_shared>>)
      tpu.yield
    }) : () -> ()
    %dma_wait3A_73 = arith.constant 39 : i32
    %dma_wait3A_74 = arith.constant 0 : i32
    %dma_wait3A_75 = tpu.memref_slice %arg8[%dma_wait3A_73, %dma_wait3A_74] : memref<40x128xi32, #tpu.memory_space<vmem>> -> memref<1x128xi32, #tpu.memory_space<vmem>>
    %dma_wait3A_76 = tpu.memref_squeeze %dma_wait3A_75 : memref<1x128xi32, #tpu.memory_space<vmem>> -> memref<128xi32, #tpu.memory_space<vmem>>
    %dma_wait3A_77 = arith.constant 0 : i32
    %dma_wait3A_78 = arith.constant 0 : i32
    %dma_wait3A_79 = tpu.memref_slice %arg2[%dma_wait3A_77, %dma_wait3A_78] : memref<10000x128xf32, #tpu.memory_space<hbm>> -> memref<10000x128xf32, #tpu.memory_space<hbm>>
    tpu.wait_indirect_dma semaphore(%arg13 : memref<!tpu.dma_semaphore, #tpu.memory_space<semaphore_mem>>) src(%dma_wait3A_79 : memref<10000x128xf32, #tpu.memory_space<hbm>>) dst(%arg11 : memref<128x128xf32, #tpu.memory_space<vmem>>)
    %run_scoped3A_80 = arith.constant 39 : i32
    "tpu.region"() ({
      %run_scoped3A_86 = tpu.sem_alloc : memref<!tpu.dma_semaphore, #tpu.memory_space<semaphore_mem>>
      %dma_start3A_87 = arith.constant 0 : i32
      %dma_start3A_88 = tpu.memref_slice %arg9[%run_scoped3A_80, %dma_start3A_87] : memref<40x128xi32, #tpu.memory_space<vmem>> -> memref<1x128xi32, #tpu.memory_space<vmem>>
      %dma_start3A_89 = tpu.memref_squeeze %dma_start3A_88 : memref<1x128xi32, #tpu.memory_space<vmem>> -> memref<128xi32, #tpu.memory_space<vmem>>
      %dma_start3A_90 = arith.constant 0 : i32
      %dma_start3A_91 = arith.constant 0 : i32
      %dma_start3A_92 = tpu.memref_slice %arg7[%dma_start3A_90, %dma_start3A_91] : memref<10112x128xf32, #tpu.memory_space<vmem_shared>> -> memref<10112x128xf32, #tpu.memory_space<vmem_shared>>
      tpu.enqueue_indirect_dma source(%arg11 : memref<128x128xf32, #tpu.memory_space<vmem>>) target(%dma_start3A_92 : memref<10112x128xf32, #tpu.memory_space<vmem_shared>>) offsets(%dma_start3A_89 : memref<128xi32, #tpu.memory_space<vmem>>) semaphore(%run_scoped3A_86 : memref<!tpu.dma_semaphore, #tpu.memory_space<semaphore_mem>>) {add = true}
      %dma_wait3A_93 = arith.constant 0 : i32
      %dma_wait3A_94 = tpu.memref_slice %arg9[%run_scoped3A_80, %dma_wait3A_93] : memref<40x128xi32, #tpu.memory_space<vmem>> -> memref<1x128xi32, #tpu.memory_space<vmem>>
      %dma_wait3A_95 = tpu.memref_squeeze %dma_wait3A_94 : memref<1x128xi32, #tpu.memory_space<vmem>> -> memref<128xi32, #tpu.memory_space<vmem>>
      %dma_wait3A_96 = arith.constant 0 : i32
      %dma_wait3A_97 = arith.constant 0 : i32
      %dma_wait3A_98 = tpu.memref_slice %arg7[%dma_wait3A_96, %dma_wait3A_97] : memref<10112x128xf32, #tpu.memory_space<vmem_shared>> -> memref<10112x128xf32, #tpu.memory_space<vmem_shared>>
      tpu.wait_indirect_dma semaphore(%run_scoped3A_86 : memref<!tpu.dma_semaphore, #tpu.memory_space<semaphore_mem>>) src(%arg11 : memref<128x128xf32, #tpu.memory_space<vmem>>) dst(%dma_wait3A_98 : memref<10112x128xf32, #tpu.memory_space<vmem_shared>>)
      tpu.yield
    }) : () -> ()
    %barrier3A_81 = arith.constant 0 : index
    tpu.barrier barrier_id(%barrier3A_81)
    %mul3A_82 = arith.constant 632 : i32
    %mul3A_83 = arith.muli %arg1, %mul3A_82 : i32
    %mul3A_84 = arith.constant 632 : i32
    %mul3A_85 = arith.muli %arg1, %mul3A_84 : i32
    "tpu.region"() ({
      %run_scoped3A_86 = tpu.sem_alloc : memref<!tpu.dma_semaphore, #tpu.memory_space<semaphore_mem>>
      %dma_start3A_87 = arith.constant 0 : i32
      %dma_start3A_88 = arith.constant 0 : i32
      %dma_start3A_89 = tpu.memref_slice %arg6[%arg0, %dma_start3A_87, %dma_start3A_88] : memref<2x10112x128xf32, #tpu.memory_space<hbm>> -> memref<1x10112x128xf32, #tpu.memory_space<hbm>>
      %dma_start3A_90 = tpu.memref_squeeze %dma_start3A_89 : memref<1x10112x128xf32, #tpu.memory_space<hbm>> -> memref<10112x128xf32, #tpu.memory_space<hbm>>
      %dma_start3A_91 = arith.constant 0 : i32
      %dma_start3A_92 = tpu.memref_slice %dma_start3A_90[%mul3A_85, %dma_start3A_91] : memref<10112x128xf32, #tpu.memory_space<hbm>> -> memref<632x128xf32, #tpu.memory_space<hbm>>
      %dma_start3A_93 = arith.constant 0 : i32
      %dma_start3A_94 = tpu.memref_slice %arg7[%mul3A_83, %dma_start3A_93] : memref<10112x128xf32, #tpu.memory_space<vmem_shared>> -> memref<632x128xf32, #tpu.memory_space<vmem_shared>>
      tpu.enqueue_dma source(%dma_start3A_94 : memref<632x128xf32, #tpu.memory_space<vmem_shared>>) target(%dma_start3A_92 : memref<632x128xf32, #tpu.memory_space<hbm>>) target_semaphore(%run_scoped3A_86 : memref<!tpu.dma_semaphore, #tpu.memory_space<semaphore_mem>>)
      %dma_wait3A_95 = arith.constant 0 : i32
      %dma_wait3A_96 = arith.constant 0 : i32
      %dma_wait3A_97 = tpu.memref_slice %arg6[%arg0, %dma_wait3A_95, %dma_wait3A_96] : memref<2x10112x128xf32, #tpu.memory_space<hbm>> -> memref<1x10112x128xf32, #tpu.memory_space<hbm>>
      %dma_wait3A_98 = tpu.memref_squeeze %dma_wait3A_97 : memref<1x10112x128xf32, #tpu.memory_space<hbm>> -> memref<10112x128xf32, #tpu.memory_space<hbm>>
      %dma_wait3A_99 = arith.constant 0 : i32
      %dma_wait3A_100 = tpu.memref_slice %dma_wait3A_98[%mul3A_85, %dma_wait3A_99] : memref<10112x128xf32, #tpu.memory_space<hbm>> -> memref<632x128xf32, #tpu.memory_space<hbm>>
      %dma_wait3A_101 = arith.constant 0 : i32
      %dma_wait3A_102 = tpu.memref_slice %arg7[%mul3A_83, %dma_wait3A_101] : memref<10112x128xf32, #tpu.memory_space<vmem_shared>> -> memref<632x128xf32, #tpu.memory_space<vmem_shared>>
      tpu.wait_dma2 semaphore(%run_scoped3A_86 : memref<!tpu.dma_semaphore, #tpu.memory_space<semaphore_mem>>) src(%dma_wait3A_102 : memref<632x128xf32, #tpu.memory_space<vmem_shared>>) dst(%dma_wait3A_100 : memref<632x128xf32, #tpu.memory_space<hbm>>)
      tpu.yield
    }) : () -> ()
    return
  }
}

#map = affine_map<(d0, d1) -> (0, 0)>
#map1 = affine_map<(d0, d1) -> (0)>
module attributes {stable_mosaic.version = 14 : i64} {
  func.func @_sc_gather(%arg0: i32, %arg1: i32, %arg2: memref<10112x128xf32, #tpu.memory_space<hbm>>, %arg3: memref<40960xi32, #tpu.memory_space<hbm>>, %arg4: memref<40960x128xf32, #tpu.memory_space<hbm>>, %arg5: memref<10112x128xf32, #tpu.memory_space<vmem_shared>>, %arg6: memref<1280xi32, #tpu.memory_space<vmem>>, %arg7: memref<128x128xf32, #tpu.memory_space<vmem>>, %arg8: memref<128x128xf32, #tpu.memory_space<vmem>>, %arg9: memref<!tpu.dma_semaphore, #tpu.memory_space<semaphore_mem>>, %arg10: memref<!tpu.dma_semaphore, #tpu.memory_space<semaphore_mem>>) attributes {dimension_semantics = [#tpu.dimension_semantics<core_parallel>, #tpu.dimension_semantics<subcore_parallel>], iteration_bounds = array<i64: 2, 16>, scalar_prefetch = 0 : i64, scratch_operands = 6 : i64, tpu.core_type = #tpu.core_type<sc_vector_subcore>, window_params = [{transform_indices = #map}, {transform_indices = #map1}, {transform_indices = #map}]} {
    %mul3A = arith.constant 2 : i32
    %mul3A_0 = arith.muli %arg1, %mul3A : i32
    %add3A = arith.addi %mul3A_0, %arg0 : i32
    %mul3A_1 = arith.constant 1280 : i32
    %mul3A_2 = arith.muli %add3A, %mul3A_1 : i32
    %mul3A_3 = arith.constant 632 : i32
    %mul3A_4 = arith.muli %arg1, %mul3A_3 : i32
    "tpu.region"() ({
      %run_scoped3A = tpu.sem_alloc : memref<!tpu.dma_semaphore, #tpu.memory_space<semaphore_mem>>
      %dma_start3A_32 = arith.constant 0 : i32
      %dma_start3A_33 = tpu.memref_slice %arg5[%mul3A_4, %dma_start3A_32] : memref<10112x128xf32, #tpu.memory_space<vmem_shared>> -> memref<632x128xf32, #tpu.memory_space<vmem_shared>>
      %dma_start3A_34 = arith.constant 0 : i32
      %dma_start3A_35 = tpu.memref_slice %arg2[%mul3A_4, %dma_start3A_34] : memref<10112x128xf32, #tpu.memory_space<hbm>> -> memref<632x128xf32, #tpu.memory_space<hbm>>
      tpu.enqueue_dma source(%dma_start3A_35 : memref<632x128xf32, #tpu.memory_space<hbm>>) target(%dma_start3A_33 : memref<632x128xf32, #tpu.memory_space<vmem_shared>>) target_semaphore(%run_scoped3A : memref<!tpu.dma_semaphore, #tpu.memory_space<semaphore_mem>>)
      %dma_wait3A_36 = arith.constant 0 : i32
      %dma_wait3A_37 = tpu.memref_slice %arg5[%mul3A_4, %dma_wait3A_36] : memref<10112x128xf32, #tpu.memory_space<vmem_shared>> -> memref<632x128xf32, #tpu.memory_space<vmem_shared>>
      %dma_wait3A_38 = arith.constant 0 : i32
      %dma_wait3A_39 = tpu.memref_slice %arg2[%mul3A_4, %dma_wait3A_38] : memref<10112x128xf32, #tpu.memory_space<hbm>> -> memref<632x128xf32, #tpu.memory_space<hbm>>
      tpu.wait_dma2 semaphore(%run_scoped3A : memref<!tpu.dma_semaphore, #tpu.memory_space<semaphore_mem>>) src(%dma_wait3A_39 : memref<632x128xf32, #tpu.memory_space<hbm>>) dst(%dma_wait3A_37 : memref<632x128xf32, #tpu.memory_space<vmem_shared>>)
      tpu.yield
    }) : () -> ()
    "tpu.region"() ({
      %run_scoped3A = tpu.sem_alloc : memref<!tpu.dma_semaphore, #tpu.memory_space<semaphore_mem>>
      %dma_start3A_32 = tpu.memref_slice %arg3[%mul3A_2] : memref<40960xi32, #tpu.memory_space<hbm>> -> memref<1280xi32, #tpu.memory_space<hbm>>
      %dma_start3A_33 = tpu.memref_slice %arg3[%mul3A_2] : memref<40960xi32, #tpu.memory_space<hbm>> -> memref<1280xi32, #tpu.memory_space<hbm>>
      tpu.enqueue_dma source(%dma_start3A_33 : memref<1280xi32, #tpu.memory_space<hbm>>) target(%arg6 : memref<1280xi32, #tpu.memory_space<vmem>>) target_semaphore(%run_scoped3A : memref<!tpu.dma_semaphore, #tpu.memory_space<semaphore_mem>>)
      %dma_wait3A_34 = tpu.memref_slice %arg3[%mul3A_2] : memref<40960xi32, #tpu.memory_space<hbm>> -> memref<1280xi32, #tpu.memory_space<hbm>>
      %dma_wait3A_35 = tpu.memref_slice %arg3[%mul3A_2] : memref<40960xi32, #tpu.memory_space<hbm>> -> memref<1280xi32, #tpu.memory_space<hbm>>
      tpu.wait_dma2 semaphore(%run_scoped3A : memref<!tpu.dma_semaphore, #tpu.memory_space<semaphore_mem>>) src(%dma_wait3A_35 : memref<1280xi32, #tpu.memory_space<hbm>>) dst(%arg6 : memref<1280xi32, #tpu.memory_space<vmem>>)
      tpu.yield
    }) : () -> ()
    %barrier3A = arith.constant 0 : index
    tpu.barrier barrier_id(%barrier3A)
    %dma_start3A = arith.constant 0 : i32
    %dma_start3A_5 = tpu.memref_slice %arg6[%dma_start3A] : memref<1280xi32, #tpu.memory_space<vmem>> -> memref<128xi32, #tpu.memory_space<vmem>>
    %dma_start3A_6 = arith.constant 0 : i32
    %dma_start3A_7 = arith.constant 0 : i32
    %dma_start3A_8 = tpu.memref_slice %arg5[%dma_start3A_6, %dma_start3A_7] : memref<10112x128xf32, #tpu.memory_space<vmem_shared>> -> memref<10112x128xf32, #tpu.memory_space<vmem_shared>>
    tpu.enqueue_indirect_dma source(%dma_start3A_8 : memref<10112x128xf32, #tpu.memory_space<vmem_shared>>) target(%arg7 : memref<128x128xf32, #tpu.memory_space<vmem>>) offsets(%dma_start3A_5 : memref<128xi32, #tpu.memory_space<vmem>>) semaphore(%arg9 : memref<!tpu.dma_semaphore, #tpu.memory_space<semaphore_mem>>)
    %dma_start3A_9 = arith.constant 128 : i32
    %dma_start3A_10 = tpu.memref_slice %arg6[%dma_start3A_9] : memref<1280xi32, #tpu.memory_space<vmem>> -> memref<128xi32, #tpu.memory_space<vmem>>
    %dma_start3A_11 = arith.constant 0 : i32
    %dma_start3A_12 = arith.constant 0 : i32
    %dma_start3A_13 = tpu.memref_slice %arg5[%dma_start3A_11, %dma_start3A_12] : memref<10112x128xf32, #tpu.memory_space<vmem_shared>> -> memref<10112x128xf32, #tpu.memory_space<vmem_shared>>
    tpu.enqueue_indirect_dma source(%dma_start3A_13 : memref<10112x128xf32, #tpu.memory_space<vmem_shared>>) target(%arg8 : memref<128x128xf32, #tpu.memory_space<vmem>>) offsets(%dma_start3A_10 : memref<128xi32, #tpu.memory_space<vmem>>) semaphore(%arg10 : memref<!tpu.dma_semaphore, #tpu.memory_space<semaphore_mem>>)
    %scan3A = arith.constant 0 : i32
    %scan3A_14 = arith.constant 0 : i32
    %scan3A_15 = arith.constant 4 : i32
    %scan3A_16 = arith.addi %scan3A_14, %scan3A_15 : i32
    %scan3A_17 = arith.constant 1 : i32
    scf.for %scan3A_32 = %scan3A_14 to %scan3A_16 step %scan3A_17  : i32 {
      %mul3A_33 = arith.constant 2 : i32
      %mul3A_34 = arith.muli %scan3A_32, %mul3A_33 : i32
      %add3A_35 = arith.constant 0 : i32
      %add3A_36 = arith.addi %mul3A_34, %add3A_35 : i32
      %mul3A_37 = arith.constant 128 : i32
      %mul3A_38 = arith.muli %add3A_36, %mul3A_37 : i32
      %dma_wait3A_39 = tpu.memref_slice %arg6[%mul3A_38] : memref<1280xi32, #tpu.memory_space<vmem>> -> memref<128xi32, #tpu.memory_space<vmem>>
      %dma_wait3A_40 = arith.constant 0 : i32
      %dma_wait3A_41 = arith.constant 0 : i32
      %dma_wait3A_42 = tpu.memref_slice %arg5[%dma_wait3A_40, %dma_wait3A_41] : memref<10112x128xf32, #tpu.memory_space<vmem_shared>> -> memref<10112x128xf32, #tpu.memory_space<vmem_shared>>
      tpu.wait_indirect_dma semaphore(%arg9 : memref<!tpu.dma_semaphore, #tpu.memory_space<semaphore_mem>>) src(%dma_wait3A_42 : memref<10112x128xf32, #tpu.memory_space<vmem_shared>>) dst(%arg7 : memref<128x128xf32, #tpu.memory_space<vmem>>)
      %mul3A_43 = arith.constant 128 : i32
      %mul3A_44 = arith.muli %add3A_36, %mul3A_43 : i32
      %add3A_45 = arith.addi %mul3A_2, %mul3A_44 : i32
      "tpu.region"() ({
        %run_scoped3A = tpu.sem_alloc : memref<!tpu.dma_semaphore, #tpu.memory_space<semaphore_mem>>
        %dma_start3A_77 = arith.constant 0 : i32
        %dma_start3A_78 = tpu.memref_slice %arg4[%add3A_45, %dma_start3A_77] : memref<40960x128xf32, #tpu.memory_space<hbm>> -> memref<128x128xf32, #tpu.memory_space<hbm>>
        %dma_start3A_79 = arith.constant 0 : i32
        %dma_start3A_80 = tpu.memref_slice %arg4[%add3A_45, %dma_start3A_79] : memref<40960x128xf32, #tpu.memory_space<hbm>> -> memref<128x128xf32, #tpu.memory_space<hbm>>
        tpu.enqueue_dma source(%arg7 : memref<128x128xf32, #tpu.memory_space<vmem>>) target(%dma_start3A_80 : memref<128x128xf32, #tpu.memory_space<hbm>>) target_semaphore(%run_scoped3A : memref<!tpu.dma_semaphore, #tpu.memory_space<semaphore_mem>>)
        %dma_wait3A_81 = arith.constant 0 : i32
        %dma_wait3A_82 = tpu.memref_slice %arg4[%add3A_45, %dma_wait3A_81] : memref<40960x128xf32, #tpu.memory_space<hbm>> -> memref<128x128xf32, #tpu.memory_space<hbm>>
        %dma_wait3A_83 = arith.constant 0 : i32
        %dma_wait3A_84 = tpu.memref_slice %arg4[%add3A_45, %dma_wait3A_83] : memref<40960x128xf32, #tpu.memory_space<hbm>> -> memref<128x128xf32, #tpu.memory_space<hbm>>
        tpu.wait_dma2 semaphore(%run_scoped3A : memref<!tpu.dma_semaphore, #tpu.memory_space<semaphore_mem>>) src(%arg7 : memref<128x128xf32, #tpu.memory_space<vmem>>) dst(%dma_wait3A_84 : memref<128x128xf32, #tpu.memory_space<hbm>>)
        tpu.yield
      }) : () -> ()
      %add3A_46 = arith.constant 2 : i32
      %add3A_47 = arith.addi %mul3A_34, %add3A_46 : i32
      %add3A_48 = arith.constant 0 : i32
      %add3A_49 = arith.addi %add3A_47, %add3A_48 : i32
      %mul3A_50 = arith.constant 128 : i32
      %mul3A_51 = arith.muli %add3A_49, %mul3A_50 : i32
      %dma_start3A_52 = tpu.memref_slice %arg6[%mul3A_51] : memref<1280xi32, #tpu.memory_space<vmem>> -> memref<128xi32, #tpu.memory_space<vmem>>
      %dma_start3A_53 = arith.constant 0 : i32
      %dma_start3A_54 = arith.constant 0 : i32
      %dma_start3A_55 = tpu.memref_slice %arg5[%dma_start3A_53, %dma_start3A_54] : memref<10112x128xf32, #tpu.memory_space<vmem_shared>> -> memref<10112x128xf32, #tpu.memory_space<vmem_shared>>
      tpu.enqueue_indirect_dma source(%dma_start3A_55 : memref<10112x128xf32, #tpu.memory_space<vmem_shared>>) target(%arg7 : memref<128x128xf32, #tpu.memory_space<vmem>>) offsets(%dma_start3A_52 : memref<128xi32, #tpu.memory_space<vmem>>) semaphore(%arg9 : memref<!tpu.dma_semaphore, #tpu.memory_space<semaphore_mem>>)
      %add3A_56 = arith.constant 1 : i32
      %add3A_57 = arith.addi %mul3A_34, %add3A_56 : i32
      %mul3A_58 = arith.constant 128 : i32
      %mul3A_59 = arith.muli %add3A_57, %mul3A_58 : i32
      %dma_wait3A_60 = tpu.memref_slice %arg6[%mul3A_59] : memref<1280xi32, #tpu.memory_space<vmem>> -> memref<128xi32, #tpu.memory_space<vmem>>
      %dma_wait3A_61 = arith.constant 0 : i32
      %dma_wait3A_62 = arith.constant 0 : i32
      %dma_wait3A_63 = tpu.memref_slice %arg5[%dma_wait3A_61, %dma_wait3A_62] : memref<10112x128xf32, #tpu.memory_space<vmem_shared>> -> memref<10112x128xf32, #tpu.memory_space<vmem_shared>>
      tpu.wait_indirect_dma semaphore(%arg10 : memref<!tpu.dma_semaphore, #tpu.memory_space<semaphore_mem>>) src(%dma_wait3A_63 : memref<10112x128xf32, #tpu.memory_space<vmem_shared>>) dst(%arg8 : memref<128x128xf32, #tpu.memory_space<vmem>>)
      %mul3A_64 = arith.constant 128 : i32
      %mul3A_65 = arith.muli %add3A_57, %mul3A_64 : i32
      %add3A_66 = arith.addi %mul3A_2, %mul3A_65 : i32
      "tpu.region"() ({
        %run_scoped3A = tpu.sem_alloc : memref<!tpu.dma_semaphore, #tpu.memory_space<semaphore_mem>>
        %dma_start3A_77 = arith.constant 0 : i32
        %dma_start3A_78 = tpu.memref_slice %arg4[%add3A_66, %dma_start3A_77] : memref<40960x128xf32, #tpu.memory_space<hbm>> -> memref<128x128xf32, #tpu.memory_space<hbm>>
        %dma_start3A_79 = arith.constant 0 : i32
        %dma_start3A_80 = tpu.memref_slice %arg4[%add3A_66, %dma_start3A_79] : memref<40960x128xf32, #tpu.memory_space<hbm>> -> memref<128x128xf32, #tpu.memory_space<hbm>>
        tpu.enqueue_dma source(%arg8 : memref<128x128xf32, #tpu.memory_space<vmem>>) target(%dma_start3A_80 : memref<128x128xf32, #tpu.memory_space<hbm>>) target_semaphore(%run_scoped3A : memref<!tpu.dma_semaphore, #tpu.memory_space<semaphore_mem>>)
        %dma_wait3A_81 = arith.constant 0 : i32
        %dma_wait3A_82 = tpu.memref_slice %arg4[%add3A_66, %dma_wait3A_81] : memref<40960x128xf32, #tpu.memory_space<hbm>> -> memref<128x128xf32, #tpu.memory_space<hbm>>
        %dma_wait3A_83 = arith.constant 0 : i32
        %dma_wait3A_84 = tpu.memref_slice %arg4[%add3A_66, %dma_wait3A_83] : memref<40960x128xf32, #tpu.memory_space<hbm>> -> memref<128x128xf32, #tpu.memory_space<hbm>>
        tpu.wait_dma2 semaphore(%run_scoped3A : memref<!tpu.dma_semaphore, #tpu.memory_space<semaphore_mem>>) src(%arg8 : memref<128x128xf32, #tpu.memory_space<vmem>>) dst(%dma_wait3A_84 : memref<128x128xf32, #tpu.memory_space<hbm>>)
        tpu.yield
      }) : () -> ()
      %add3A_67 = arith.constant 2 : i32
      %add3A_68 = arith.addi %mul3A_34, %add3A_67 : i32
      %add3A_69 = arith.constant 1 : i32
      %add3A_70 = arith.addi %add3A_68, %add3A_69 : i32
      %mul3A_71 = arith.constant 128 : i32
      %mul3A_72 = arith.muli %add3A_70, %mul3A_71 : i32
      %dma_start3A_73 = tpu.memref_slice %arg6[%mul3A_72] : memref<1280xi32, #tpu.memory_space<vmem>> -> memref<128xi32, #tpu.memory_space<vmem>>
      %dma_start3A_74 = arith.constant 0 : i32
      %dma_start3A_75 = arith.constant 0 : i32
      %dma_start3A_76 = tpu.memref_slice %arg5[%dma_start3A_74, %dma_start3A_75] : memref<10112x128xf32, #tpu.memory_space<vmem_shared>> -> memref<10112x128xf32, #tpu.memory_space<vmem_shared>>
      tpu.enqueue_indirect_dma source(%dma_start3A_76 : memref<10112x128xf32, #tpu.memory_space<vmem_shared>>) target(%arg8 : memref<128x128xf32, #tpu.memory_space<vmem>>) offsets(%dma_start3A_73 : memref<128xi32, #tpu.memory_space<vmem>>) semaphore(%arg10 : memref<!tpu.dma_semaphore, #tpu.memory_space<semaphore_mem>>)
    }
    %scan3A_18 = arith.constant 4 : i32
    %dma_wait3A = arith.constant 1024 : i32
    %dma_wait3A_19 = tpu.memref_slice %arg6[%dma_wait3A] : memref<1280xi32, #tpu.memory_space<vmem>> -> memref<128xi32, #tpu.memory_space<vmem>>
    %dma_wait3A_20 = arith.constant 0 : i32
    %dma_wait3A_21 = arith.constant 0 : i32
    %dma_wait3A_22 = tpu.memref_slice %arg5[%dma_wait3A_20, %dma_wait3A_21] : memref<10112x128xf32, #tpu.memory_space<vmem_shared>> -> memref<10112x128xf32, #tpu.memory_space<vmem_shared>>
    tpu.wait_indirect_dma semaphore(%arg9 : memref<!tpu.dma_semaphore, #tpu.memory_space<semaphore_mem>>) src(%dma_wait3A_22 : memref<10112x128xf32, #tpu.memory_space<vmem_shared>>) dst(%arg7 : memref<128x128xf32, #tpu.memory_space<vmem>>)
    %add3A_23 = arith.constant 1024 : i32
    %add3A_24 = arith.addi %mul3A_2, %add3A_23 : i32
    "tpu.region"() ({
      %run_scoped3A = tpu.sem_alloc : memref<!tpu.dma_semaphore, #tpu.memory_space<semaphore_mem>>
      %dma_start3A_32 = arith.constant 0 : i32
      %dma_start3A_33 = tpu.memref_slice %arg4[%add3A_24, %dma_start3A_32] : memref<40960x128xf32, #tpu.memory_space<hbm>> -> memref<128x128xf32, #tpu.memory_space<hbm>>
      %dma_start3A_34 = arith.constant 0 : i32
      %dma_start3A_35 = tpu.memref_slice %arg4[%add3A_24, %dma_start3A_34] : memref<40960x128xf32, #tpu.memory_space<hbm>> -> memref<128x128xf32, #tpu.memory_space<hbm>>
      tpu.enqueue_dma source(%arg7 : memref<128x128xf32, #tpu.memory_space<vmem>>) target(%dma_start3A_35 : memref<128x128xf32, #tpu.memory_space<hbm>>) target_semaphore(%run_scoped3A : memref<!tpu.dma_semaphore, #tpu.memory_space<semaphore_mem>>)
      %dma_wait3A_36 = arith.constant 0 : i32
      %dma_wait3A_37 = tpu.memref_slice %arg4[%add3A_24, %dma_wait3A_36] : memref<40960x128xf32, #tpu.memory_space<hbm>> -> memref<128x128xf32, #tpu.memory_space<hbm>>
      %dma_wait3A_38 = arith.constant 0 : i32
      %dma_wait3A_39 = tpu.memref_slice %arg4[%add3A_24, %dma_wait3A_38] : memref<40960x128xf32, #tpu.memory_space<hbm>> -> memref<128x128xf32, #tpu.memory_space<hbm>>
      tpu.wait_dma2 semaphore(%run_scoped3A : memref<!tpu.dma_semaphore, #tpu.memory_space<semaphore_mem>>) src(%arg7 : memref<128x128xf32, #tpu.memory_space<vmem>>) dst(%dma_wait3A_39 : memref<128x128xf32, #tpu.memory_space<hbm>>)
      tpu.yield
    }) : () -> ()
    %dma_wait3A_25 = arith.constant 1152 : i32
    %dma_wait3A_26 = tpu.memref_slice %arg6[%dma_wait3A_25] : memref<1280xi32, #tpu.memory_space<vmem>> -> memref<128xi32, #tpu.memory_space<vmem>>
    %dma_wait3A_27 = arith.constant 0 : i32
    %dma_wait3A_28 = arith.constant 0 : i32
    %dma_wait3A_29 = tpu.memref_slice %arg5[%dma_wait3A_27, %dma_wait3A_28] : memref<10112x128xf32, #tpu.memory_space<vmem_shared>> -> memref<10112x128xf32, #tpu.memory_space<vmem_shared>>
    tpu.wait_indirect_dma semaphore(%arg10 : memref<!tpu.dma_semaphore, #tpu.memory_space<semaphore_mem>>) src(%dma_wait3A_29 : memref<10112x128xf32, #tpu.memory_space<vmem_shared>>) dst(%arg8 : memref<128x128xf32, #tpu.memory_space<vmem>>)
    %add3A_30 = arith.constant 1152 : i32
    %add3A_31 = arith.addi %mul3A_2, %add3A_30 : i32
    "tpu.region"() ({
      %run_scoped3A = tpu.sem_alloc : memref<!tpu.dma_semaphore, #tpu.memory_space<semaphore_mem>>
      %dma_start3A_32 = arith.constant 0 : i32
      %dma_start3A_33 = tpu.memref_slice %arg4[%add3A_31, %dma_start3A_32] : memref<40960x128xf32, #tpu.memory_space<hbm>> -> memref<128x128xf32, #tpu.memory_space<hbm>>
      %dma_start3A_34 = arith.constant 0 : i32
      %dma_start3A_35 = tpu.memref_slice %arg4[%add3A_31, %dma_start3A_34] : memref<40960x128xf32, #tpu.memory_space<hbm>> -> memref<128x128xf32, #tpu.memory_space<hbm>>
      tpu.enqueue_dma source(%arg8 : memref<128x128xf32, #tpu.memory_space<vmem>>) target(%dma_start3A_35 : memref<128x128xf32, #tpu.memory_space<hbm>>) target_semaphore(%run_scoped3A : memref<!tpu.dma_semaphore, #tpu.memory_space<semaphore_mem>>)
      %dma_wait3A_36 = arith.constant 0 : i32
      %dma_wait3A_37 = tpu.memref_slice %arg4[%add3A_31, %dma_wait3A_36] : memref<40960x128xf32, #tpu.memory_space<hbm>> -> memref<128x128xf32, #tpu.memory_space<hbm>>
      %dma_wait3A_38 = arith.constant 0 : i32
      %dma_wait3A_39 = tpu.memref_slice %arg4[%add3A_31, %dma_wait3A_38] : memref<40960x128xf32, #tpu.memory_space<hbm>> -> memref<128x128xf32, #tpu.memory_space<hbm>>
      tpu.wait_dma2 semaphore(%run_scoped3A : memref<!tpu.dma_semaphore, #tpu.memory_space<semaphore_mem>>) src(%arg8 : memref<128x128xf32, #tpu.memory_space<vmem>>) dst(%dma_wait3A_39 : memref<128x128xf32, #tpu.memory_space<hbm>>)
      tpu.yield
    }) : () -> ()
    return
  }
}

module attributes {stable_mosaic.version = 14 : i64} {
  func.func @_tc_mlp_body(%arg0: i32, %arg1: memref<1000x128xf32, #tpu.memory_space<vmem>>, %arg2: memref<1x1000x128xf32, #tpu.memory_space<vmem>>, %arg3: memref<1x1000x128xf32, #tpu.memory_space<vmem>>, %arg4: memref<128x128xf32, #tpu.memory_space<vmem>>, %arg5: memref<1x128xf32, #tpu.memory_space<vmem>>, %arg6: memref<128x128xf32, #tpu.memory_space<vmem>>, %arg7: memref<1x128xf32, #tpu.memory_space<vmem>>, %arg8: memref<1000x128xf32, #tpu.memory_space<vmem>>) attributes {dimension_semantics = [#tpu.dimension_semantics<arbitrary>], iteration_bounds = array<i64: 10>, scalar_prefetch = 0 : i64, scratch_operands = 0 : i64, tpu.core_type = #tpu.core_type<tc>, window_params = [{transform_indices = @transform_0, window_bounds = array<i64: 1000, 128>}, {transform_indices = @transform_1, window_bounds = array<i64: 1, 1000, 128>}, {transform_indices = @transform_2, window_bounds = array<i64: 1, 1000, 128>}, {pipeline_mode = #tpu.pipeline_mode<synchronous>, transform_indices = @transform_3, window_bounds = array<i64: 128, 128>}, {pipeline_mode = #tpu.pipeline_mode<synchronous>, transform_indices = @transform_4, window_bounds = array<i64: 1, 128>}, {pipeline_mode = #tpu.pipeline_mode<synchronous>, transform_indices = @transform_5, window_bounds = array<i64: 128, 128>}, {pipeline_mode = #tpu.pipeline_mode<synchronous>, transform_indices = @transform_6, window_bounds = array<i64: 1, 128>}, {transform_indices = @transform_7, window_bounds = array<i64: 1000, 128>}]} {
    %get3A = arith.constant 0 : index
    %get3A_0 = arith.constant 0 : index
    %get3A_1 = vector.load %arg1[%get3A, %get3A_0] : memref<1000x128xf32, #tpu.memory_space<vmem>>, vector<1000x128xf32>
    %get3A_2 = arith.constant 0 : index
    %get3A_3 = arith.constant 0 : index
    %get3A_4 = arith.constant 0 : index
    %get3A_5 = vector.load %arg2[%get3A_2, %get3A_3, %get3A_4] : memref<1x1000x128xf32, #tpu.memory_space<vmem>>, vector<1x1000x128xf32>
    %get3A_6 = vector.shape_cast %get3A_5 : vector<1x1000x128xf32> to vector<1000x128xf32>
    %add3A = arith.addf %get3A_1, %get3A_6 : vector<1000x128xf32>
    %get3A_7 = arith.constant 0 : index
    %get3A_8 = arith.constant 0 : index
    %get3A_9 = arith.constant 0 : index
    %get3A_10 = vector.load %arg3[%get3A_7, %get3A_8, %get3A_9] : memref<1x1000x128xf32, #tpu.memory_space<vmem>>, vector<1x1000x128xf32>
    %get3A_11 = vector.shape_cast %get3A_10 : vector<1x1000x128xf32> to vector<1000x128xf32>
    %add3A_12 = arith.addf %add3A, %get3A_11 : vector<1000x128xf32>
    %get3A_13 = arith.constant 0 : index
    %get3A_14 = arith.constant 0 : index
    %get3A_15 = vector.load %arg4[%get3A_13, %get3A_14] : memref<128x128xf32, #tpu.memory_space<vmem>>, vector<128x128xf32>
    %dot_general3A = arith.constant dense<0.000000e+00> : vector<1000x128xf32>
    %dot_general3A_16 = tpu.matmul %add3A_12, %get3A_15, %dot_general3A {dimension_numbers = #tpu.dot_dimension_numbers<[1], [0], [0], [1], [0, 0, 1, 1], [], []>, transpose_lhs_hint = false} : vector<1000x128xf32>, vector<128x128xf32>, vector<1000x128xf32> -> vector<1000x128xf32>
    %get3A_17 = arith.constant 0 : index
    %get3A_18 = arith.constant 0 : index
    %get3A_19 = vector.load %arg5[%get3A_17, %get3A_18] : memref<1x128xf32, #tpu.memory_space<vmem>>, vector<1x128xf32>
    %add3A_20 = vector.broadcast %get3A_19 : vector<1x128xf32> to vector<1000x128xf32>
    %add3A_21 = arith.addf %dot_general3A_16, %add3A_20 : vector<1000x128xf32>
    %max3A = arith.constant 0.000000e+00 : f32
    %max3A_22 = vector.broadcast %max3A : f32 to vector<1000x128xf32>
    %max3A_23 = arith.maximumf %add3A_21, %max3A_22 : vector<1000x128xf32>
    %get3A_24 = arith.constant 0 : index
    %get3A_25 = arith.constant 0 : index
    %get3A_26 = vector.load %arg6[%get3A_24, %get3A_25] : memref<128x128xf32, #tpu.memory_space<vmem>>, vector<128x128xf32>
    %dot_general3A_27 = arith.constant dense<0.000000e+00> : vector<1000x128xf32>
    %dot_general3A_28 = tpu.matmul %max3A_23, %get3A_26, %dot_general3A_27 {dimension_numbers = #tpu.dot_dimension_numbers<[1], [0], [0], [1], [0, 0, 1, 1], [], []>, transpose_lhs_hint = false} : vector<1000x128xf32>, vector<128x128xf32>, vector<1000x128xf32> -> vector<1000x128xf32>
    %get3A_29 = arith.constant 0 : index
    %get3A_30 = arith.constant 0 : index
    %get3A_31 = vector.load %arg7[%get3A_29, %get3A_30] : memref<1x128xf32, #tpu.memory_space<vmem>>, vector<1x128xf32>
    %add3A_32 = vector.broadcast %get3A_31 : vector<1x128xf32> to vector<1000x128xf32>
    %add3A_33 = arith.addf %dot_general3A_28, %add3A_32 : vector<1000x128xf32>
    %max3A_34 = arith.constant 0.000000e+00 : f32
    %max3A_35 = vector.broadcast %max3A_34 : f32 to vector<1000x128xf32>
    %max3A_36 = arith.maximumf %add3A_33, %max3A_35 : vector<1000x128xf32>
    %swap3A = arith.constant 0 : index
    %swap3A_37 = arith.constant 0 : index
    %swap3A_38 = vector.load %arg8[%swap3A, %swap3A_37] : memref<1000x128xf32, #tpu.memory_space<vmem>>, vector<1000x128xf32>
    tpu.vector_store %arg8[%swap3A, %swap3A_37], %max3A_36 {strides = array<i32>} : memref<1000x128xf32, #tpu.memory_space<vmem>>, vector<1000x128xf32>,
    return
  }
  func.func @transform_0(%arg0: i32) -> (i32, i32) {
    %c0_i32 = arith.constant 0 : i32
    %c0_i32_0 = arith.constant 0 : i32
    return %arg0, %c0_i32 : i32, i32
  }
  func.func @transform_1(%arg0: i32) -> (i32, i32, i32) {
    %c0_i32 = arith.constant 0 : i32
    %c0_i32_0 = arith.constant 0 : i32
    %c0_i32_1 = arith.constant 0 : i32
    return %c0_i32, %arg0, %c0_i32_0 : i32, i32, i32
  }
  func.func @transform_2(%arg0: i32) -> (i32, i32, i32) {
    %c1_i32 = arith.constant 1 : i32
    %c0_i32 = arith.constant 0 : i32
    %c0_i32_0 = arith.constant 0 : i32
    return %c1_i32, %arg0, %c0_i32 : i32, i32, i32
  }
  func.func @transform_3(%arg0: i32) -> (i32, i32) {
    %c0_i32 = arith.constant 0 : i32
    %c0_i32_0 = arith.constant 0 : i32
    %c0_i32_1 = arith.constant 0 : i32
    return %c0_i32, %c0_i32_0 : i32, i32
  }
  func.func @transform_4(%arg0: i32) -> (i32, i32) {
    %c0_i32 = arith.constant 0 : i32
    %c0_i32_0 = arith.constant 0 : i32
    %c0_i32_1 = arith.constant 0 : i32
    return %c0_i32, %c0_i32_0 : i32, i32
  }
  func.func @transform_5(%arg0: i32) -> (i32, i32) {
    %c0_i32 = arith.constant 0 : i32
    %c0_i32_0 = arith.constant 0 : i32
    %c0_i32_1 = arith.constant 0 : i32
    return %c0_i32, %c0_i32_0 : i32, i32
  }
  func.func @transform_6(%arg0: i32) -> (i32, i32) {
    %c0_i32 = arith.constant 0 : i32
    %c0_i32_0 = arith.constant 0 : i32
    %c0_i32_1 = arith.constant 0 : i32
    return %c0_i32, %c0_i32_0 : i32, i32
  }
  func.func @transform_7(%arg0: i32) -> (i32, i32) {
    %c0_i32 = arith.constant 0 : i32
    %c0_i32_0 = arith.constant 0 : i32
    return %arg0, %c0_i32 : i32, i32
  }
}

module attributes {stable_mosaic.version = 14 : i64} {
  func.func @_tc_mlp_body(%arg0: i32, %arg1: memref<1000x128xf32, #tpu.memory_space<vmem>>, %arg2: memref<1x1000x128xf32, #tpu.memory_space<vmem>>, %arg3: memref<1x1000x128xf32, #tpu.memory_space<vmem>>, %arg4: memref<128x128xf32, #tpu.memory_space<vmem>>, %arg5: memref<1x128xf32, #tpu.memory_space<vmem>>, %arg6: memref<128x128xf32, #tpu.memory_space<vmem>>, %arg7: memref<1x128xf32, #tpu.memory_space<vmem>>, %arg8: memref<1000x128xf32, #tpu.memory_space<vmem>>) attributes {dimension_semantics = [#tpu.dimension_semantics<arbitrary>], iteration_bounds = array<i64: 10>, scalar_prefetch = 0 : i64, scratch_operands = 0 : i64, tpu.core_type = #tpu.core_type<tc>, window_params = [{transform_indices = @transform_0, window_bounds = array<i64: 1000, 128>}, {transform_indices = @transform_1, window_bounds = array<i64: 1, 1000, 128>}, {transform_indices = @transform_2, window_bounds = array<i64: 1, 1000, 128>}, {pipeline_mode = #tpu.pipeline_mode<synchronous>, transform_indices = @transform_3, window_bounds = array<i64: 128, 128>}, {pipeline_mode = #tpu.pipeline_mode<synchronous>, transform_indices = @transform_4, window_bounds = array<i64: 1, 128>}, {pipeline_mode = #tpu.pipeline_mode<synchronous>, transform_indices = @transform_5, window_bounds = array<i64: 128, 128>}, {pipeline_mode = #tpu.pipeline_mode<synchronous>, transform_indices = @transform_6, window_bounds = array<i64: 1, 128>}, {transform_indices = @transform_7, window_bounds = array<i64: 1000, 128>}]} {
    %get3A = arith.constant 0 : index
    %get3A_0 = arith.constant 0 : index
    %get3A_1 = vector.load %arg1[%get3A, %get3A_0] : memref<1000x128xf32, #tpu.memory_space<vmem>>, vector<1000x128xf32>
    %get3A_2 = arith.constant 0 : index
    %get3A_3 = arith.constant 0 : index
    %get3A_4 = arith.constant 0 : index
    %get3A_5 = vector.load %arg2[%get3A_2, %get3A_3, %get3A_4] : memref<1x1000x128xf32, #tpu.memory_space<vmem>>, vector<1x1000x128xf32>
    %get3A_6 = vector.shape_cast %get3A_5 : vector<1x1000x128xf32> to vector<1000x128xf32>
    %add3A = arith.addf %get3A_1, %get3A_6 : vector<1000x128xf32>
    %get3A_7 = arith.constant 0 : index
    %get3A_8 = arith.constant 0 : index
    %get3A_9 = arith.constant 0 : index
    %get3A_10 = vector.load %arg3[%get3A_7, %get3A_8, %get3A_9] : memref<1x1000x128xf32, #tpu.memory_space<vmem>>, vector<1x1000x128xf32>
    %get3A_11 = vector.shape_cast %get3A_10 : vector<1x1000x128xf32> to vector<1000x128xf32>
    %add3A_12 = arith.addf %add3A, %get3A_11 : vector<1000x128xf32>
    %get3A_13 = arith.constant 0 : index
    %get3A_14 = arith.constant 0 : index
    %get3A_15 = vector.load %arg4[%get3A_13, %get3A_14] : memref<128x128xf32, #tpu.memory_space<vmem>>, vector<128x128xf32>
    %dot_general3A = arith.constant dense<0.000000e+00> : vector<1000x128xf32>
    %dot_general3A_16 = tpu.matmul %add3A_12, %get3A_15, %dot_general3A {dimension_numbers = #tpu.dot_dimension_numbers<[1], [0], [0], [1], [0, 0, 1, 1], [], []>, transpose_lhs_hint = false} : vector<1000x128xf32>, vector<128x128xf32>, vector<1000x128xf32> -> vector<1000x128xf32>
    %get3A_17 = arith.constant 0 : index
    %get3A_18 = arith.constant 0 : index
    %get3A_19 = vector.load %arg5[%get3A_17, %get3A_18] : memref<1x128xf32, #tpu.memory_space<vmem>>, vector<1x128xf32>
    %add3A_20 = vector.broadcast %get3A_19 : vector<1x128xf32> to vector<1000x128xf32>
    %add3A_21 = arith.addf %dot_general3A_16, %add3A_20 : vector<1000x128xf32>
    %max3A = arith.constant 0.000000e+00 : f32
    %max3A_22 = vector.broadcast %max3A : f32 to vector<1000x128xf32>
    %max3A_23 = arith.maximumf %add3A_21, %max3A_22 : vector<1000x128xf32>
    %get3A_24 = arith.constant 0 : index
    %get3A_25 = arith.constant 0 : index
    %get3A_26 = vector.load %arg6[%get3A_24, %get3A_25] : memref<128x128xf32, #tpu.memory_space<vmem>>, vector<128x128xf32>
    %dot_general3A_27 = arith.constant dense<0.000000e+00> : vector<1000x128xf32>
    %dot_general3A_28 = tpu.matmul %max3A_23, %get3A_26, %dot_general3A_27 {dimension_numbers = #tpu.dot_dimension_numbers<[1], [0], [0], [1], [0, 0, 1, 1], [], []>, transpose_lhs_hint = false} : vector<1000x128xf32>, vector<128x128xf32>, vector<1000x128xf32> -> vector<1000x128xf32>
    %get3A_29 = arith.constant 0 : index
    %get3A_30 = arith.constant 0 : index
    %get3A_31 = vector.load %arg7[%get3A_29, %get3A_30] : memref<1x128xf32, #tpu.memory_space<vmem>>, vector<1x128xf32>
    %add3A_32 = vector.broadcast %get3A_31 : vector<1x128xf32> to vector<1000x128xf32>
    %add3A_33 = arith.addf %dot_general3A_28, %add3A_32 : vector<1000x128xf32>
    %max3A_34 = arith.constant 0.000000e+00 : f32
    %max3A_35 = vector.broadcast %max3A_34 : f32 to vector<1000x128xf32>
    %max3A_36 = arith.maximumf %add3A_33, %max3A_35 : vector<1000x128xf32>
    %swap3A = arith.constant 0 : index
    %swap3A_37 = arith.constant 0 : index
    %swap3A_38 = vector.load %arg8[%swap3A, %swap3A_37] : memref<1000x128xf32, #tpu.memory_space<vmem>>, vector<1000x128xf32>
    tpu.vector_store %arg8[%swap3A, %swap3A_37], %max3A_36 {strides = array<i32>} : memref<1000x128xf32, #tpu.memory_space<vmem>>, vector<1000x128xf32>,
    return
  }
  func.func @transform_0(%arg0: i32) -> (i32, i32) {
    %c0_i32 = arith.constant 0 : i32
    %c0_i32_0 = arith.constant 0 : i32
    return %arg0, %c0_i32 : i32, i32
  }
  func.func @transform_1(%arg0: i32) -> (i32, i32, i32) {
    %c0_i32 = arith.constant 0 : i32
    %c0_i32_0 = arith.constant 0 : i32
    %c0_i32_1 = arith.constant 0 : i32
    return %c0_i32, %arg0, %c0_i32_0 : i32, i32, i32
  }
  func.func @transform_2(%arg0: i32) -> (i32, i32, i32) {
    %c1_i32 = arith.constant 1 : i32
    %c0_i32 = arith.constant 0 : i32
    %c0_i32_0 = arith.constant 0 : i32
    return %c1_i32, %arg0, %c0_i32 : i32, i32, i32
  }
  func.func @transform_3(%arg0: i32) -> (i32, i32) {
    %c0_i32 = arith.constant 0 : i32
    %c0_i32_0 = arith.constant 0 : i32
    %c0_i32_1 = arith.constant 0 : i32
    return %c0_i32, %c0_i32_0 : i32, i32
  }
  func.func @transform_4(%arg0: i32) -> (i32, i32) {
    %c0_i32 = arith.constant 0 : i32
    %c0_i32_0 = arith.constant 0 : i32
    %c0_i32_1 = arith.constant 0 : i32
    return %c0_i32, %c0_i32_0 : i32, i32
  }
  func.func @transform_5(%arg0: i32) -> (i32, i32) {
    %c0_i32 = arith.constant 0 : i32
    %c0_i32_0 = arith.constant 0 : i32
    %c0_i32_1 = arith.constant 0 : i32
    return %c0_i32, %c0_i32_0 : i32, i32
  }
  func.func @transform_6(%arg0: i32) -> (i32, i32) {
    %c0_i32 = arith.constant 0 : i32
    %c0_i32_0 = arith.constant 0 : i32
    %c0_i32_1 = arith.constant 0 : i32
    return %c0_i32, %c0_i32_0 : i32, i32
  }
  func.func @transform_7(%arg0: i32) -> (i32, i32) {
    %c0_i32 = arith.constant 0 : i32
    %c0_i32_0 = arith.constant 0 : i32
    return %arg0, %c0_i32 : i32, i32
  }
}

module attributes {stable_mosaic.version = 14 : i64} {
  func.func @_tc_pred_body(%arg0: i32, %arg1: memref<1024x128xf32, #tpu.memory_space<vmem>>, %arg2: memref<1024x128xf32, #tpu.memory_space<vmem>>, %arg3: memref<128x64xf32, #tpu.memory_space<vmem>>, %arg4: memref<1x64xf32, #tpu.memory_space<vmem>>, %arg5: memref<64x1xf32, #tpu.memory_space<vmem>>, %arg6: memref<1x1xf32, #tpu.memory_space<vmem>>, %arg7: memref<1024x1xf32, #tpu.memory_space<vmem>>) attributes {dimension_semantics = [#tpu.dimension_semantics<arbitrary>], iteration_bounds = array<i64: 20>, scalar_prefetch = 0 : i64, scratch_operands = 0 : i64, tpu.core_type = #tpu.core_type<tc>, window_params = [{transform_indices = @transform_0, window_bounds = array<i64: 1024, 128>}, {transform_indices = @transform_1, window_bounds = array<i64: 1024, 128>}, {pipeline_mode = #tpu.pipeline_mode<synchronous>, transform_indices = @transform_2, window_bounds = array<i64: 128, 64>}, {pipeline_mode = #tpu.pipeline_mode<synchronous>, transform_indices = @transform_3, window_bounds = array<i64: 1, 64>}, {pipeline_mode = #tpu.pipeline_mode<synchronous>, transform_indices = @transform_4, window_bounds = array<i64: 64, 1>}, {pipeline_mode = #tpu.pipeline_mode<synchronous>, transform_indices = @transform_5, window_bounds = array<i64: 1, 1>}, {transform_indices = @transform_6, window_bounds = array<i64: 1024, 1>}]} {
    %get3A = arith.constant 0 : index
    %get3A_0 = arith.constant 0 : index
    %get3A_1 = vector.load %arg1[%get3A, %get3A_0] : memref<1024x128xf32, #tpu.memory_space<vmem>>, vector<1024x128xf32>
    %get3A_2 = arith.constant 0 : index
    %get3A_3 = arith.constant 0 : index
    %get3A_4 = vector.load %arg2[%get3A_2, %get3A_3] : memref<1024x128xf32, #tpu.memory_space<vmem>>, vector<1024x128xf32>
    %mul3A = arith.mulf %get3A_1, %get3A_4 : vector<1024x128xf32>
    %get3A_5 = arith.constant 0 : index
    %get3A_6 = arith.constant 0 : index
    %get3A_7 = vector.load %arg3[%get3A_5, %get3A_6] : memref<128x64xf32, #tpu.memory_space<vmem>>, vector<128x64xf32>
    %dot_general3A = arith.constant dense<0.000000e+00> : vector<1024x64xf32>
    %dot_general3A_8 = tpu.matmul %mul3A, %get3A_7, %dot_general3A {dimension_numbers = #tpu.dot_dimension_numbers<[1], [0], [0], [1], [0, 0, 1, 1], [], []>, transpose_lhs_hint = false} : vector<1024x128xf32>, vector<128x64xf32>, vector<1024x64xf32> -> vector<1024x64xf32>
    %get3A_9 = arith.constant 0 : index
    %get3A_10 = arith.constant 0 : index
    %get3A_11 = vector.load %arg4[%get3A_9, %get3A_10] : memref<1x64xf32, #tpu.memory_space<vmem>>, vector<1x64xf32>
    %add3A = vector.broadcast %get3A_11 : vector<1x64xf32> to vector<1024x64xf32>
    %add3A_12 = arith.addf %dot_general3A_8, %add3A : vector<1024x64xf32>
    %max3A = arith.constant 0.000000e+00 : f32
    %max3A_13 = vector.broadcast %max3A : f32 to vector<1024x64xf32>
    %max3A_14 = arith.maximumf %add3A_12, %max3A_13 : vector<1024x64xf32>
    %get3A_15 = arith.constant 0 : index
    %get3A_16 = arith.constant 0 : index
    %get3A_17 = vector.load %arg5[%get3A_15, %get3A_16] : memref<64x1xf32, #tpu.memory_space<vmem>>, vector<64x1xf32>
    %dot_general3A_18 = arith.constant dense<0.000000e+00> : vector<1024x1xf32>
    %dot_general3A_19 = tpu.matmul %max3A_14, %get3A_17, %dot_general3A_18 {dimension_numbers = #tpu.dot_dimension_numbers<[1], [0], [0], [1], [0, 0, 1, 1], [], []>, transpose_lhs_hint = false} : vector<1024x64xf32>, vector<64x1xf32>, vector<1024x1xf32> -> vector<1024x1xf32>
    %get3A_20 = arith.constant 0 : index
    %get3A_21 = arith.constant 0 : index
    %get3A_22 = vector.load %arg6[%get3A_20, %get3A_21] : memref<1x1xf32, #tpu.memory_space<vmem>>, vector<1x1xf32>
    %add3A_23 = vector.broadcast %get3A_22 : vector<1x1xf32> to vector<1024x1xf32>
    %add3A_24 = arith.addf %dot_general3A_19, %add3A_23 : vector<1024x1xf32>
    %swap3A = arith.constant 0 : index
    %swap3A_25 = arith.constant 0 : index
    %swap3A_26 = vector.load %arg7[%swap3A, %swap3A_25] : memref<1024x1xf32, #tpu.memory_space<vmem>>, vector<1024x1xf32>
    tpu.vector_store %arg7[%swap3A, %swap3A_25], %add3A_24 {strides = array<i32>} : memref<1024x1xf32, #tpu.memory_space<vmem>>, vector<1024x1xf32>,
    return
  }
  func.func @transform_0(%arg0: i32) -> (i32, i32) {
    %jit3A = arith.constant 10 : i32
    %div3A = arith.divsi %arg0, %jit3A : i32
    %sign3A = arith.constant 0 : i32
    %sign3A_0 = arith.cmpi sgt, %arg0, %sign3A : i32
    %sign3A_1 = arith.extui %sign3A_0 : i1 to i32
    %sign3A_2 = arith.constant 0 : i32
    %sign3A_3 = arith.cmpi slt, %arg0, %sign3A_2 : i32
    %sign3A_4 = arith.extui %sign3A_3 : i1 to i32
    %sign3A_5 = arith.subi %sign3A_1, %sign3A_4 : i32
    %sign3A_6 = arith.constant 0 : i32
    %sign3A_7 = arith.cmpi sgt, %jit3A, %sign3A_6 : i32
    %sign3A_8 = arith.extui %sign3A_7 : i1 to i32
    %sign3A_9 = arith.constant 0 : i32
    %sign3A_10 = arith.cmpi slt, %jit3A, %sign3A_9 : i32
    %sign3A_11 = arith.extui %sign3A_10 : i1 to i32
    %sign3A_12 = arith.subi %sign3A_8, %sign3A_11 : i32
    %ne3A = arith.cmpi ne, %sign3A_5, %sign3A_12 : i32
    %rem3A = arith.remsi %arg0, %jit3A : i32
    %ne3A_13 = arith.constant 0 : i32
    %ne3A_14 = arith.cmpi ne, %rem3A, %ne3A_13 : i32
    %and3A = arith.andi %ne3A, %ne3A_14 : i1
    %sub3A = arith.constant 1 : i32
    %sub3A_15 = arith.subi %div3A, %sub3A : i32
    %select_n3A = arith.select %and3A, %sub3A_15, %div3A : i32
    %mul3A = arith.constant 2 : i32
    %mul3A_16 = arith.muli %select_n3A, %mul3A : i32
    %mul3A_17 = arith.constant 10 : i32
    %mul3A_18 = arith.muli %mul3A_16, %mul3A_17 : i32
    %jit3A_19 = arith.constant 10 : i32
    %eq3A = arith.constant 0 : i32
    %eq3A_20 = arith.cmpi eq, %jit3A_19, %eq3A : i32
    %jit3A_21 = arith.constant 1 : i32
    %select_n3A_22 = arith.select %eq3A_20, %jit3A_21, %jit3A_19 : i32
    %rem3A_23 = arith.remsi %arg0, %select_n3A_22 : i32
    %ne3A_24 = arith.constant 0 : i32
    %ne3A_25 = arith.cmpi ne, %rem3A_23, %ne3A_24 : i32
    %lt3A = arith.constant 0 : i32
    %lt3A_26 = arith.cmpi slt, %rem3A_23, %lt3A : i32
    %lt3A_27 = arith.constant 0 : i32
    %lt3A_28 = arith.cmpi slt, %select_n3A_22, %lt3A_27 : i32
    %ne3A_29 = arith.xori %lt3A_26, %lt3A_28 : i1
    %and3A_30 = arith.andi %ne3A_29, %ne3A_25 : i1
    %add3A = arith.addi %rem3A_23, %select_n3A_22 : i32
    %select_n3A_31 = arith.select %and3A_30, %add3A, %rem3A_23 : i32
    %add3A_32 = arith.addi %mul3A_18, %select_n3A_31 : i32
    %c0_i32 = arith.constant 0 : i32
    %c0_i32_33 = arith.constant 0 : i32
    return %add3A_32, %c0_i32 : i32, i32
  }
  func.func @transform_1(%arg0: i32) -> (i32, i32) {
    %jit3A = arith.constant 10 : i32
    %div3A = arith.divsi %arg0, %jit3A : i32
    %sign3A = arith.constant 0 : i32
    %sign3A_0 = arith.cmpi sgt, %arg0, %sign3A : i32
    %sign3A_1 = arith.extui %sign3A_0 : i1 to i32
    %sign3A_2 = arith.constant 0 : i32
    %sign3A_3 = arith.cmpi slt, %arg0, %sign3A_2 : i32
    %sign3A_4 = arith.extui %sign3A_3 : i1 to i32
    %sign3A_5 = arith.subi %sign3A_1, %sign3A_4 : i32
    %sign3A_6 = arith.constant 0 : i32
    %sign3A_7 = arith.cmpi sgt, %jit3A, %sign3A_6 : i32
    %sign3A_8 = arith.extui %sign3A_7 : i1 to i32
    %sign3A_9 = arith.constant 0 : i32
    %sign3A_10 = arith.cmpi slt, %jit3A, %sign3A_9 : i32
    %sign3A_11 = arith.extui %sign3A_10 : i1 to i32
    %sign3A_12 = arith.subi %sign3A_8, %sign3A_11 : i32
    %ne3A = arith.cmpi ne, %sign3A_5, %sign3A_12 : i32
    %rem3A = arith.remsi %arg0, %jit3A : i32
    %ne3A_13 = arith.constant 0 : i32
    %ne3A_14 = arith.cmpi ne, %rem3A, %ne3A_13 : i32
    %and3A = arith.andi %ne3A, %ne3A_14 : i1
    %sub3A = arith.constant 1 : i32
    %sub3A_15 = arith.subi %div3A, %sub3A : i32
    %select_n3A = arith.select %and3A, %sub3A_15, %div3A : i32
    %mul3A = arith.constant 2 : i32
    %mul3A_16 = arith.muli %select_n3A, %mul3A : i32
    %mul3A_17 = arith.constant 10 : i32
    %mul3A_18 = arith.muli %mul3A_16, %mul3A_17 : i32
    %add3A = arith.constant 10 : i32
    %add3A_19 = arith.addi %mul3A_18, %add3A : i32
    %jit3A_20 = arith.constant 10 : i32
    %eq3A = arith.constant 0 : i32
    %eq3A_21 = arith.cmpi eq, %jit3A_20, %eq3A : i32
    %jit3A_22 = arith.constant 1 : i32
    %select_n3A_23 = arith.select %eq3A_21, %jit3A_22, %jit3A_20 : i32
    %rem3A_24 = arith.remsi %arg0, %select_n3A_23 : i32
    %ne3A_25 = arith.constant 0 : i32
    %ne3A_26 = arith.cmpi ne, %rem3A_24, %ne3A_25 : i32
    %lt3A = arith.constant 0 : i32
    %lt3A_27 = arith.cmpi slt, %rem3A_24, %lt3A : i32
    %lt3A_28 = arith.constant 0 : i32
    %lt3A_29 = arith.cmpi slt, %select_n3A_23, %lt3A_28 : i32
    %ne3A_30 = arith.xori %lt3A_27, %lt3A_29 : i1
    %and3A_31 = arith.andi %ne3A_30, %ne3A_26 : i1
    %add3A_32 = arith.addi %rem3A_24, %select_n3A_23 : i32
    %select_n3A_33 = arith.select %and3A_31, %add3A_32, %rem3A_24 : i32
    %add3A_34 = arith.addi %add3A_19, %select_n3A_33 : i32
    %c0_i32 = arith.constant 0 : i32
    %c0_i32_35 = arith.constant 0 : i32
    return %add3A_34, %c0_i32 : i32, i32
  }
  func.func @transform_2(%arg0: i32) -> (i32, i32) {
    %c0_i32 = arith.constant 0 : i32
    %c0_i32_0 = arith.constant 0 : i32
    %c0_i32_1 = arith.constant 0 : i32
    return %c0_i32, %c0_i32_0 : i32, i32
  }
  func.func @transform_3(%arg0: i32) -> (i32, i32) {
    %c0_i32 = arith.constant 0 : i32
    %c0_i32_0 = arith.constant 0 : i32
    %c0_i32_1 = arith.constant 0 : i32
    return %c0_i32, %c0_i32_0 : i32, i32
  }
  func.func @transform_4(%arg0: i32) -> (i32, i32) {
    %c0_i32 = arith.constant 0 : i32
    %c0_i32_0 = arith.constant 0 : i32
    %c0_i32_1 = arith.constant 0 : i32
    return %c0_i32, %c0_i32_0 : i32, i32
  }
  func.func @transform_5(%arg0: i32) -> (i32, i32) {
    %c0_i32 = arith.constant 0 : i32
    %c0_i32_0 = arith.constant 0 : i32
    %c0_i32_1 = arith.constant 0 : i32
    return %c0_i32, %c0_i32_0 : i32, i32
  }
  func.func @transform_6(%arg0: i32) -> (i32, i32) {
    %c0_i32 = arith.constant 0 : i32
    %c0_i32_0 = arith.constant 0 : i32
    return %arg0, %c0_i32 : i32, i32
  }
}

</mosaic_0001>

<sc_bundles>
// kernel: kernel.11.cloned.1.call-start
scs
__scs_entry_jumppad:
0x0: {  	(pc) =	sbr.rel $0x88, $3  }
0x1: {  	(tag) =	ssettag $0x0;
	lr =	simm.s32 $0x1  }
0x2: {  	[smem:$0x3F90] =	sst lr;
	_ =	strace $0xD0000000  }
0x3: {  	_ = 	snop  }
0x4: {  	_ = 	snop  }
0x5: {  	_ = 	snop  }
0x6: {  	_ = 	snop  }
0x7: {  	_ = 	snop  }
__scs_overlays_trampoline_lowered:
0x8: {  	[smem:$0x3F9F] =	sst s0  }
0x9: {  	[smem:$0x3FA0] =	sst s1  }
0xa: {  	[smem:$0x3FA1] =	sst s2  }
0xb: {  	[smem:$0x3FA2] =	sst s3  }
0xc: {  	[smem:$0x3FA3] =	sst s4  }
0xd: {  	[smem:$0x3FA4] =	sst s5  }
0xe: {  	[smem:$0x3FA5] =	sst s6  }
0xf: {  	[smem:$0x3FA6] =	sst s7  }
0x10: {  	[smem:$0x3FA7] =	sst s8  }
0x11: {  	[smem:$0x3FA8] =	sst s9;
	s0 =	simm.s32 @!p0 $0x0  }
0x12: {  	s1 =	sld [smem:$0x3F8E];
	s0 =	simm.s32 @p0 $0x1  }
0x13: {  	[smem:$0x3FA9] =	sst s0;
	s0 =	simm.s32 @!p1 $0x0  }
0x14: {  	s2 =	sld [smem:$0x3F8D];
	s0 =	simm.s32 @p1 $0x1  }
0x15: {  	[smem:$0x3FAA] =	sst s0;
	s0 =	simm.s32 @!p2 $0x0  }
0x16: {  	s3 =	sld [smem:$0x3FDB];
	s0 =	simm.s32 @p2 $0x1  }
0x17: {  	s4 =	simm.s32 $0x1BF5;
	[smem:$0x3FAC] =	sst s0  }
0x18: {  	s0 =	sld [smem:$0x3F8F];
	_ =	swait.ge [sflag:s4], $0x0  }
0x19: {  	s7 =	sld [smem:$0x3F90]  }
0x1a: {  	s8 =	sadd.s32 $0xFFFFE003, lr  }
0x1b: {  	s9 =	sadd.s32 $0xFFFFFEF7, lr;
	s5 =	simm.s32 $0xFFFFFFFF;
	p2 =	slt.u32 s8, $0xFFFFF086  }
0x1c: {  	p1 =	slt.u32 s9, $0xF7A;
	s5 =	simm.s32 @!p2 $0x0  }
0x1d: {  	s5 =	simm.s32 @p1 $0x1;
	p0 =	seq.s32 s7, s2  }
0x1e: {  	s7 =	smul.u32 @!p0 $0xF7A, s2;
	p2 =	seq.s32 @!p0 s5, $0x0  }
0x1f: {  	s9 =	smul.u32 $0xF7A, s1;
	s8 =	simm.s32 @!p0 $0x1BF5;
	p2 =	por !p2, p0  }
0x20: {  	[sflag:s8] =	ssyncset.s32 @!p0 $0xFFFFF086;
	s6 =	sadd.s32 @!p0 s3, s7;
	s7 =	simm.s32 @!p0 $0x108  }
0x21: {  	s3 =	sadd.s32 s3, s9;
	s6 =	sadd.s32 @!p0 $0x88, s6;
	s7 =	simm.s32 @p2 $0x1082  }
0x22: {  	[simem:s7], [sflag:s8] =	dma.local @!p0 [hbm:s6], $0xF7A  }
0x23: {  	s9 =	sor.u32 $0xD0000000, s2;
	s6 =	simm.s32 $0x108;
	_ =	swait.ge @!p0 [sflag:s8], $0x0  }
0x24: {  	s3 =	sadd.s32 $0x88, s3;
	s6 =	simm.s32 @!p1 $0x1082;
	[sflag:s4] =	ssyncset.s32 $0xFFFFF086  }
0x25: {  	[simem:s6], [sflag:s4] =	dma.local [hbm:s3], $0xF7A  }
0x26: {  	[smem:$0x3F90] =	sst s1;
	(tag) =	ssettag s2;
	_ =	strace s9  }
0x27: {  	s1 =	sld [smem:$0x3FA0]  }
0x28: {  	s2 =	sld [smem:$0x3FA1]  }
0x29: {  	s4 =	sld [smem:$0x3FA3]  }
0x2a: {  	p0 =	seq.s32 s5, $0x0;
	s5 =	sld [smem:$0x3FA4]  }
0x2b: {  	s6 =	sld [smem:$0x3FA5]  }
0x2c: {  	s7 =	sld [smem:$0x3FA6]  }
0x2d: {  	s3 =	simm.s32 $0x108;
	s8 =	sld [smem:$0x3FA7]  }
0x2e: {  	s3 =	simm.s32 @!p0 $0x1082;
	s9 =	sld [smem:$0x3FA8]  }
0x2f: {  	lr =	sadd.s32 s0, s3;
	s0 =	sld [smem:$0x3F9F]  }
0x30: {  	s3 =	sld [smem:$0x3FA2]  }
0x31: {  	[smem:$0x3FAB] =	sst s10  }
0x32: {  	s10 =	sld [smem:$0x3FA9];
	_ =	sdelay $0x3  }
0x33: {  	p0 =	seq.s32 s10, $0x1;
	s10 =	sld [smem:$0x3FAB];
	_ =	sdelay $0x3  }
0x34: {  	[smem:$0x3FAB] =	sst s10  }
0x35: {  	s10 =	sld [smem:$0x3FAA];
	_ =	sdelay $0x3  }
0x36: {  	p1 =	seq.s32 s10, $0x1;
	s10 =	sld [smem:$0x3FAB];
	_ =	sdelay $0x3  }
0x37: {  	[smem:$0x3FAB] =	sst s10  }
0x38: {  	s10 =	sld [smem:$0x3FAC]  }
0x39: {  	_ = 	snop;
	(pc) =	sbr.ind lr, $3  }
0x3a: {  	_ = 	snop  }
0x3b: {  	_ = 	snop  }
0x3c: {  	p2 =	seq.s32 s10, $0x1;
	s10 =	sld [smem:$0x3FAB]  }
0x3d: {  	_ =	shalt  }
0x3e: {  	_ =	shalt  }
0x3f: {  	_ =	shalt  }
0x40: {  	_ =	shalt  }
0x41: {  	_ =	shalt  }
0x42: {  	_ =	shalt  }
0x43: {  	_ =	shalt  }
0x44: {  	_ =	shalt  }
0x45: {  	_ =	shalt  }
0x46: {  	_ =	shalt  }
0x47: {  	_ =	shalt  }
0x48: {  	_ =	shalt  }
0x49: {  	_ =	shalt  }
0x4a: {  	_ =	shalt  }
0x4b: {  	_ =	shalt  }
0x4c: {  	_ =	shalt  }
0x4d: {  	_ =	shalt  }
0x4e: {  	_ =	shalt  }
0x4f: {  	_ =	shalt  }
0x50: {  	_ =	shalt  }
0x51: {  	_ =	shalt  }
0x52: {  	_ =	shalt  }
0x53: {  	_ =	shalt  }
0x54: {  	_ =	shalt  }
0x55: {  	_ =	shalt  }
0x56: {  	_ =	shalt  }
0x57: {  	_ =	shalt  }
0x58: {  	_ =	shalt  }
0x59: {  	_ =	shalt  }
0x5a: {  	_ =	shalt  }
0x5b: {  	_ =	shalt  }
0x5c: {  	_ =	shalt  }
0x5d: {  	_ =	shalt  }
0x5e: {  	_ =	shalt  }
0x5f: {  	_ =	shalt  }
0x60: {  	_ =	shalt  }
0x61: {  	_ =	shalt  }
0x62: {  	_ =	shalt  }
0x63: {  	_ =	shalt  }
0x64: {  	_ =	shalt  }
0x65: {  	_ =	shalt  }
0x66: {  	_ =	shalt  }
0x67: {  	_ =	shalt  }
0x68: {  	_ =	shalt  }
0x69: {  	_ =	shalt  }
0x6a: {  	_ =	shalt  }
0x6b: {  	_ =	shalt  }
0x6c: {  	_ =	shalt  }
0x6d: {  	_ =	shalt  }
0x6e: {  	_ =	shalt  }
0x6f: {  	_ =	shalt  }
0x70: {  	_ =	shalt  }
0x71: {  	_ =	shalt  }
0x72: {  	_ =	shalt  }
0x73: {  	_ =	shalt  }
0x74: {  	_ =	shalt  }
0x75: {  	_ =	shalt  }
0x76: {  	_ =	shalt  }
0x77: {  	_ =	shalt  }
0x78: {  	_ =	shalt  }
0x79: {  	_ =	shalt  }
0x7a: {  	_ =	shalt  }
0x7b: {  	_ =	shalt  }
0x7c: {  	_ =	shalt  }
0x7d: {  	_ =	shalt  }
0x7e: {  	_ =	shalt  }
0x7f: {  	_ =	shalt  }
0x80: {  	_ =	shalt  }
0x81: {  	_ =	shalt  }
0x82: {  	_ =	shalt  }
0x83: {  	_ =	shalt  }
0x84: {  	_ =	shalt  }
0x85: {  	_ =	shalt  }
0x86: {  	_ =	shalt  }
0x87: {  	_ =	shalt  }
.Lfunc_end0:
.L_simem_size_0:
called_computation.1_lowered:
.L_overlay_start_0:
0x88: {  	s2 =	sld [smem:$0x3FD9]  }
0x89: {  	s3 =	sld [smem:$0x3FFE];
	_ =	sdelay $0x1  }
0x8a: {  	s1 =	srdreg.scid  }
0x8b: {  	s0 =	sand.u32 $0x1, s1  }
0x8c: {  	s14 =	sshll.u32 s0, $0xA;
	s2 =	sadd.s32 s3, s2  }
0x8d: {  	s2 =	sadd.s32 s2, s14  }
0x8e: {  	[smem:$0x3FB7] =	sst s2  }
0x8f: {  	_ = 	snop  }
0x90: {  	s2 =	sld [smem:$0x3FD0];
	_ =	sdelay $0x2  }
0x91: {  	s15 =	simm.s32 $0xA;
	s4 =	simm.s32 $0x10  }
0x92: {  	[smem:s4], [sflag:s15] =	dma.local [hbm:s2], $0x1  }
0x93: {  	_ =	swait.eq [sflag:s15], $0x1  }
0x94: {  	[sflag:s15] =	ssyncset.done $0x0  }
0x95: {  	[sflag:s15] =	ssyncadd.s32 $0xFFFFFFFF  }
0x96: {  	s16 =	sld [smem:$0x12];
	(tm) =	ssettm $0x1  }
0x97: {  	s17 =	sld [smem:$0x3FFB];
	_ =	sdelay $0x3  }
0x98: {  	_ =	strace s17  }
0x99: {  	s3 =	sld [smem:$0x3FFC];
	_ =	sdelay $0x3  }
0x9a: {  	_ =	strace s3  }
0x9b: {  	s3 =	sld [smem:$0x3FFD];
	_ =	sdelay $0x3  }
0x9c: {  	_ =	strace s3  }
0x9d: {  	_ =	strace $0x8FFFFFFF  }
0x9e: {  	s18 =	sld [smem:$0x3FDB];
	_ =	sdelay $0x1  }
0x9f: {  	s19 =	simm.s32 $_scs_section_size  }
0xa0: {  	s5 =	simm.s32 $_size__tile_overlayer_lowered;
	s6 =	simm.s32 $_tile_overlayer_lowered  }
0xa1: {  	s22 =	simm.s32 $0x1BFF;
	s21 =	sshll.u32 s6, $0x1;
	s3 =	sadd.s32 s19, s18  }
0xa2: {  	s7 =	simm.s32 $0x0;
	s20 =	sshll.u32 s5, $0x1;
	s5 =	sadd.s32 s21, s3  }
0xa3: {  	[timem:s7], [sflag:s22] =	dma.local [hbm:s5], s20  }
0xa4: {  	_ =	swait.ge [sflag:s22], s20  }
0xa5: {  	s4 =	ssub.s32 $0x0, s20;
	[sflag:s22] =	ssyncset.done $0x0  }
0xa6: {  	[sflag:s22] =	ssyncadd.s32 s4;
	_ =	sdelay $0x1  }
0xa7: {  	s23 =	simm.s32 $0x1B8B  }
0xa8: {  	_ =	swait.ge [sflag:s23], $0x1  }
0xa9: {  	[sflag:s23] =	ssyncset.done $0x0  }
0xaa: {  	s25 =	simm.s32 $0x1B8E;
	s24 =	sld [smem:$0x3FFE];
	[sflag:s23] =	ssyncadd.s32 $0xFFFFFFFF  }
0xab: {  	s26 =	simm.s32 $execute0_lowered;
	[smem:$0x3FD2] =	sst s25  }
0xac: {  	s5 =	sshll.u32 s26, $0x1;
	_ =	strace $0x80000049;
	[dreg:$0x1] =	wrdreg $0xFFFFFFFF  }
0xad: {  	s28 =	simm.s32 $_size_execute0_lowered;
	s3 =	sadd.s32 s3, s5;
	[dreg:$0x0] =	wrdreg $0x0  }
0xae: {  	s5 =	sshll.u32 s28, $0x1;
	[dreg:$0x2] =	wrdreg s3  }
0xaf: {  	[dreg:$0x3] =	wrdreg s5  }
0xb0: {  	[dreg:$0x4] =	wrdreg $0xC0  }
0xb1: {  	_ =	task [dreg:s7], $0x5FFFF  }
0xb2: {  	[dreg:$0x1] =	wrdreg $0xFFFFFFFF  }
0xb3: {  	[dreg:$0x0] =	wrdreg $0x60  }
0xb4: {  	[dreg:$0x2] =	wrdreg s16  }
0xb5: {  	[dreg:$0x3] =	wrdreg s24  }
0xb6: {  	[dreg:$0x4] =	wrdreg $0x0  }
0xb7: {  	[dreg:$0x5] =	wrdreg $0x9  }
0xb8: {  	_ =	task.clear_ibuf [dreg:s7], $0x6FFFF;
	_ =	strace $0x90000049  }
0xb9: {  	s29 =	simm.s32 $0x9;
	_ =	strace $0x8000004B  }
0xba: {  	_ =	swait.ge [sflag:s29], $0x1  }
0xbb: {  	[sflag:s29] =	ssyncadd.s32 $0xFFFFFFFF  }
0xbc: {  	_ =	strace $0x9000004B  }
0xbd: {  	_ =	sfence  }
0xbe: {  	s30 =	sld [smem:$0x0];
	_ =	sdelay $0x2  }
0xbf: {  	s31 =	sshll.u32 s1, $0xD;
	s1 =	sshrl.u32 s1, $0x2  }
0xc0: {  	s3 =	sand.u32 $0x4000, s31;
	s1 =	sadd.s32 s1, s30  }
0xc1: {  	s0 =	sor.u32 s3, s0;
	s1 =	sshll.u32 s1, $0x11  }
0xc2: {  	s0 =	sor.u32 s1, s0  }
0xc3: {  	s0 =	sadd.s32 $0x8F2B, s0  }
0xc4: {  	[sflag:s0] =	ssyncadd.remote.s32 $0x1  }
0xc5: {  	_ =	sfence.sel $0xFFFF  }
0xc6: {  	[dreg:$0x0] =	wrdreg $0xFFFFFFFF;
	(pc) =	sbr.abs _section_cstart, $3  }
0xc7: {  	[dreg:$0x1] =	wrdreg $0xFFFFFFFF  }
0xc8: {  	_ =	task.clear_ibuf [dreg:s7], $0x2FFFF;
	_ =	strace $0x9FFFFFFF  }
0xc9: {  	(tm) =	ssettm $0x7FFFFFFF  }
tec
execute0_lowered:
.L_overlay_start_1:
0x0: {  	(tag) =	ssettag $0x1  }
0x1: {  	s1 =	rddreg [dreg:$0x0]  }
0x2: {  	s5 =	rddreg [dreg:$0x1]  }
0x3: {  	s3 =	rddreg [dreg:$0x2]  }
0x4: {  	s0 =	rddreg [dreg:$0x3];
	s4 =	simm.s32 $0x0;
	s2 =	stileid.u32  }
0x5: {  	s6 =	srdreg.scid;
	s16 =	simm.s32 $0x80;
	s17 =	simm.s32 $0x16400  }
0x6: {  	s18 =	simm.s32 $0x13C80;
	s19 =	simm.s32 $0x1A400;
	s20 =	simm.s32 $0x1  }
0x7: {  	s21 =	simm.s32 $0x2;
	s22 =	simm.s32 $0x16300;
	s23 =	simm.s32 $0x16380  }
0x8: {  	[smem:$0x7FF] =	sst s4;
	s24 =	smul.u32 $0x2780, s2;
	s9 =	sadd.s32 $0x8C400, s5  }
0x9: {  	s6 =	sand.u32 $0x1, s6;
	s10 =	sadd.s32 $0x82400, s5;
	s12 =	sshll.u32 s2, $0x1  }
0xa: {  	s13 =	smul.u32 $0x4F000, s2;
	s30 =	sshll.u32 s2, $0x6;
	_ =	strace $0x8000004A  }
0xb: {  	s8 =	smul.u32 $0x27800, s6;
	s11 =	ssub.s32 $0x2, s6;
	s6 =	sor.u32 s6, s12  }
0xc: {  	s7 =	sadd.s32 s24, s5;
	s25 =	sshrl.u32 s11, $0x1;
	s28 =	smul.u32 $0x2800, s6  }
0xd: {  	s26 =	sshrl.u32 s13, $0x2;
	s15 =	smul.u32 $0x500, s6;
	s6 =	sor.u32 $0x1C03, s30  }
0xe: {  	s14 =	sadd.s32 s8, s5;
	s11 =	ssub.s32 s11, s25;
	s29 =	sadd.s32 s26, s3  }
0xf: {  	s5 =	sadd.s32 $0xBC00, s7;
	s31 =	sshrl.u32 s28, $0x3;
	s7 =	sadd.s32 s9, s15  }
0x10: {  	s8 =	sadd.s32 s10, s15;
	s25 =	sadd.s32 $0x33400, s14;
	s11 =	smax.u32 s11, $0x1  }
0x11: {  	s12 =	sshrl.u32 s29, $0x3;
	s14 =	simm.s32 $0x13C00;
	s15 =	simm.s32 $0x15000  }
0x12: {  	s13 =	sadd.s32 $0x280, s31;
	s24 =	sadd.s32 s24, s25;
	s25 =	simm.s32 $0x0  }
0x13: {  	s9 =	sadd.s32 s9, s13;
	s10 =	sadd.s32 s10, s13;
	s13 =	simm.s32 $0x3  }
.LBB2_1:
0x14: {  	[spmem:s12], [sflag:s6] =	dma.local [hbm:s5], $0x2780  }
0x15: {  	_ =	swait.ge [sflag:s13], $0x2780  }
0x16: {  	[sflag:s13] =	ssyncset.done $0x0  }
0x17: {  	[sflag:s13] =	ssyncadd.s32 $0xFFFFD880  }
0x18: {  	[bflag:$0x0] =	sbarrier.arrive $0xFFFF  }
0x19: {  	[tilespmem:s14], [sflag:$0x3] =	stream.linear.gather [hbm4b:s7+s4], $0x1400, $0x38;
	[tilespmem:$0x1E400] =	vst v63  }
0x1a: {  	_ =	swait.ge [sflag:s13], $0x1400  }
0x1b: {  	[sflag:s13] =	ssyncset.done $0x0  }
0x1c: {  	[sflag:s13] =	ssyncadd.s32 $0xFFFFEC00  }
0x1d: {  	[tilespmem:s15], [sflag:$0x3] =	stream.linear.gather [hbm4b:s8+s4], $0x1400, $0x38;
	[tilespmem:$0x1E400] =	vst v63  }
0x1e: {  	_ =	swait.ge [sflag:s13], $0x1400  }
0x1f: {  	[sflag:s13] =	ssyncset.done $0x0  }
0x20: {  	[sflag:s13] =	ssyncadd.s32 $0xFFFFEC00  }
0x21: {  	[tilespmem:s17], [sflag:$0x1] =	stream.indirect.gather [hbm4b:s1+s16], $0x80, s14, s16, $0xb8;
	[tilespmem:$0x1E400] =	vst v63  }
0x22: {  	_ = 	snop  }
0x23: {  	[tilespmem:s19], [sflag:$0x2] =	stream.indirect.gather [hbm4b:s1+s16], $0x80, s18, s16, $0xb8;
	[tilespmem:$0x1E400] =	vst v63  }
0x24: {  	_ =	swait.ge [sflag:s20], $0x4000  }
0x25: {  	[sflag:s20] =	ssyncset.done $0x0  }
0x26: {  	s26 =	simm.s32 $0x15000;
	[sflag:s20] =	ssyncadd.s32 $0xFFFFC000  }
0x27: {  	[spmem:s3] =	stream.indirect.scatter.add.f32 [tilespmem:s17], [sflag:$0x3], $0x80, s26, s16, $0xb8;
	[tilespmem:$0x1E400] =	vst v63  }
0x28: {  	_ =	swait.ge [sflag:s13], $0x4000  }
0x29: {  	[sflag:s13] =	ssyncset.done $0x0  }
0x2a: {  	s30 =	simm.s32 $0x13D00;
	[sflag:s13] =	ssyncadd.s32 $0xFFFFC000  }
0x2b: {  	[tilespmem:s17], [sflag:$0x1] =	stream.indirect.gather [hbm4b:s1+s16], $0x80, s30, s16, $0xb8;
	[tilespmem:$0x1E400] =	vst v63  }
0x2c: {  	_ =	swait.ge [sflag:s21], $0x4000  }
0x2d: {  	[sflag:s21] =	ssyncset.done $0x0  }
0x2e: {  	s31 =	simm.s32 $0x15080;
	[sflag:s21] =	ssyncadd.s32 $0xFFFFC000  }
0x2f: {  	[spmem:s3] =	stream.indirect.scatter.add.f32 [tilespmem:s19], [sflag:$0x3], $0x80, s31, s16, $0xb8;
	[tilespmem:$0x1E400] =	vst v63  }
0x30: {  	_ =	swait.ge [sflag:s13], $0x4000  }
0x31: {  	[sflag:s13] =	ssyncset.done $0x0  }
0x32: {  	s28 =	simm.s32 $0x13D80;
	s26 =	simm.s32 $0x400;
	[sflag:s13] =	ssyncadd.s32 $0xFFFFC000  }
.LBB2_2:
0x33: {  	[tilespmem:s19], [sflag:$0x2] =	stream.indirect.gather [hbm4b:s1+s16], $0x80, s28, s16, $0xb8;
	[tilespmem:$0x1E400] =	vst v63  }
0x34: {  	s28 =	smov.u32 s26  }
0x35: {  	p0 =	sne.s32 s26, $0x4800;
	s26 =	sadd.s32 $0x400, s26;
	_ =	swait.ge [sflag:s20], $0x4000  }
0x36: {  	s28 =	sshra.s32 s28, $0x2;
	[sflag:s20] =	ssyncset.done $0x0  }
0x37: {  	s29 =	sadd.s32 $0x15000, s28;
	[sflag:s20] =	ssyncadd.s32 $0xFFFFC000  }
0x38: {  	[spmem:s3] =	stream.indirect.scatter.add.f32 [tilespmem:s17], [sflag:$0x3], $0x80, s29, s16, $0xb8;
	[tilespmem:$0x1E400] =	vst v63  }
0x39: {  	_ =	swait.ge [sflag:s13], $0x4000  }
0x3a: {  	[sflag:s13] =	ssyncset.done $0x0  }
0x3b: {  	s29 =	sadd.s32 $0x13D00, s28;
	[sflag:s13] =	ssyncadd.s32 $0xFFFFC000  }
0x3c: {  	[tilespmem:s17], [sflag:$0x1] =	stream.indirect.gather [hbm4b:s1+s16], $0x80, s29, s16, $0xb8;
	[tilespmem:$0x1E400] =	vst v63  }
0x3d: {  	_ =	swait.ge [sflag:s21], $0x4000  }
0x3e: {  	[sflag:s21] =	ssyncset.done $0x0  }
.Ltmp0:
0x3f: {  	s29 =	sadd.s32 $0x15080, s28;
	[sflag:s21] =	ssyncadd.s32 $0xFFFFC000;
	(pc) =	sbr.rel @p0 .LBB2_2-.Ltmp0, $4  }
0x40: {  	[spmem:s3] =	stream.indirect.scatter.add.f32 [tilespmem:s19], [sflag:$0x3], $0x80, s29, s16, $0xb8;
	[tilespmem:$0x1E400] =	vst v63  }
0x41: {  	_ =	swait.ge [sflag:s13], $0x4000  }
0x42: {  	[sflag:s13] =	ssyncset.done $0x0  }
0x43: {  	s28 =	sadd.s32 $0x13D80, s28;
	[sflag:s13] =	ssyncadd.s32 $0xFFFFC000  }
0x44: {  	[tilespmem:s19], [sflag:$0x2] =	stream.indirect.gather [hbm4b:s1+s16], $0x80, s28, s16, $0xb8;
	[tilespmem:$0x1E400] =	vst v63  }
0x45: {  	_ =	swait.ge [sflag:s20], $0x4000  }
0x46: {  	[sflag:s20] =	ssyncset.done $0x0  }
0x47: {  	[sflag:s20] =	ssyncadd.s32 $0xFFFFC000  }
0x48: {  	[spmem:s3] =	stream.indirect.scatter.add.f32 [tilespmem:s17], [sflag:$0x3], $0x80, s22, s16, $0xb8;
	[tilespmem:$0x1E400] =	vst v63  }
0x49: {  	_ =	swait.ge [sflag:s13], $0x4000  }
0x4a: {  	[sflag:s13] =	ssyncset.done $0x0  }
0x4b: {  	[sflag:s13] =	ssyncadd.s32 $0xFFFFC000  }
0x4c: {  	_ =	swait.ge [sflag:s21], $0x4000  }
0x4d: {  	[sflag:s21] =	ssyncset.done $0x0  }
0x4e: {  	[sflag:s21] =	ssyncadd.s32 $0xFFFFC000  }
0x4f: {  	[spmem:s3] =	stream.indirect.scatter.add.f32 [tilespmem:s19], [sflag:$0x3], $0x80, s23, s16, $0xb8;
	[tilespmem:$0x1E400] =	vst v63  }
0x50: {  	_ =	swait.ge [sflag:s13], $0x4000  }
0x51: {  	[sflag:s13] =	ssyncset.done $0x0  }
0x52: {  	s26 =	simm.s32 $0x0;
	[sflag:s13] =	ssyncadd.s32 $0xFFFFC000  }
0x53: {  	[tilespmem:s14], [sflag:$0x3] =	stream.linear.gather [hbm4b:s9+s26], $0x1400, $0x38;
	[tilespmem:$0x1E400] =	vst v63  }
0x54: {  	_ =	swait.ge [sflag:s13], $0x1400  }
0x55: {  	[sflag:s13] =	ssyncset.done $0x0  }
0x56: {  	[sflag:s13] =	ssyncadd.s32 $0xFFFFEC00  }
0x57: {  	[tilespmem:s15], [sflag:$0x3] =	stream.linear.gather [hbm4b:s10+s26], $0x1400, $0x38;
	[tilespmem:$0x1E400] =	vst v63  }
0x58: {  	_ =	swait.ge [sflag:s13], $0x1400  }
0x59: {  	[sflag:s13] =	ssyncset.done $0x0  }
0x5a: {  	[sflag:s13] =	ssyncadd.s32 $0xFFFFEC00  }
0x5b: {  	[tilespmem:s17], [sflag:$0x1] =	stream.indirect.gather [hbm4b:s1+s16], $0x80, s14, s16, $0xb8;
	[tilespmem:$0x1E400] =	vst v63  }
0x5c: {  	_ = 	snop  }
0x5d: {  	[tilespmem:s19], [sflag:$0x2] =	stream.indirect.gather [hbm4b:s1+s16], $0x80, s18, s16, $0xb8;
	[tilespmem:$0x1E400] =	vst v63  }
0x5e: {  	_ =	swait.ge [sflag:s20], $0x4000  }
0x5f: {  	[sflag:s20] =	ssyncset.done $0x0  }
0x60: {  	s29 =	simm.s32 $0x15000;
	[sflag:s20] =	ssyncadd.s32 $0xFFFFC000  }
0x61: {  	[spmem:s3] =	stream.indirect.scatter.add.f32 [tilespmem:s17], [sflag:$0x3], $0x80, s29, s16, $0xb8;
	[tilespmem:$0x1E400] =	vst v63  }
0x62: {  	_ =	swait.ge [sflag:s13], $0x4000  }
0x63: {  	[sflag:s13] =	ssyncset.done $0x0  }
0x64: {  	s30 =	simm.s32 $0x13D00;
	[sflag:s13] =	ssyncadd.s32 $0xFFFFC000  }
0x65: {  	[tilespmem:s17], [sflag:$0x1] =	stream.indirect.gather [hbm4b:s1+s16], $0x80, s30, s16, $0xb8;
	[tilespmem:$0x1E400] =	vst v63  }
0x66: {  	_ =	swait.ge [sflag:s21], $0x4000  }
0x67: {  	[sflag:s21] =	ssyncset.done $0x0  }
0x68: {  	s31 =	simm.s32 $0x15080;
	[sflag:s21] =	ssyncadd.s32 $0xFFFFC000  }
0x69: {  	[spmem:s3] =	stream.indirect.scatter.add.f32 [tilespmem:s19], [sflag:$0x3], $0x80, s31, s16, $0xb8;
	[tilespmem:$0x1E400] =	vst v63  }
0x6a: {  	_ =	swait.ge [sflag:s13], $0x4000  }
0x6b: {  	[sflag:s13] =	ssyncset.done $0x0  }
0x6c: {  	s28 =	simm.s32 $0x13D80;
	s26 =	simm.s32 $0x400;
	[sflag:s13] =	ssyncadd.s32 $0xFFFFC000  }
.LBB2_4:
0x6d: {  	[tilespmem:s19], [sflag:$0x2] =	stream.indirect.gather [hbm4b:s1+s16], $0x80, s28, s16, $0xb8;
	[tilespmem:$0x1E400] =	vst v63  }
0x6e: {  	s28 =	smov.u32 s26  }
0x6f: {  	p0 =	sne.s32 s26, $0x4800;
	s26 =	sadd.s32 $0x400, s26;
	_ =	swait.ge [sflag:s20], $0x4000  }
0x70: {  	s28 =	sshra.s32 s28, $0x2;
	[sflag:s20] =	ssyncset.done $0x0  }
0x71: {  	s29 =	sadd.s32 $0x15000, s28;
	[sflag:s20] =	ssyncadd.s32 $0xFFFFC000  }
0x72: {  	[spmem:s3] =	stream.indirect.scatter.add.f32 [tilespmem:s17], [sflag:$0x3], $0x80, s29, s16, $0xb8;
	[tilespmem:$0x1E400] =	vst v63  }
0x73: {  	_ =	swait.ge [sflag:s13], $0x4000  }
0x74: {  	[sflag:s13] =	ssyncset.done $0x0  }
0x75: {  	s29 =	sadd.s32 $0x13D00, s28;
	[sflag:s13] =	ssyncadd.s32 $0xFFFFC000  }
0x76: {  	[tilespmem:s17], [sflag:$0x1] =	stream.indirect.gather [hbm4b:s1+s16], $0x80, s29, s16, $0xb8;
	[tilespmem:$0x1E400] =	vst v63  }
0x77: {  	_ =	swait.ge [sflag:s21], $0x4000  }
0x78: {  	[sflag:s21] =	ssyncset.done $0x0  }
.Ltmp1:
0x79: {  	s29 =	sadd.s32 $0x15080, s28;
	[sflag:s21] =	ssyncadd.s32 $0xFFFFC000;
	(pc) =	sbr.rel @p0 .LBB2_4-.Ltmp1, $4  }
0x7a: {  	[spmem:s3] =	stream.indirect.scatter.add.f32 [tilespmem:s19], [sflag:$0x3], $0x80, s29, s16, $0xb8;
	[tilespmem:$0x1E400] =	vst v63  }
0x7b: {  	_ =	swait.ge [sflag:s13], $0x4000  }
0x7c: {  	[sflag:s13] =	ssyncset.done $0x0  }
0x7d: {  	s28 =	sadd.s32 $0x13D80, s28;
	[sflag:s13] =	ssyncadd.s32 $0xFFFFC000  }
0x7e: {  	[tilespmem:s19], [sflag:$0x2] =	stream.indirect.gather [hbm4b:s1+s16], $0x80, s28, s16, $0xb8;
	[tilespmem:$0x1E400] =	vst v63  }
0x7f: {  	_ =	swait.ge [sflag:s20], $0x4000  }
0x80: {  	[sflag:s20] =	ssyncset.done $0x0  }
0x81: {  	[sflag:s20] =	ssyncadd.s32 $0xFFFFC000  }
0x82: {  	[spmem:s3] =	stream.indirect.scatter.add.f32 [tilespmem:s17], [sflag:$0x3], $0x80, s22, s16, $0xb8;
	[tilespmem:$0x1E400] =	vst v63  }
0x83: {  	_ =	swait.ge [sflag:s13], $0x4000  }
0x84: {  	[sflag:s13] =	ssyncset.done $0x0  }
0x85: {  	[sflag:s13] =	ssyncadd.s32 $0xFFFFC000  }
0x86: {  	_ =	swait.ge [sflag:s21], $0x4000  }
0x87: {  	[sflag:s21] =	ssyncset.done $0x0  }
0x88: {  	[sflag:s21] =	ssyncadd.s32 $0xFFFFC000  }
0x89: {  	[spmem:s3] =	stream.indirect.scatter.add.f32 [tilespmem:s19], [sflag:$0x3], $0x80, s23, s16, $0xb8;
	[tilespmem:$0x1E400] =	vst v63  }
0x8a: {  	_ =	swait.ge [sflag:s13], $0x4000  }
0x8b: {  	s25 =	sadd.s32 $0x1, s25;
	[sflag:s13] =	ssyncset.done $0x0  }
0x8c: {  	p0 =	sne.s32 s25, s11;
	[sflag:s13] =	ssyncadd.s32 $0xFFFFC000  }
.Ltmp2:
0x8d: {  	[bflag:$0x0] =	sbarrier.arrive $0xFFFF;
	(pc) =	sbr.rel @p0 .LBB2_1-.Ltmp2, $4  }
0x8e: {  	[hbm:s24], [sflag:s6] =	dma.local [spmem:s12], $0x2780  }
0x8f: {  	_ =	swait.ge [sflag:s13], $0x2780  }
0x90: {  	[sflag:s13] =	ssyncset.done $0x0  }
0x91: {  	[sflag:s13] =	ssyncadd.s32 $0xFFFFD880  }
0x92: {  	_ =	sfence.sel $0x180000  }
0x93: {  	[bflag:$0x0] =	sbarrier.arrive $0xFFFF  }
0x94: {  	p0 =	sne.s32 s2, $0x0;
	_ =	strace $0x9000004A  }
0x95: {  	s0 =	sadd.s32 @!p0 $0x100000, s0;
	[bflag:$0x2] =	sbarrier.arrive $0xFFFF  }
0x96: {  	[sflag:s0] =	ssyncadd.tile.s32 @!p0 $0x1;
	_ =	shalt  }
.Lfunc_end2:
_tile_overlayer_lowered:
.L_overlay_start_2:
0x97: {  	(tag) =	ssettag $0x2  }
0x98: {  	s0 =	rddreg [dreg:$0x0];
	s2 =	stileid.u32  }
0x99: {  	s1 =	rddreg [dreg:$0x1];
	p0 =	sne.s32 s2, $0x0  }
0x9a: {  	s3 =	rddreg [dreg:$0x2];
	[bflag:$0x3] =	sbarrier.arrive $0xFFFF;
	s2 =	simm.s32 @!p0 $0x1C03  }
0x9b: {  	[timem:s3], [sflag:s2] =	dma.local @!p0 [hbm:s0], s1  }
0x9c: {  	s0 =	simm.s32 @!p0 $0x3  }
0x9d: {  	_ =	swait.ge @!p0 [sflag:s0], s1  }
0x9e: {  	s1 =	ssub.s32 @!p0 $0x0, s1;
	[sflag:s0] =	ssyncset.done @!p0 $0x0  }
0x9f: {  	[sflag:s0] =	ssyncadd.s32 @!p0 s1  }
0xa0: {  	[bflag:$0x3] =	sbarrier.arrive $0xFFFF  }
0xa1: {  	_ =	shalt  }

// kernel: kernel.14.cloned.1.call-start
scs
__scs_entry_jumppad:
0x0: {  	(pc) =	sbr.rel $0x88, $3  }
0x1: {  	(tag) =	ssettag $0x0;
	lr =	simm.s32 $0x1  }
0x2: {  	[smem:$0x3F90] =	sst lr;
	_ =	strace $0xD0000000  }
0x3: {  	_ = 	snop  }
0x4: {  	_ = 	snop  }
0x5: {  	_ = 	snop  }
0x6: {  	_ = 	snop  }
0x7: {  	_ = 	snop  }
__scs_overlays_trampoline_lowered:
0x8: {  	[smem:$0x3F9F] =	sst s0  }
0x9: {  	[smem:$0x3FA0] =	sst s1  }
0xa: {  	[smem:$0x3FA1] =	sst s2  }
0xb: {  	[smem:$0x3FA2] =	sst s3  }
0xc: {  	[smem:$0x3FA3] =	sst s4  }
0xd: {  	[smem:$0x3FA4] =	sst s5  }
0xe: {  	[smem:$0x3FA5] =	sst s6  }
0xf: {  	[smem:$0x3FA6] =	sst s7  }
0x10: {  	[smem:$0x3FA7] =	sst s8  }
0x11: {  	[smem:$0x3FA8] =	sst s9;
	s0 =	simm.s32 @!p0 $0x0  }
0x12: {  	s1 =	sld [smem:$0x3F8E];
	s0 =	simm.s32 @p0 $0x1  }
0x13: {  	[smem:$0x3FA9] =	sst s0;
	s0 =	simm.s32 @!p1 $0x0  }
0x14: {  	s2 =	sld [smem:$0x3F8D];
	s0 =	simm.s32 @p1 $0x1  }
0x15: {  	[smem:$0x3FAA] =	sst s0;
	s0 =	simm.s32 @!p2 $0x0  }
0x16: {  	s3 =	sld [smem:$0x3FDB];
	s0 =	simm.s32 @p2 $0x1  }
0x17: {  	s4 =	simm.s32 $0x1BF5;
	[smem:$0x3FAC] =	sst s0  }
0x18: {  	s0 =	sld [smem:$0x3F8F];
	_ =	swait.ge [sflag:s4], $0x0  }
0x19: {  	s7 =	sld [smem:$0x3F90]  }
0x1a: {  	s8 =	sadd.s32 $0xFFFFE003, lr  }
0x1b: {  	s9 =	sadd.s32 $0xFFFFFEF7, lr;
	s5 =	simm.s32 $0xFFFFFFFF;
	p2 =	slt.u32 s8, $0xFFFFF086  }
0x1c: {  	p1 =	slt.u32 s9, $0xF7A;
	s5 =	simm.s32 @!p2 $0x0  }
0x1d: {  	s5 =	simm.s32 @p1 $0x1;
	p0 =	seq.s32 s7, s2  }
0x1e: {  	s7 =	smul.u32 @!p0 $0xF7A, s2;
	p2 =	seq.s32 @!p0 s5, $0x0  }
0x1f: {  	s9 =	smul.u32 $0xF7A, s1;
	s8 =	simm.s32 @!p0 $0x1BF5;
	p2 =	por !p2, p0  }
0x20: {  	[sflag:s8] =	ssyncset.s32 @!p0 $0xFFFFF086;
	s6 =	sadd.s32 @!p0 s3, s7;
	s7 =	simm.s32 @!p0 $0x108  }
0x21: {  	s3 =	sadd.s32 s3, s9;
	s6 =	sadd.s32 @!p0 $0x88, s6;
	s7 =	simm.s32 @p2 $0x1082  }
0x22: {  	[simem:s7], [sflag:s8] =	dma.local @!p0 [hbm:s6], $0xF7A  }
0x23: {  	s9 =	sor.u32 $0xD0000000, s2;
	s6 =	simm.s32 $0x108;
	_ =	swait.ge @!p0 [sflag:s8], $0x0  }
0x24: {  	s3 =	sadd.s32 $0x88, s3;
	s6 =	simm.s32 @!p1 $0x1082;
	[sflag:s4] =	ssyncset.s32 $0xFFFFF086  }
0x25: {  	[simem:s6], [sflag:s4] =	dma.local [hbm:s3], $0xF7A  }
0x26: {  	[smem:$0x3F90] =	sst s1;
	(tag) =	ssettag s2;
	_ =	strace s9  }
0x27: {  	s1 =	sld [smem:$0x3FA0]  }
0x28: {  	s2 =	sld [smem:$0x3FA1]  }
0x29: {  	s4 =	sld [smem:$0x3FA3]  }
0x2a: {  	p0 =	seq.s32 s5, $0x0;
	s5 =	sld [smem:$0x3FA4]  }
0x2b: {  	s6 =	sld [smem:$0x3FA5]  }
0x2c: {  	s7 =	sld [smem:$0x3FA6]  }
0x2d: {  	s3 =	simm.s32 $0x108;
	s8 =	sld [smem:$0x3FA7]  }
0x2e: {  	s3 =	simm.s32 @!p0 $0x1082;
	s9 =	sld [smem:$0x3FA8]  }
0x2f: {  	lr =	sadd.s32 s0, s3;
	s0 =	sld [smem:$0x3F9F]  }
0x30: {  	s3 =	sld [smem:$0x3FA2]  }
0x31: {  	[smem:$0x3FAB] =	sst s10  }
0x32: {  	s10 =	sld [smem:$0x3FA9];
	_ =	sdelay $0x3  }
0x33: {  	p0 =	seq.s32 s10, $0x1;
	s10 =	sld [smem:$0x3FAB];
	_ =	sdelay $0x3  }
0x34: {  	[smem:$0x3FAB] =	sst s10  }
0x35: {  	s10 =	sld [smem:$0x3FAA];
	_ =	sdelay $0x3  }
0x36: {  	p1 =	seq.s32 s10, $0x1;
	s10 =	sld [smem:$0x3FAB];
	_ =	sdelay $0x3  }
0x37: {  	[smem:$0x3FAB] =	sst s10  }
0x38: {  	s10 =	sld [smem:$0x3FAC]  }
0x39: {  	_ = 	snop;
	(pc) =	sbr.ind lr, $3  }
0x3a: {  	_ = 	snop  }
0x3b: {  	_ = 	snop  }
0x3c: {  	p2 =	seq.s32 s10, $0x1;
	s10 =	sld [smem:$0x3FAB]  }
0x3d: {  	_ =	shalt  }
0x3e: {  	_ =	shalt  }
0x3f: {  	_ =	shalt  }
0x40: {  	_ =	shalt  }
0x41: {  	_ =	shalt  }
0x42: {  	_ =	shalt  }
0x43: {  	_ =	shalt  }
0x44: {  	_ =	shalt  }
0x45: {  	_ =	shalt  }
0x46: {  	_ =	shalt  }
0x47: {  	_ =	shalt  }
0x48: {  	_ =	shalt  }
0x49: {  	_ =	shalt  }
0x4a: {  	_ =	shalt  }
0x4b: {  	_ =	shalt  }
0x4c: {  	_ =	shalt  }
0x4d: {  	_ =	shalt  }
0x4e: {  	_ =	shalt  }
0x4f: {  	_ =	shalt  }
0x50: {  	_ =	shalt  }
0x51: {  	_ =	shalt  }
0x52: {  	_ =	shalt  }
0x53: {  	_ =	shalt  }
0x54: {  	_ =	shalt  }
0x55: {  	_ =	shalt  }
0x56: {  	_ =	shalt  }
0x57: {  	_ =	shalt  }
0x58: {  	_ =	shalt  }
0x59: {  	_ =	shalt  }
0x5a: {  	_ =	shalt  }
0x5b: {  	_ =	shalt  }
0x5c: {  	_ =	shalt  }
0x5d: {  	_ =	shalt  }
0x5e: {  	_ =	shalt  }
0x5f: {  	_ =	shalt  }
0x60: {  	_ =	shalt  }
0x61: {  	_ =	shalt  }
0x62: {  	_ =	shalt  }
0x63: {  	_ =	shalt  }
0x64: {  	_ =	shalt  }
0x65: {  	_ =	shalt  }
0x66: {  	_ =	shalt  }
0x67: {  	_ =	shalt  }
0x68: {  	_ =	shalt  }
0x69: {  	_ =	shalt  }
0x6a: {  	_ =	shalt  }
0x6b: {  	_ =	shalt  }
0x6c: {  	_ =	shalt  }
0x6d: {  	_ =	shalt  }
0x6e: {  	_ =	shalt  }
0x6f: {  	_ =	shalt  }
0x70: {  	_ =	shalt  }
0x71: {  	_ =	shalt  }
0x72: {  	_ =	shalt  }
0x73: {  	_ =	shalt  }
0x74: {  	_ =	shalt  }
0x75: {  	_ =	shalt  }
0x76: {  	_ =	shalt  }
0x77: {  	_ =	shalt  }
0x78: {  	_ =	shalt  }
0x79: {  	_ =	shalt  }
0x7a: {  	_ =	shalt  }
0x7b: {  	_ =	shalt  }
0x7c: {  	_ =	shalt  }
0x7d: {  	_ =	shalt  }
0x7e: {  	_ =	shalt  }
0x7f: {  	_ =	shalt  }
0x80: {  	_ =	shalt  }
0x81: {  	_ =	shalt  }
0x82: {  	_ =	shalt  }
0x83: {  	_ =	shalt  }
0x84: {  	_ =	shalt  }
0x85: {  	_ =	shalt  }
0x86: {  	_ =	shalt  }
0x87: {  	_ =	shalt  }
.Lfunc_end0:
.L_simem_size_0:
called_computation.2_lowered:
.L_overlay_start_0:
0x88: {  	s2 =	sld [smem:$0x3FD9]  }
0x89: {  	s3 =	sld [smem:$0x3FFE];
	_ =	sdelay $0x1  }
0x8a: {  	s1 =	srdreg.scid  }
0x8b: {  	s0 =	sand.u32 $0x1, s1  }
0x8c: {  	s16 =	sshll.u32 s0, $0xA;
	s2 =	sadd.s32 s3, s2  }
0x8d: {  	s2 =	sadd.s32 s2, s16  }
0x8e: {  	[smem:$0x3FB7] =	sst s2  }
0x8f: {  	_ = 	snop  }
0x90: {  	(tm) =	ssettm $0x1  }
0x91: {  	s17 =	sld [smem:$0x3FFB];
	_ =	sdelay $0x3  }
0x92: {  	_ =	strace s17  }
0x93: {  	s2 =	sld [smem:$0x3FFC];
	_ =	sdelay $0x3  }
0x94: {  	_ =	strace s2  }
0x95: {  	s2 =	sld [smem:$0x3FFD];
	_ =	sdelay $0x3  }
0x96: {  	_ =	strace s2  }
0x97: {  	_ =	strace $0x8FFFFFFF  }
0x98: {  	s18 =	sld [smem:$0x3FDB];
	_ =	sdelay $0x1  }
0x99: {  	s19 =	simm.s32 $_scs_section_size  }
0x9a: {  	s4 =	simm.s32 $_size__tile_overlayer_lowered;
	s5 =	simm.s32 $_tile_overlayer_lowered  }
0x9b: {  	s22 =	simm.s32 $0x1BFF;
	s21 =	sshll.u32 s5, $0x1;
	s2 =	sadd.s32 s19, s18  }
0x9c: {  	s6 =	simm.s32 $0x0;
	s20 =	sshll.u32 s4, $0x1;
	s4 =	sadd.s32 s21, s2  }
0x9d: {  	[timem:s6], [sflag:s22] =	dma.local [hbm:s4], s20  }
0x9e: {  	_ =	swait.ge [sflag:s22], s20  }
0x9f: {  	s3 =	ssub.s32 $0x0, s20;
	[sflag:s22] =	ssyncset.done $0x0  }
0xa0: {  	[sflag:s22] =	ssyncadd.s32 s3;
	_ =	sdelay $0x1  }
0xa1: {  	s23 =	simm.s32 $0x1B8B  }
0xa2: {  	_ =	swait.ge [sflag:s23], $0x1  }
0xa3: {  	[sflag:s23] =	ssyncset.done $0x0  }
0xa4: {  	s25 =	simm.s32 $0x1B8E;
	s24 =	sld [smem:$0x3FFE];
	[sflag:s23] =	ssyncadd.s32 $0xFFFFFFFF  }
0xa5: {  	s26 =	simm.s32 $execute0_lowered;
	[smem:$0x3FD2] =	sst s25  }
0xa6: {  	s4 =	sshll.u32 s26, $0x1;
	_ =	strace $0x8000004C;
	[dreg:$0x1] =	wrdreg $0xFFFFFFFF  }
0xa7: {  	s28 =	simm.s32 $_size_execute0_lowered;
	s2 =	sadd.s32 s2, s4;
	[dreg:$0x0] =	wrdreg $0x0  }
0xa8: {  	s4 =	sshll.u32 s28, $0x1;
	[dreg:$0x2] =	wrdreg s2  }
0xa9: {  	[dreg:$0x3] =	wrdreg s4  }
0xaa: {  	[dreg:$0x4] =	wrdreg $0xC0  }
0xab: {  	_ =	task [dreg:s6], $0x5FFFF  }
0xac: {  	[dreg:$0x1] =	wrdreg $0xFFFFFFFF  }
0xad: {  	[dreg:$0x0] =	wrdreg $0x60  }
0xae: {  	[dreg:$0x2] =	wrdreg s24  }
0xaf: {  	[dreg:$0x3] =	wrdreg $0x0  }
0xb0: {  	[dreg:$0x4] =	wrdreg $0x9  }
0xb1: {  	_ =	task.clear_ibuf [dreg:s6], $0x5FFFF;
	_ =	strace $0x9000004C  }
0xb2: {  	s29 =	simm.s32 $0x9;
	_ =	strace $0x8000004E  }
0xb3: {  	_ =	swait.ge [sflag:s29], $0x1  }
0xb4: {  	[sflag:s29] =	ssyncadd.s32 $0xFFFFFFFF  }
0xb5: {  	_ =	strace $0x9000004E  }
0xb6: {  	_ =	sfence  }
0xb7: {  	s30 =	sld [smem:$0x0];
	_ =	sdelay $0x2  }
0xb8: {  	s31 =	sshll.u32 s1, $0xD;
	s1 =	sshrl.u32 s1, $0x2  }
0xb9: {  	s3 =	sand.u32 $0x4000, s31;
	s1 =	sadd.s32 s1, s30  }
0xba: {  	s0 =	sor.u32 s3, s0;
	s1 =	sshll.u32 s1, $0x11  }
0xbb: {  	s0 =	sor.u32 s1, s0  }
0xbc: {  	s0 =	sadd.s32 $0x8F2B, s0  }
0xbd: {  	[sflag:s0] =	ssyncadd.remote.s32 $0x1  }
0xbe: {  	_ =	sfence.sel $0xFFFF  }
0xbf: {  	[dreg:$0x0] =	wrdreg $0xFFFFFFFF;
	(pc) =	sbr.abs _section_cstart, $3  }
0xc0: {  	[dreg:$0x1] =	wrdreg $0xFFFFFFFF  }
0xc1: {  	_ =	task.clear_ibuf [dreg:s6], $0x2FFFF;
	_ =	strace $0x9FFFFFFF  }
0xc2: {  	(tm) =	ssettm $0x7FFFFFFF  }
0xc3: {  	_ =	shalt  }
tec
execute0_lowered:
.L_overlay_start_1:
0x0: {  	(tag) =	ssettag $0x1  }
0x1: {  	s12 =	rddreg [dreg:$0x0]  }
0x2: {  	s2 =	rddreg [dreg:$0x1]  }
0x3: {  	s3 =	simm.s32 $0x0;
	s1 =	stileid.u32;
	s4 =	srdreg.scid  }
0x4: {  	[smem:$0x7FF] =	sst s3;
	s0 =	smul.u32 $0x2780, s1;
	s9 =	sand.u32 $0x1, s4  }
0x5: {  	s17 =	sshll.u32 s1, $0x1;
	s19 =	sshll.u32 s1, $0x6;
	s21 =	smul.u32 $0x4F000, s1  }
0x6: {  	_ =	strace $0x8000004D;
	s13 =	sor.u32 s9, s17;
	s20 =	sor.u32 $0x1C03, s19  }
0x7: {  	s5 =	sadd.s32 s0, s12;
	s6 =	smul.u32 $0xA0, s13;
	[dreg:$0x4] =	wrdreg s20  }
0x8: {  	s18 =	sadd.s32 $0x3000, s5;
	s7 =	rddreg [dreg:$0x4]  }
0x9: {  	s5 =	sshrl.u32 s21, $0x2;
	[dreg:$0x3] =	wrdreg s18;
	s22 =	sadd.s32 s6, s12  }
0xa: {  	s5 =	sadd.s32 s5, s2;
	s23 =	rddreg [dreg:$0x3];
	s4 =	sadd.s32 $0x1C00, s22  }
0xb: {  	s5 =	sshrl.u32 s5, $0x3;
	[dreg:$0x5] =	wrdreg s4;
	s4 =	simm.s32 $0x3  }
0xc: {  	[spmem:s5], [sflag:s7] =	dma.local [hbm:s23], $0x2780  }
0xd: {  	_ =	swait.ge [sflag:s4], $0x2780  }
0xe: {  	[sflag:s4] =	ssyncset.done $0x0  }
0xf: {  	s6 =	simm.s32 $0x13C00;
	s24 =	rddreg [dreg:$0x5];
	[sflag:s4] =	ssyncadd.s32 $0xFFFFD880  }
0x10: {  	[tilespmem:s6], [sflag:$0x3] =	stream.linear.gather [hbm4b:s24+s3], $0x500, $0x38;
	[tilespmem:$0x1C100] =	vst v63  }
0x11: {  	_ =	swait.ge [sflag:s4], $0x500  }
0x12: {  	[sflag:s4] =	ssyncset.done $0x0  }
0x13: {  	s8 =	simm.s32 $0x14100;
	[sflag:s4] =	ssyncadd.s32 $0xFFFFFB00  }
0x14: {  	s25 =	simm.s32 $0x13C80;
	s7 =	simm.s32 $0x80;
	[bflag:$0x0] =	sbarrier.arrive $0xFFFF  }
0x15: {  	[tilespmem:s8], [sflag:$0x1] =	stream.indirect.gather [spmem:s2], $0x80, s6, s7, $0xb8;
	[tilespmem:$0x1C100] =	vst v63  }
0x16: {  	s10 =	simm.s32 $0x18100;
	s11 =	simm.s32 $0x1;
	s14 =	smul.u32 $0x28000, s13  }
0x17: {  	[tilespmem:s10], [sflag:$0x2] =	stream.indirect.gather [spmem:s2], $0x80, s25, s7, $0xb8;
	[tilespmem:$0x1C100] =	vst v63  }
0x18: {  	_ =	swait.ge [sflag:s11], $0x4000  }
0x19: {  	s15 =	sadd.s32 $0x2A800, s12;
	s26 =	sshrl.u32 s14, $0x3;
	[sflag:s11] =	ssyncset.done $0x0  }
0x1a: {  	s12 =	sadd.s32 s15, s26;
	[sflag:s11] =	ssyncadd.s32 $0xFFFFC000  }
0x1b: {  	[hbm4b:s12+s3] =	stream.linear.scatter [tilespmem:s8], [sflag:$0x3], $0x4000, $0x38;
	[tilespmem:$0x1C100] =	vst v63  }
0x1c: {  	_ =	swait.ge [sflag:s4], $0x4000  }
0x1d: {  	s16 =	smul.u32 $0x5000, s13;
	[sflag:s4] =	ssyncset.done $0x0  }
0x1e: {  	s13 =	simm.s32 $0x13D00;
	s14 =	simm.s32 $0x2;
	[sflag:s4] =	ssyncadd.s32 $0xFFFFC000  }
0x1f: {  	[tilespmem:s8], [sflag:$0x1] =	stream.indirect.gather [spmem:s2], $0x80, s13, s7, $0xb8;
	[tilespmem:$0x1C100] =	vst v63  }
0x20: {  	_ =	swait.ge [sflag:s14], $0x4000  }
0x21: {  	s28 =	sadd.s32 s15, s16;
	[sflag:s14] =	ssyncset.done $0x0  }
0x22: {  	s15 =	sadd.s32 $0x800, s28;
	[sflag:s14] =	ssyncadd.s32 $0xFFFFC000  }
0x23: {  	[hbm4b:s15+s3] =	stream.linear.scatter [tilespmem:s10], [sflag:$0x3], $0x4000, $0x38;
	[tilespmem:$0x1C100] =	vst v63  }
0x24: {  	_ =	swait.ge [sflag:s4], $0x4000  }
0x25: {  	[sflag:s4] =	ssyncset.done $0x0  }
0x26: {  	s16 =	simm.s32 $0x13D80;
	[sflag:s4] =	ssyncadd.s32 $0xFFFFC000  }
0x27: {  	[tilespmem:s10], [sflag:$0x2] =	stream.indirect.gather [spmem:s2], $0x80, s16, s7, $0xb8;
	[tilespmem:$0x1C100] =	vst v63  }
0x28: {  	_ =	swait.ge [sflag:s11], $0x4000  }
0x29: {  	[sflag:s11] =	ssyncset.done $0x0  }
0x2a: {  	s17 =	sadd.s32 $0x1000, s12;
	[sflag:s11] =	ssyncadd.s32 $0xFFFFC000  }
0x2b: {  	[hbm4b:s17+s3] =	stream.linear.scatter [tilespmem:s8], [sflag:$0x3], $0x4000, $0x38;
	[tilespmem:$0x1C100] =	vst v63  }
0x2c: {  	_ =	swait.ge [sflag:s4], $0x4000  }
0x2d: {  	[sflag:s4] =	ssyncset.done $0x0  }
0x2e: {  	s18 =	simm.s32 $0x13E00;
	[sflag:s4] =	ssyncadd.s32 $0xFFFFC000  }
0x2f: {  	[tilespmem:s8], [sflag:$0x1] =	stream.indirect.gather [spmem:s2], $0x80, s18, s7, $0xb8;
	[tilespmem:$0x1C100] =	vst v63  }
0x30: {  	_ =	swait.ge [sflag:s14], $0x4000  }
0x31: {  	[sflag:s14] =	ssyncset.done $0x0  }
0x32: {  	s19 =	sadd.s32 $0x1800, s28;
	[sflag:s14] =	ssyncadd.s32 $0xFFFFC000  }
0x33: {  	[hbm4b:s19+s3] =	stream.linear.scatter [tilespmem:s10], [sflag:$0x3], $0x4000, $0x38;
	[tilespmem:$0x1C100] =	vst v63  }
0x34: {  	_ =	swait.ge [sflag:s4], $0x4000  }
0x35: {  	[sflag:s4] =	ssyncset.done $0x0  }
0x36: {  	s20 =	simm.s32 $0x13E80;
	[sflag:s4] =	ssyncadd.s32 $0xFFFFC000  }
0x37: {  	[tilespmem:s10], [sflag:$0x2] =	stream.indirect.gather [spmem:s2], $0x80, s20, s7, $0xb8;
	[tilespmem:$0x1C100] =	vst v63  }
0x38: {  	_ =	swait.ge [sflag:s11], $0x4000  }
0x39: {  	[sflag:s11] =	ssyncset.done $0x0  }
0x3a: {  	s21 =	sadd.s32 $0x2000, s12;
	[sflag:s11] =	ssyncadd.s32 $0xFFFFC000  }
0x3b: {  	[hbm4b:s21+s3] =	stream.linear.scatter [tilespmem:s8], [sflag:$0x3], $0x4000, $0x38;
	[tilespmem:$0x1C100] =	vst v63  }
0x3c: {  	_ =	swait.ge [sflag:s4], $0x4000  }
0x3d: {  	[sflag:s4] =	ssyncset.done $0x0  }
0x3e: {  	s22 =	simm.s32 $0x13F00;
	[sflag:s4] =	ssyncadd.s32 $0xFFFFC000  }
0x3f: {  	[tilespmem:s8], [sflag:$0x1] =	stream.indirect.gather [spmem:s2], $0x80, s22, s7, $0xb8;
	[tilespmem:$0x1C100] =	vst v63  }
0x40: {  	_ =	swait.ge [sflag:s14], $0x4000  }
0x41: {  	[sflag:s14] =	ssyncset.done $0x0  }
0x42: {  	s23 =	sadd.s32 $0x2800, s28;
	[sflag:s14] =	ssyncadd.s32 $0xFFFFC000  }
0x43: {  	[hbm4b:s23+s3] =	stream.linear.scatter [tilespmem:s10], [sflag:$0x3], $0x4000, $0x38;
	[tilespmem:$0x1C100] =	vst v63  }
0x44: {  	_ =	swait.ge [sflag:s4], $0x4000  }
0x45: {  	[sflag:s4] =	ssyncset.done $0x0  }
0x46: {  	s24 =	simm.s32 $0x13F80;
	[sflag:s4] =	ssyncadd.s32 $0xFFFFC000  }
0x47: {  	[tilespmem:s10], [sflag:$0x2] =	stream.indirect.gather [spmem:s2], $0x80, s24, s7, $0xb8;
	[tilespmem:$0x1C100] =	vst v63  }
0x48: {  	_ =	swait.ge [sflag:s11], $0x4000  }
0x49: {  	[sflag:s11] =	ssyncset.done $0x0  }
0x4a: {  	s25 =	sadd.s32 $0x3000, s12;
	[sflag:s11] =	ssyncadd.s32 $0xFFFFC000  }
0x4b: {  	[hbm4b:s25+s3] =	stream.linear.scatter [tilespmem:s8], [sflag:$0x3], $0x4000, $0x38;
	[tilespmem:$0x1C100] =	vst v63  }
0x4c: {  	_ =	swait.ge [sflag:s4], $0x4000  }
0x4d: {  	[sflag:s4] =	ssyncset.done $0x0  }
0x4e: {  	s26 =	simm.s32 $0x14000;
	[sflag:s4] =	ssyncadd.s32 $0xFFFFC000  }
0x4f: {  	[tilespmem:s8], [sflag:$0x1] =	stream.indirect.gather [spmem:s2], $0x80, s26, s7, $0xb8;
	[tilespmem:$0x1C100] =	vst v63  }
0x50: {  	_ =	swait.ge [sflag:s14], $0x4000  }
0x51: {  	[sflag:s14] =	ssyncset.done $0x0  }
0x52: {  	s28 =	sadd.s32 $0x3800, s28;
	[sflag:s14] =	ssyncadd.s32 $0xFFFFC000  }
0x53: {  	[hbm4b:s28+s3] =	stream.linear.scatter [tilespmem:s10], [sflag:$0x3], $0x4000, $0x38;
	[tilespmem:$0x1C100] =	vst v63  }
0x54: {  	_ =	swait.ge [sflag:s4], $0x4000  }
0x55: {  	[sflag:s4] =	ssyncset.done $0x0  }
0x56: {  	s29 =	simm.s32 $0x14080;
	[sflag:s4] =	ssyncadd.s32 $0xFFFFC000  }
0x57: {  	[tilespmem:s10], [sflag:$0x2] =	stream.indirect.gather [spmem:s2], $0x80, s29, s7, $0xb8;
	[tilespmem:$0x1C100] =	vst v63  }
0x58: {  	_ =	swait.ge [sflag:s11], $0x4000  }
0x59: {  	s0 =	ssub.s32 $0x2, s9;
	[sflag:s11] =	ssyncset.done $0x0  }
0x5a: {  	s31 =	sshrl.u32 s0, $0x1;
	s30 =	sadd.s32 $0x4000, s12;
	[sflag:s11] =	ssyncadd.s32 $0xFFFFC000  }
0x5b: {  	[hbm4b:s30+s3] =	stream.linear.scatter [tilespmem:s8], [sflag:$0x3], $0x4000, $0x38;
	[tilespmem:$0x1C100] =	vst v63  }
0x5c: {  	s0 =	ssub.s32 s0, s31;
	_ =	swait.ge [sflag:s4], $0x4000  }
0x5d: {  	s0 =	smax.u32 s0, $0x1;
	[sflag:s4] =	ssyncset.done $0x0  }
0x5e: {  	p0 =	sne.s32 s0, $0x1;
	[sflag:s4] =	ssyncadd.s32 $0xFFFFC000  }
.Ltmp0:
0x5f: {  	_ =	swait.ge [sflag:s14], $0x4000;
	(pc) =	sbr.rel @!p0 .LBB2_2-.Ltmp0, $4  }
0x60: {  	[sflag:s14] =	ssyncset.done $0x0  }
0x61: {  	s31 =	sadd.s32 $0x4800, s12;
	[sflag:s14] =	ssyncadd.s32 $0xFFFFC000  }
0x62: {  	[hbm4b:s31+s3] =	stream.linear.scatter [tilespmem:s10], [sflag:$0x3], $0x4000, $0x38;
	[tilespmem:$0x1C100] =	vst v63  }
0x63: {  	s0 =	sadd.s32 $0xFFFFFFFF, s0;
	_ =	swait.ge [sflag:s4], $0x4000  }
.LBB2_1:
0x64: {  	s1 =	rddreg [dreg:$0x4];
	[sflag:s4] =	ssyncset.done $0x0  }
0x65: {  	s9 =	rddreg [dreg:$0x3];
	[sflag:s4] =	ssyncadd.s32 $0xFFFFC000  }
0x66: {  	[spmem:s5], [sflag:s1] =	dma.local [hbm:s9], $0x2780  }
0x67: {  	_ =	swait.ge [sflag:s4], $0x2780  }
0x68: {  	[sflag:s4] =	ssyncset.done $0x0  }
0x69: {  	s9 =	rddreg [dreg:$0x5];
	[sflag:s4] =	ssyncadd.s32 $0xFFFFD880  }
0x6a: {  	[tilespmem:s6], [sflag:$0x3] =	stream.linear.gather [hbm4b:s9+s3], $0x500, $0x38;
	[tilespmem:$0x1C100] =	vst v63  }
0x6b: {  	_ =	swait.ge [sflag:s4], $0x500  }
0x6c: {  	[sflag:s4] =	ssyncset.done $0x0  }
0x6d: {  	[sflag:s4] =	ssyncadd.s32 $0xFFFFFB00  }
0x6e: {  	[bflag:$0x0] =	sbarrier.arrive $0xFFFF  }
0x6f: {  	[tilespmem:s8], [sflag:$0x1] =	stream.indirect.gather [spmem:s2], $0x80, s6, s7, $0xb8;
	[tilespmem:$0x1C100] =	vst v63  }
0x70: {  	s9 =	simm.s32 $0x13C80  }
0x71: {  	[tilespmem:s10], [sflag:$0x2] =	stream.indirect.gather [spmem:s2], $0x80, s9, s7, $0xb8;
	[tilespmem:$0x1C100] =	vst v63  }
0x72: {  	_ =	swait.ge [sflag:s11], $0x4000  }
0x73: {  	[sflag:s11] =	ssyncset.done $0x0  }
0x74: {  	[sflag:s11] =	ssyncadd.s32 $0xFFFFC000  }
0x75: {  	[hbm4b:s12+s3] =	stream.linear.scatter [tilespmem:s8], [sflag:$0x3], $0x4000, $0x38;
	[tilespmem:$0x1C100] =	vst v63  }
0x76: {  	_ =	swait.ge [sflag:s4], $0x4000  }
0x77: {  	[sflag:s4] =	ssyncset.done $0x0  }
0x78: {  	[sflag:s4] =	ssyncadd.s32 $0xFFFFC000  }
0x79: {  	[tilespmem:s8], [sflag:$0x1] =	stream.indirect.gather [spmem:s2], $0x80, s13, s7, $0xb8;
	[tilespmem:$0x1C100] =	vst v63  }
0x7a: {  	_ =	swait.ge [sflag:s14], $0x4000  }
0x7b: {  	[sflag:s14] =	ssyncset.done $0x0  }
0x7c: {  	[sflag:s14] =	ssyncadd.s32 $0xFFFFC000  }
0x7d: {  	[hbm4b:s15+s3] =	stream.linear.scatter [tilespmem:s10], [sflag:$0x3], $0x4000, $0x38;
	[tilespmem:$0x1C100] =	vst v63  }
0x7e: {  	_ =	swait.ge [sflag:s4], $0x4000  }
0x7f: {  	[sflag:s4] =	ssyncset.done $0x0  }
0x80: {  	[sflag:s4] =	ssyncadd.s32 $0xFFFFC000  }
0x81: {  	[tilespmem:s10], [sflag:$0x2] =	stream.indirect.gather [spmem:s2], $0x80, s16, s7, $0xb8;
	[tilespmem:$0x1C100] =	vst v63  }
0x82: {  	_ =	swait.ge [sflag:s11], $0x4000  }
0x83: {  	[sflag:s11] =	ssyncset.done $0x0  }
0x84: {  	[sflag:s11] =	ssyncadd.s32 $0xFFFFC000  }
0x85: {  	[hbm4b:s17+s3] =	stream.linear.scatter [tilespmem:s8], [sflag:$0x3], $0x4000, $0x38;
	[tilespmem:$0x1C100] =	vst v63  }
0x86: {  	_ =	swait.ge [sflag:s4], $0x4000  }
0x87: {  	[sflag:s4] =	ssyncset.done $0x0  }
0x88: {  	[sflag:s4] =	ssyncadd.s32 $0xFFFFC000  }
0x89: {  	[tilespmem:s8], [sflag:$0x1] =	stream.indirect.gather [spmem:s2], $0x80, s18, s7, $0xb8;
	[tilespmem:$0x1C100] =	vst v63  }
0x8a: {  	_ =	swait.ge [sflag:s14], $0x4000  }
0x8b: {  	[sflag:s14] =	ssyncset.done $0x0  }
0x8c: {  	[sflag:s14] =	ssyncadd.s32 $0xFFFFC000  }
0x8d: {  	[hbm4b:s19+s3] =	stream.linear.scatter [tilespmem:s10], [sflag:$0x3], $0x4000, $0x38;
	[tilespmem:$0x1C100] =	vst v63  }
0x8e: {  	_ =	swait.ge [sflag:s4], $0x4000  }
0x8f: {  	[sflag:s4] =	ssyncset.done $0x0  }
0x90: {  	[sflag:s4] =	ssyncadd.s32 $0xFFFFC000  }
0x91: {  	[tilespmem:s10], [sflag:$0x2] =	stream.indirect.gather [spmem:s2], $0x80, s20, s7, $0xb8;
	[tilespmem:$0x1C100] =	vst v63  }
0x92: {  	_ =	swait.ge [sflag:s11], $0x4000  }
0x93: {  	[sflag:s11] =	ssyncset.done $0x0  }
0x94: {  	[sflag:s11] =	ssyncadd.s32 $0xFFFFC000  }
0x95: {  	[hbm4b:s21+s3] =	stream.linear.scatter [tilespmem:s8], [sflag:$0x3], $0x4000, $0x38;
	[tilespmem:$0x1C100] =	vst v63  }
0x96: {  	_ =	swait.ge [sflag:s4], $0x4000  }
0x97: {  	[sflag:s4] =	ssyncset.done $0x0  }
0x98: {  	[sflag:s4] =	ssyncadd.s32 $0xFFFFC000  }
0x99: {  	[tilespmem:s8], [sflag:$0x1] =	stream.indirect.gather [spmem:s2], $0x80, s22, s7, $0xb8;
	[tilespmem:$0x1C100] =	vst v63  }
0x9a: {  	_ =	swait.ge [sflag:s14], $0x4000  }
0x9b: {  	[sflag:s14] =	ssyncset.done $0x0  }
0x9c: {  	[sflag:s14] =	ssyncadd.s32 $0xFFFFC000  }
0x9d: {  	[hbm4b:s23+s3] =	stream.linear.scatter [tilespmem:s10], [sflag:$0x3], $0x4000, $0x38;
	[tilespmem:$0x1C100] =	vst v63  }
0x9e: {  	_ =	swait.ge [sflag:s4], $0x4000  }
0x9f: {  	[sflag:s4] =	ssyncset.done $0x0  }
0xa0: {  	[sflag:s4] =	ssyncadd.s32 $0xFFFFC000  }
0xa1: {  	[tilespmem:s10], [sflag:$0x2] =	stream.indirect.gather [spmem:s2], $0x80, s24, s7, $0xb8;
	[tilespmem:$0x1C100] =	vst v63  }
0xa2: {  	_ =	swait.ge [sflag:s11], $0x4000  }
0xa3: {  	[sflag:s11] =	ssyncset.done $0x0  }
0xa4: {  	[sflag:s11] =	ssyncadd.s32 $0xFFFFC000  }
0xa5: {  	[hbm4b:s25+s3] =	stream.linear.scatter [tilespmem:s8], [sflag:$0x3], $0x4000, $0x38;
	[tilespmem:$0x1C100] =	vst v63  }
0xa6: {  	_ =	swait.ge [sflag:s4], $0x4000  }
0xa7: {  	[sflag:s4] =	ssyncset.done $0x0  }
0xa8: {  	[sflag:s4] =	ssyncadd.s32 $0xFFFFC000  }
0xa9: {  	[tilespmem:s8], [sflag:$0x1] =	stream.indirect.gather [spmem:s2], $0x80, s26, s7, $0xb8;
	[tilespmem:$0x1C100] =	vst v63  }
0xaa: {  	_ =	swait.ge [sflag:s14], $0x4000  }
0xab: {  	[sflag:s14] =	ssyncset.done $0x0  }
0xac: {  	[sflag:s14] =	ssyncadd.s32 $0xFFFFC000  }
0xad: {  	[hbm4b:s28+s3] =	stream.linear.scatter [tilespmem:s10], [sflag:$0x3], $0x4000, $0x38;
	[tilespmem:$0x1C100] =	vst v63  }
0xae: {  	_ =	swait.ge [sflag:s4], $0x4000  }
0xaf: {  	[sflag:s4] =	ssyncset.done $0x0  }
0xb0: {  	[sflag:s4] =	ssyncadd.s32 $0xFFFFC000  }
0xb1: {  	[tilespmem:s10], [sflag:$0x2] =	stream.indirect.gather [spmem:s2], $0x80, s29, s7, $0xb8;
	[tilespmem:$0x1C100] =	vst v63  }
0xb2: {  	_ =	swait.ge [sflag:s11], $0x4000  }
0xb3: {  	[sflag:s11] =	ssyncset.done $0x0  }
0xb4: {  	[sflag:s11] =	ssyncadd.s32 $0xFFFFC000  }
0xb5: {  	[hbm4b:s30+s3] =	stream.linear.scatter [tilespmem:s8], [sflag:$0x3], $0x4000, $0x38;
	[tilespmem:$0x1C100] =	vst v63  }
0xb6: {  	_ =	swait.ge [sflag:s4], $0x4000  }
0xb7: {  	[sflag:s4] =	ssyncset.done $0x0  }
0xb8: {  	p0 =	sne.s32 s0, $0x1;
	[sflag:s4] =	ssyncadd.s32 $0xFFFFC000  }
.Ltmp1:
0xb9: {  	_ =	swait.ge [sflag:s14], $0x4000;
	(pc) =	sbr.rel @p0 .LBB2_1-.Ltmp1, $4  }
0xba: {  	[sflag:s14] =	ssyncset.done $0x0  }
0xbb: {  	[sflag:s14] =	ssyncadd.s32 $0xFFFFC000  }
0xbc: {  	[hbm4b:s31+s3] =	stream.linear.scatter [tilespmem:s10], [sflag:$0x3], $0x4000, $0x38;
	[tilespmem:$0x1C100] =	vst v63  }
0xbd: {  	s0 =	sadd.s32 $0xFFFFFFFF, s0;
	_ =	swait.ge [sflag:s4], $0x4000  }
.LBB2_2:
0xbe: {  	[sflag:s4] =	ssyncset.done $0x0  }
0xbf: {  	[sflag:s4] =	ssyncadd.s32 $0xFFFFC000  }
0xc0: {  	_ =	sfence.sel $0x180000  }
0xc1: {  	[bflag:$0x0] =	sbarrier.arrive $0xFFFF  }
0xc2: {  	_ =	strace $0x9000004D  }
0xc3: {  	s0 =	stileid.u32;
	[bflag:$0x2] =	sbarrier.arrive $0xFFFF  }
0xc4: {  	p0 =	sne.s32 s0, $0x0;
	s0 =	rddreg [dreg:$0x2]  }
0xc5: {  	s0 =	sadd.s32 @!p0 $0x100000, s0  }
0xc6: {  	[sflag:s0] =	ssyncadd.tile.s32 @!p0 $0x1;
	_ =	shalt  }
.Lfunc_end2:
_tile_overlayer_lowered:
.L_overlay_start_2:
0xc7: {  	(tag) =	ssettag $0x2  }
0xc8: {  	s0 =	rddreg [dreg:$0x0];
	s2 =	stileid.u32  }
0xc9: {  	s1 =	rddreg [dreg:$0x1];
	p0 =	sne.s32 s2, $0x0  }
0xca: {  	s3 =	rddreg [dreg:$0x2];
	[bflag:$0x3] =	sbarrier.arrive $0xFFFF;
	s2 =	simm.s32 @!p0 $0x1C03  }
0xcb: {  	[timem:s3], [sflag:s2] =	dma.local @!p0 [hbm:s0], s1  }
0xcc: {  	s0 =	simm.s32 @!p0 $0x3  }
0xcd: {  	_ =	swait.ge @!p0 [sflag:s0], s1  }
0xce: {  	s1 =	ssub.s32 @!p0 $0x0, s1;
	[sflag:s0] =	ssyncset.done @!p0 $0x0  }
0xcf: {  	[sflag:s0] =	ssyncadd.s32 @!p0 s1  }
0xd0: {  	[bflag:$0x3] =	sbarrier.arrive $0xFFFF  }
0xd1: {  	_ =	shalt  }

// kernel: kernel.8.cloned.1.call-start
scs
__scs_entry_jumppad:
0x0: {  	(pc) =	sbr.rel $0x88, $3  }
0x1: {  	(tag) =	ssettag $0x0;
	lr =	simm.s32 $0x1  }
0x2: {  	[smem:$0x3F90] =	sst lr;
	_ =	strace $0xD0000000  }
0x3: {  	_ = 	snop  }
0x4: {  	_ = 	snop  }
0x5: {  	_ = 	snop  }
0x6: {  	_ = 	snop  }
0x7: {  	_ = 	snop  }
__scs_overlays_trampoline_lowered:
0x8: {  	[smem:$0x3F9F] =	sst s0  }
0x9: {  	[smem:$0x3FA0] =	sst s1  }
0xa: {  	[smem:$0x3FA1] =	sst s2  }
0xb: {  	[smem:$0x3FA2] =	sst s3  }
0xc: {  	[smem:$0x3FA3] =	sst s4  }
0xd: {  	[smem:$0x3FA4] =	sst s5  }
0xe: {  	[smem:$0x3FA5] =	sst s6  }
0xf: {  	[smem:$0x3FA6] =	sst s7  }
0x10: {  	[smem:$0x3FA7] =	sst s8  }
0x11: {  	[smem:$0x3FA8] =	sst s9;
	s0 =	simm.s32 @!p0 $0x0  }
0x12: {  	s1 =	sld [smem:$0x3F8E];
	s0 =	simm.s32 @p0 $0x1  }
0x13: {  	[smem:$0x3FA9] =	sst s0;
	s0 =	simm.s32 @!p1 $0x0  }
0x14: {  	s2 =	sld [smem:$0x3F8D];
	s0 =	simm.s32 @p1 $0x1  }
0x15: {  	[smem:$0x3FAA] =	sst s0;
	s0 =	simm.s32 @!p2 $0x0  }
0x16: {  	s3 =	sld [smem:$0x3FDB];
	s0 =	simm.s32 @p2 $0x1  }
0x17: {  	s4 =	simm.s32 $0x1BF5;
	[smem:$0x3FAC] =	sst s0  }
0x18: {  	s0 =	sld [smem:$0x3F8F];
	_ =	swait.ge [sflag:s4], $0x0  }
0x19: {  	s7 =	sld [smem:$0x3F90]  }
0x1a: {  	s8 =	sadd.s32 $0xFFFFE003, lr  }
0x1b: {  	s9 =	sadd.s32 $0xFFFFFEF7, lr;
	s5 =	simm.s32 $0xFFFFFFFF;
	p2 =	slt.u32 s8, $0xFFFFF086  }
0x1c: {  	p1 =	slt.u32 s9, $0xF7A;
	s5 =	simm.s32 @!p2 $0x0  }
0x1d: {  	s5 =	simm.s32 @p1 $0x1;
	p0 =	seq.s32 s7, s2  }
0x1e: {  	s7 =	smul.u32 @!p0 $0xF7A, s2;
	p2 =	seq.s32 @!p0 s5, $0x0  }
0x1f: {  	s9 =	smul.u32 $0xF7A, s1;
	s8 =	simm.s32 @!p0 $0x1BF5;
	p2 =	por !p2, p0  }
0x20: {  	[sflag:s8] =	ssyncset.s32 @!p0 $0xFFFFF086;
	s6 =	sadd.s32 @!p0 s3, s7;
	s7 =	simm.s32 @!p0 $0x108  }
0x21: {  	s3 =	sadd.s32 s3, s9;
	s6 =	sadd.s32 @!p0 $0x88, s6;
	s7 =	simm.s32 @p2 $0x1082  }
0x22: {  	[simem:s7], [sflag:s8] =	dma.local @!p0 [hbm:s6], $0xF7A  }
0x23: {  	s9 =	sor.u32 $0xD0000000, s2;
	s6 =	simm.s32 $0x108;
	_ =	swait.ge @!p0 [sflag:s8], $0x0  }
0x24: {  	s3 =	sadd.s32 $0x88, s3;
	s6 =	simm.s32 @!p1 $0x1082;
	[sflag:s4] =	ssyncset.s32 $0xFFFFF086  }
0x25: {  	[simem:s6], [sflag:s4] =	dma.local [hbm:s3], $0xF7A  }
0x26: {  	[smem:$0x3F90] =	sst s1;
	(tag) =	ssettag s2;
	_ =	strace s9  }
0x27: {  	s1 =	sld [smem:$0x3FA0]  }
0x28: {  	s2 =	sld [smem:$0x3FA1]  }
0x29: {  	s4 =	sld [smem:$0x3FA3]  }
0x2a: {  	p0 =	seq.s32 s5, $0x0;
	s5 =	sld [smem:$0x3FA4]  }
0x2b: {  	s6 =	sld [smem:$0x3FA5]  }
0x2c: {  	s7 =	sld [smem:$0x3FA6]  }
0x2d: {  	s3 =	simm.s32 $0x108;
	s8 =	sld [smem:$0x3FA7]  }
0x2e: {  	s3 =	simm.s32 @!p0 $0x1082;
	s9 =	sld [smem:$0x3FA8]  }
0x2f: {  	lr =	sadd.s32 s0, s3;
	s0 =	sld [smem:$0x3F9F]  }
0x30: {  	s3 =	sld [smem:$0x3FA2]  }
0x31: {  	[smem:$0x3FAB] =	sst s10  }
0x32: {  	s10 =	sld [smem:$0x3FA9];
	_ =	sdelay $0x3  }
0x33: {  	p0 =	seq.s32 s10, $0x1;
	s10 =	sld [smem:$0x3FAB];
	_ =	sdelay $0x3  }
0x34: {  	[smem:$0x3FAB] =	sst s10  }
0x35: {  	s10 =	sld [smem:$0x3FAA];
	_ =	sdelay $0x3  }
0x36: {  	p1 =	seq.s32 s10, $0x1;
	s10 =	sld [smem:$0x3FAB];
	_ =	sdelay $0x3  }
0x37: {  	[smem:$0x3FAB] =	sst s10  }
0x38: {  	s10 =	sld [smem:$0x3FAC]  }
0x39: {  	_ = 	snop;
	(pc) =	sbr.ind lr, $3  }
0x3a: {  	_ = 	snop  }
0x3b: {  	_ = 	snop  }
0x3c: {  	p2 =	seq.s32 s10, $0x1;
	s10 =	sld [smem:$0x3FAB]  }
0x3d: {  	_ =	shalt  }
0x3e: {  	_ =	shalt  }
0x3f: {  	_ =	shalt  }
0x40: {  	_ =	shalt  }
0x41: {  	_ =	shalt  }
0x42: {  	_ =	shalt  }
0x43: {  	_ =	shalt  }
0x44: {  	_ =	shalt  }
0x45: {  	_ =	shalt  }
0x46: {  	_ =	shalt  }
0x47: {  	_ =	shalt  }
0x48: {  	_ =	shalt  }
0x49: {  	_ =	shalt  }
0x4a: {  	_ =	shalt  }
0x4b: {  	_ =	shalt  }
0x4c: {  	_ =	shalt  }
0x4d: {  	_ =	shalt  }
0x4e: {  	_ =	shalt  }
0x4f: {  	_ =	shalt  }
0x50: {  	_ =	shalt  }
0x51: {  	_ =	shalt  }
0x52: {  	_ =	shalt  }
0x53: {  	_ =	shalt  }
0x54: {  	_ =	shalt  }
0x55: {  	_ =	shalt  }
0x56: {  	_ =	shalt  }
0x57: {  	_ =	shalt  }
0x58: {  	_ =	shalt  }
0x59: {  	_ =	shalt  }
0x5a: {  	_ =	shalt  }
0x5b: {  	_ =	shalt  }
0x5c: {  	_ =	shalt  }
0x5d: {  	_ =	shalt  }
0x5e: {  	_ =	shalt  }
0x5f: {  	_ =	shalt  }
0x60: {  	_ =	shalt  }
0x61: {  	_ =	shalt  }
0x62: {  	_ =	shalt  }
0x63: {  	_ =	shalt  }
0x64: {  	_ =	shalt  }
0x65: {  	_ =	shalt  }
0x66: {  	_ =	shalt  }
0x67: {  	_ =	shalt  }
0x68: {  	_ =	shalt  }
0x69: {  	_ =	shalt  }
0x6a: {  	_ =	shalt  }
0x6b: {  	_ =	shalt  }
0x6c: {  	_ =	shalt  }
0x6d: {  	_ =	shalt  }
0x6e: {  	_ =	shalt  }
0x6f: {  	_ =	shalt  }
0x70: {  	_ =	shalt  }
0x71: {  	_ =	shalt  }
0x72: {  	_ =	shalt  }
0x73: {  	_ =	shalt  }
0x74: {  	_ =	shalt  }
0x75: {  	_ =	shalt  }
0x76: {  	_ =	shalt  }
0x77: {  	_ =	shalt  }
0x78: {  	_ =	shalt  }
0x79: {  	_ =	shalt  }
0x7a: {  	_ =	shalt  }
0x7b: {  	_ =	shalt  }
0x7c: {  	_ =	shalt  }
0x7d: {  	_ =	shalt  }
0x7e: {  	_ =	shalt  }
0x7f: {  	_ =	shalt  }
0x80: {  	_ =	shalt  }
0x81: {  	_ =	shalt  }
0x82: {  	_ =	shalt  }
0x83: {  	_ =	shalt  }
0x84: {  	_ =	shalt  }
0x85: {  	_ =	shalt  }
0x86: {  	_ =	shalt  }
0x87: {  	_ =	shalt  }
.Lfunc_end0:
.L_simem_size_0:
called_computation_lowered:
.L_overlay_start_0:
0x88: {  	s2 =	sld [smem:$0x3FD9]  }
0x89: {  	s3 =	sld [smem:$0x3FFE];
	_ =	sdelay $0x1  }
0x8a: {  	s1 =	srdreg.scid  }
0x8b: {  	s0 =	sand.u32 $0x1, s1  }
0x8c: {  	s14 =	sshll.u32 s0, $0xA;
	s2 =	sadd.s32 s3, s2  }
0x8d: {  	s2 =	sadd.s32 s2, s14  }
0x8e: {  	[smem:$0x3FB7] =	sst s2  }
0x8f: {  	_ = 	snop  }
0x90: {  	s2 =	sld [smem:$0x3FD0];
	_ =	sdelay $0x2  }
0x91: {  	s4 =	simm.s32 $0xA;
	s5 =	simm.s32 $0x10;
	s15 =	sld [smem:$0x3FC9]  }
0x92: {  	[smem:s5], [sflag:s4] =	dma.local [hbm:s2], $0x1  }
0x93: {  	_ =	swait.eq [sflag:s4], $0x1  }
0x94: {  	[sflag:s4] =	ssyncset.done $0x0  }
0x95: {  	[sflag:s4] =	ssyncadd.s32 $0xFFFFFFFF  }
0x96: {  	s16 =	sld [smem:$0x12];
	(tm) =	ssettm $0x1  }
0x97: {  	s17 =	sld [smem:$0x3FFB];
	_ =	sdelay $0x3  }
0x98: {  	_ =	strace s17  }
0x99: {  	s4 =	sld [smem:$0x3FFC];
	_ =	sdelay $0x3  }
0x9a: {  	_ =	strace s4  }
0x9b: {  	s4 =	sld [smem:$0x3FFD];
	_ =	sdelay $0x3  }
0x9c: {  	_ =	strace s4  }
0x9d: {  	_ =	strace $0x8FFFFFFF  }
0x9e: {  	s18 =	sld [smem:$0x3FDB];
	_ =	sdelay $0x1  }
0x9f: {  	s19 =	simm.s32 $_scs_section_size  }
0xa0: {  	s6 =	simm.s32 $_size__tile_overlayer_lowered;
	s7 =	simm.s32 $_tile_overlayer_lowered  }
0xa1: {  	s22 =	simm.s32 $0x1BFF;
	s21 =	sshll.u32 s7, $0x1;
	s4 =	sadd.s32 s19, s18  }
0xa2: {  	s8 =	simm.s32 $0x0;
	s20 =	sshll.u32 s6, $0x1;
	s6 =	sadd.s32 s21, s4  }
0xa3: {  	[timem:s8], [sflag:s22] =	dma.local [hbm:s6], s20  }
0xa4: {  	_ =	swait.ge [sflag:s22], s20  }
0xa5: {  	s5 =	ssub.s32 $0x0, s20;
	[sflag:s22] =	ssyncset.done $0x0  }
0xa6: {  	[sflag:s22] =	ssyncadd.s32 s5;
	_ =	sdelay $0x1  }
0xa7: {  	s23 =	simm.s32 $0x1B8B  }
0xa8: {  	_ =	swait.ge [sflag:s23], $0x1  }
0xa9: {  	[sflag:s23] =	ssyncset.done $0x0  }
0xaa: {  	s25 =	simm.s32 $0x1B8E;
	s24 =	sld [smem:$0x3FFE];
	[sflag:s23] =	ssyncadd.s32 $0xFFFFFFFF  }
0xab: {  	s26 =	simm.s32 $execute0_lowered;
	[smem:$0x3FD2] =	sst s25  }
0xac: {  	s6 =	sshll.u32 s26, $0x1;
	_ =	strace $0x80000046;
	[dreg:$0x1] =	wrdreg $0xFFFFFFFF  }
0xad: {  	s28 =	simm.s32 $_size_execute0_lowered;
	s4 =	sadd.s32 s4, s6;
	[dreg:$0x0] =	wrdreg $0x0  }
0xae: {  	s6 =	sshll.u32 s28, $0x1;
	[dreg:$0x2] =	wrdreg s4  }
0xaf: {  	[dreg:$0x3] =	wrdreg s6  }
0xb0: {  	[dreg:$0x4] =	wrdreg $0xC0  }
0xb1: {  	_ =	task [dreg:s8], $0x5FFFF  }
0xb2: {  	[dreg:$0x1] =	wrdreg $0xFFFFFFFF  }
0xb3: {  	[dreg:$0x0] =	wrdreg $0x60  }
0xb4: {  	[dreg:$0x2] =	wrdreg s15  }
0xb5: {  	[dreg:$0x3] =	wrdreg s24  }
0xb6: {  	[dreg:$0x4] =	wrdreg s16  }
0xb7: {  	[dreg:$0x5] =	wrdreg $0x0  }
0xb8: {  	[dreg:$0x6] =	wrdreg $0x9  }
0xb9: {  	_ =	task.clear_ibuf [dreg:s8], $0x7FFFF;
	_ =	strace $0x90000046  }
0xba: {  	s29 =	simm.s32 $0x9;
	_ =	strace $0x80000048  }
0xbb: {  	_ =	swait.ge [sflag:s29], $0x1  }
0xbc: {  	[sflag:s29] =	ssyncadd.s32 $0xFFFFFFFF  }
0xbd: {  	_ =	strace $0x90000048  }
0xbe: {  	_ =	sfence  }
0xbf: {  	s30 =	sld [smem:$0x0];
	_ =	sdelay $0x2  }
0xc0: {  	s31 =	sshll.u32 s1, $0xD;
	s1 =	sshrl.u32 s1, $0x2  }
0xc1: {  	s3 =	sand.u32 $0x4000, s31;
	s1 =	sadd.s32 s1, s30  }
0xc2: {  	s0 =	sor.u32 s3, s0;
	s1 =	sshll.u32 s1, $0x11  }
0xc3: {  	s0 =	sor.u32 s1, s0  }
0xc4: {  	s0 =	sadd.s32 $0x8F2B, s0  }
0xc5: {  	[sflag:s0] =	ssyncadd.remote.s32 $0x1  }
0xc6: {  	_ =	sfence.sel $0xFFFF  }
0xc7: {  	[dreg:$0x0] =	wrdreg $0xFFFFFFFF;
	(pc) =	sbr.abs _section_cstart, $3  }
0xc8: {  	[dreg:$0x1] =	wrdreg $0xFFFFFFFF  }
0xc9: {  	_ =	task.clear_ibuf [dreg:s8], $0x2FFFF;
	_ =	strace $0x9FFFFFFF  }
0xca: {  	(tm) =	ssettm $0x7FFFFFFF  }
0xcb: {  	_ =	shalt  }
tec
execute0_lowered:
.L_overlay_start_1:
0x0: {  	(tag) =	ssettag $0x1  }
0x1: {  	s1 =	rddreg [dreg:$0x0]  }
0x2: {  	s5 =	rddreg [dreg:$0x1]  }
0x3: {  	s10 =	rddreg [dreg:$0x2]  }
0x4: {  	s3 =	rddreg [dreg:$0x3]  }
0x5: {  	s0 =	rddreg [dreg:$0x4];
	s4 =	simm.s32 $0x0  }
0x6: {  	s2 =	stileid.u32;
	s6 =	srdreg.scid;
	s16 =	simm.s32 $0x80  }
0x7: {  	s17 =	simm.s32 $0x16400;
	s18 =	simm.s32 $0x13C80;
	s19 =	simm.s32 $0x1A400  }
0x8: {  	s20 =	simm.s32 $0x1;
	s21 =	simm.s32 $0x2;
	s22 =	simm.s32 $0x16300  }
0x9: {  	s23 =	simm.s32 $0x16380;
	[smem:$0x7FF] =	sst s4;
	s24 =	smul.u32 $0x2780, s2  }
0xa: {  	s6 =	sand.u32 $0x1, s6;
	s9 =	sadd.s32 $0x1C00, s5;
	s12 =	sshll.u32 s2, $0x1  }
0xb: {  	s13 =	smul.u32 $0x4F000, s2;
	s30 =	sshll.u32 s2, $0x6;
	_ =	strace $0x80000047  }
0xc: {  	s8 =	smul.u32 $0x27800, s6;
	s11 =	ssub.s32 $0x2, s6;
	s6 =	sor.u32 s6, s12  }
0xd: {  	s7 =	sadd.s32 s24, s5;
	s25 =	sshrl.u32 s11, $0x1;
	s28 =	smul.u32 $0x2800, s6  }
0xe: {  	s26 =	sshrl.u32 s13, $0x2;
	s15 =	smul.u32 $0x500, s6;
	s6 =	sor.u32 $0x1C03, s30  }
0xf: {  	s14 =	sadd.s32 s8, s5;
	s11 =	ssub.s32 s11, s25;
	s29 =	sadd.s32 s26, s3  }
0x10: {  	s5 =	sadd.s32 $0xBC00, s7;
	s31 =	sshrl.u32 s28, $0x3;
	s7 =	sadd.s32 s9, s15  }
0x11: {  	s8 =	sadd.s32 s10, s15;
	s25 =	sadd.s32 $0x33400, s14;
	s11 =	smax.u32 s11, $0x1  }
0x12: {  	s12 =	sshrl.u32 s29, $0x3;
	s14 =	simm.s32 $0x13C00;
	s15 =	simm.s32 $0x15000  }
0x13: {  	s13 =	sadd.s32 $0x280, s31;
	s24 =	sadd.s32 s24, s25;
	s25 =	simm.s32 $0x0  }
0x14: {  	s9 =	sadd.s32 s9, s13;
	s10 =	sadd.s32 s10, s13;
	s13 =	simm.s32 $0x3  }
.LBB2_1:
0x15: {  	[spmem:s12], [sflag:s6] =	dma.local [hbm:s5], $0x2780  }
0x16: {  	_ =	swait.ge [sflag:s13], $0x2780  }
0x17: {  	[sflag:s13] =	ssyncset.done $0x0  }
0x18: {  	[sflag:s13] =	ssyncadd.s32 $0xFFFFD880  }
0x19: {  	[bflag:$0x0] =	sbarrier.arrive $0xFFFF  }
0x1a: {  	[tilespmem:s14], [sflag:$0x3] =	stream.linear.gather [hbm4b:s7+s4], $0x1400, $0x38;
	[tilespmem:$0x1E400] =	vst v63  }
0x1b: {  	_ =	swait.ge [sflag:s13], $0x1400  }
0x1c: {  	[sflag:s13] =	ssyncset.done $0x0  }
0x1d: {  	[sflag:s13] =	ssyncadd.s32 $0xFFFFEC00  }
0x1e: {  	[tilespmem:s15], [sflag:$0x3] =	stream.linear.gather [hbm4b:s8+s4], $0x1400, $0x38;
	[tilespmem:$0x1E400] =	vst v63  }
0x1f: {  	_ =	swait.ge [sflag:s13], $0x1400  }
0x20: {  	[sflag:s13] =	ssyncset.done $0x0  }
0x21: {  	[sflag:s13] =	ssyncadd.s32 $0xFFFFEC00  }
0x22: {  	[tilespmem:s17], [sflag:$0x1] =	stream.indirect.gather [hbm4b:s1+s16], $0x80, s14, s16, $0xb8;
	[tilespmem:$0x1E400] =	vst v63  }
0x23: {  	_ = 	snop  }
0x24: {  	[tilespmem:s19], [sflag:$0x2] =	stream.indirect.gather [hbm4b:s1+s16], $0x80, s18, s16, $0xb8;
	[tilespmem:$0x1E400] =	vst v63  }
0x25: {  	_ =	swait.ge [sflag:s20], $0x4000  }
0x26: {  	[sflag:s20] =	ssyncset.done $0x0  }
0x27: {  	s26 =	simm.s32 $0x15000;
	[sflag:s20] =	ssyncadd.s32 $0xFFFFC000  }
0x28: {  	[spmem:s3] =	stream.indirect.scatter.add.f32 [tilespmem:s17], [sflag:$0x3], $0x80, s26, s16, $0xb8;
	[tilespmem:$0x1E400] =	vst v63  }
0x29: {  	_ =	swait.ge [sflag:s13], $0x4000  }
0x2a: {  	[sflag:s13] =	ssyncset.done $0x0  }
0x2b: {  	s30 =	simm.s32 $0x13D00;
	[sflag:s13] =	ssyncadd.s32 $0xFFFFC000  }
0x2c: {  	[tilespmem:s17], [sflag:$0x1] =	stream.indirect.gather [hbm4b:s1+s16], $0x80, s30, s16, $0xb8;
	[tilespmem:$0x1E400] =	vst v63  }
0x2d: {  	_ =	swait.ge [sflag:s21], $0x4000  }
0x2e: {  	[sflag:s21] =	ssyncset.done $0x0  }
0x2f: {  	s31 =	simm.s32 $0x15080;
	[sflag:s21] =	ssyncadd.s32 $0xFFFFC000  }
0x30: {  	[spmem:s3] =	stream.indirect.scatter.add.f32 [tilespmem:s19], [sflag:$0x3], $0x80, s31, s16, $0xb8;
	[tilespmem:$0x1E400] =	vst v63  }
0x31: {  	_ =	swait.ge [sflag:s13], $0x4000  }
0x32: {  	[sflag:s13] =	ssyncset.done $0x0  }
0x33: {  	s28 =	simm.s32 $0x13D80;
	s26 =	simm.s32 $0x400;
	[sflag:s13] =	ssyncadd.s32 $0xFFFFC000  }
.LBB2_2:
0x34: {  	[tilespmem:s19], [sflag:$0x2] =	stream.indirect.gather [hbm4b:s1+s16], $0x80, s28, s16, $0xb8;
	[tilespmem:$0x1E400] =	vst v63  }
0x35: {  	s28 =	smov.u32 s26  }
0x36: {  	p0 =	sne.s32 s26, $0x4800;
	s26 =	sadd.s32 $0x400, s26;
	_ =	swait.ge [sflag:s20], $0x4000  }
0x37: {  	s28 =	sshra.s32 s28, $0x2;
	[sflag:s20] =	ssyncset.done $0x0  }
0x38: {  	s29 =	sadd.s32 $0x15000, s28;
	[sflag:s20] =	ssyncadd.s32 $0xFFFFC000  }
0x39: {  	[spmem:s3] =	stream.indirect.scatter.add.f32 [tilespmem:s17], [sflag:$0x3], $0x80, s29, s16, $0xb8;
	[tilespmem:$0x1E400] =	vst v63  }
0x3a: {  	_ =	swait.ge [sflag:s13], $0x4000  }
0x3b: {  	[sflag:s13] =	ssyncset.done $0x0  }
0x3c: {  	s29 =	sadd.s32 $0x13D00, s28;
	[sflag:s13] =	ssyncadd.s32 $0xFFFFC000  }
0x3d: {  	[tilespmem:s17], [sflag:$0x1] =	stream.indirect.gather [hbm4b:s1+s16], $0x80, s29, s16, $0xb8;
	[tilespmem:$0x1E400] =	vst v63  }
0x3e: {  	_ =	swait.ge [sflag:s21], $0x4000  }
0x3f: {  	[sflag:s21] =	ssyncset.done $0x0  }
.Ltmp0:
0x40: {  	s29 =	sadd.s32 $0x15080, s28;
	[sflag:s21] =	ssyncadd.s32 $0xFFFFC000;
	(pc) =	sbr.rel @p0 .LBB2_2-.Ltmp0, $4  }
0x41: {  	[spmem:s3] =	stream.indirect.scatter.add.f32 [tilespmem:s19], [sflag:$0x3], $0x80, s29, s16, $0xb8;
	[tilespmem:$0x1E400] =	vst v63  }
0x42: {  	_ =	swait.ge [sflag:s13], $0x4000  }
0x43: {  	[sflag:s13] =	ssyncset.done $0x0  }
0x44: {  	s28 =	sadd.s32 $0x13D80, s28;
	[sflag:s13] =	ssyncadd.s32 $0xFFFFC000  }
0x45: {  	[tilespmem:s19], [sflag:$0x2] =	stream.indirect.gather [hbm4b:s1+s16], $0x80, s28, s16, $0xb8;
	[tilespmem:$0x1E400] =	vst v63  }
0x46: {  	_ =	swait.ge [sflag:s20], $0x4000  }
0x47: {  	[sflag:s20] =	ssyncset.done $0x0  }
0x48: {  	[sflag:s20] =	ssyncadd.s32 $0xFFFFC000  }
0x49: {  	[spmem:s3] =	stream.indirect.scatter.add.f32 [tilespmem:s17], [sflag:$0x3], $0x80, s22, s16, $0xb8;
	[tilespmem:$0x1E400] =	vst v63  }
0x4a: {  	_ =	swait.ge [sflag:s13], $0x4000  }
0x4b: {  	[sflag:s13] =	ssyncset.done $0x0  }
0x4c: {  	[sflag:s13] =	ssyncadd.s32 $0xFFFFC000  }
0x4d: {  	_ =	swait.ge [sflag:s21], $0x4000  }
0x4e: {  	[sflag:s21] =	ssyncset.done $0x0  }
0x4f: {  	[sflag:s21] =	ssyncadd.s32 $0xFFFFC000  }
0x50: {  	[spmem:s3] =	stream.indirect.scatter.add.f32 [tilespmem:s19], [sflag:$0x3], $0x80, s23, s16, $0xb8;
	[tilespmem:$0x1E400] =	vst v63  }
0x51: {  	_ =	swait.ge [sflag:s13], $0x4000  }
0x52: {  	[sflag:s13] =	ssyncset.done $0x0  }
0x53: {  	s26 =	simm.s32 $0x0;
	[sflag:s13] =	ssyncadd.s32 $0xFFFFC000  }
0x54: {  	[tilespmem:s14], [sflag:$0x3] =	stream.linear.gather [hbm4b:s9+s26], $0x1400, $0x38;
	[tilespmem:$0x1E400] =	vst v63  }
0x55: {  	_ =	swait.ge [sflag:s13], $0x1400  }
0x56: {  	[sflag:s13] =	ssyncset.done $0x0  }
0x57: {  	[sflag:s13] =	ssyncadd.s32 $0xFFFFEC00  }
0x58: {  	[tilespmem:s15], [sflag:$0x3] =	stream.linear.gather [hbm4b:s10+s26], $0x1400, $0x38;
	[tilespmem:$0x1E400] =	vst v63  }
0x59: {  	_ =	swait.ge [sflag:s13], $0x1400  }
0x5a: {  	[sflag:s13] =	ssyncset.done $0x0  }
0x5b: {  	[sflag:s13] =	ssyncadd.s32 $0xFFFFEC00  }
0x5c: {  	[tilespmem:s17], [sflag:$0x1] =	stream.indirect.gather [hbm4b:s1+s16], $0x80, s14, s16, $0xb8;
	[tilespmem:$0x1E400] =	vst v63  }
0x5d: {  	_ = 	snop  }
0x5e: {  	[tilespmem:s19], [sflag:$0x2] =	stream.indirect.gather [hbm4b:s1+s16], $0x80, s18, s16, $0xb8;
	[tilespmem:$0x1E400] =	vst v63  }
0x5f: {  	_ =	swait.ge [sflag:s20], $0x4000  }
0x60: {  	[sflag:s20] =	ssyncset.done $0x0  }
0x61: {  	s29 =	simm.s32 $0x15000;
	[sflag:s20] =	ssyncadd.s32 $0xFFFFC000  }
0x62: {  	[spmem:s3] =	stream.indirect.scatter.add.f32 [tilespmem:s17], [sflag:$0x3], $0x80, s29, s16, $0xb8;
	[tilespmem:$0x1E400] =	vst v63  }
0x63: {  	_ =	swait.ge [sflag:s13], $0x4000  }
0x64: {  	[sflag:s13] =	ssyncset.done $0x0  }
0x65: {  	s30 =	simm.s32 $0x13D00;
	[sflag:s13] =	ssyncadd.s32 $0xFFFFC000  }
0x66: {  	[tilespmem:s17], [sflag:$0x1] =	stream.indirect.gather [hbm4b:s1+s16], $0x80, s30, s16, $0xb8;
	[tilespmem:$0x1E400] =	vst v63  }
0x67: {  	_ =	swait.ge [sflag:s21], $0x4000  }
0x68: {  	[sflag:s21] =	ssyncset.done $0x0  }
0x69: {  	s31 =	simm.s32 $0x15080;
	[sflag:s21] =	ssyncadd.s32 $0xFFFFC000  }
0x6a: {  	[spmem:s3] =	stream.indirect.scatter.add.f32 [tilespmem:s19], [sflag:$0x3], $0x80, s31, s16, $0xb8;
	[tilespmem:$0x1E400] =	vst v63  }
0x6b: {  	_ =	swait.ge [sflag:s13], $0x4000  }
0x6c: {  	[sflag:s13] =	ssyncset.done $0x0  }
0x6d: {  	s28 =	simm.s32 $0x13D80;
	s26 =	simm.s32 $0x400;
	[sflag:s13] =	ssyncadd.s32 $0xFFFFC000  }
.LBB2_4:
0x6e: {  	[tilespmem:s19], [sflag:$0x2] =	stream.indirect.gather [hbm4b:s1+s16], $0x80, s28, s16, $0xb8;
	[tilespmem:$0x1E400] =	vst v63  }
0x6f: {  	s28 =	smov.u32 s26  }
0x70: {  	p0 =	sne.s32 s26, $0x4800;
	s26 =	sadd.s32 $0x400, s26;
	_ =	swait.ge [sflag:s20], $0x4000  }
0x71: {  	s28 =	sshra.s32 s28, $0x2;
	[sflag:s20] =	ssyncset.done $0x0  }
0x72: {  	s29 =	sadd.s32 $0x15000, s28;
	[sflag:s20] =	ssyncadd.s32 $0xFFFFC000  }
0x73: {  	[spmem:s3] =	stream.indirect.scatter.add.f32 [tilespmem:s17], [sflag:$0x3], $0x80, s29, s16, $0xb8;
	[tilespmem:$0x1E400] =	vst v63  }
0x74: {  	_ =	swait.ge [sflag:s13], $0x4000  }
0x75: {  	[sflag:s13] =	ssyncset.done $0x0  }
0x76: {  	s29 =	sadd.s32 $0x13D00, s28;
	[sflag:s13] =	ssyncadd.s32 $0xFFFFC000  }
0x77: {  	[tilespmem:s17], [sflag:$0x1] =	stream.indirect.gather [hbm4b:s1+s16], $0x80, s29, s16, $0xb8;
	[tilespmem:$0x1E400] =	vst v63  }
0x78: {  	_ =	swait.ge [sflag:s21], $0x4000  }
0x79: {  	[sflag:s21] =	ssyncset.done $0x0  }
.Ltmp1:
0x7a: {  	s29 =	sadd.s32 $0x15080, s28;
	[sflag:s21] =	ssyncadd.s32 $0xFFFFC000;
	(pc) =	sbr.rel @p0 .LBB2_4-.Ltmp1, $4  }
0x7b: {  	[spmem:s3] =	stream.indirect.scatter.add.f32 [tilespmem:s19], [sflag:$0x3], $0x80, s29, s16, $0xb8;
	[tilespmem:$0x1E400] =	vst v63  }
0x7c: {  	_ =	swait.ge [sflag:s13], $0x4000  }
0x7d: {  	[sflag:s13] =	ssyncset.done $0x0  }
0x7e: {  	s28 =	sadd.s32 $0x13D80, s28;
	[sflag:s13] =	ssyncadd.s32 $0xFFFFC000  }
0x7f: {  	[tilespmem:s19], [sflag:$0x2] =	stream.indirect.gather [hbm4b:s1+s16], $0x80, s28, s16, $0xb8;
	[tilespmem:$0x1E400] =	vst v63  }
0x80: {  	_ =	swait.ge [sflag:s20], $0x4000  }
0x81: {  	[sflag:s20] =	ssyncset.done $0x0  }
0x82: {  	[sflag:s20] =	ssyncadd.s32 $0xFFFFC000  }
0x83: {  	[spmem:s3] =	stream.indirect.scatter.add.f32 [tilespmem:s17], [sflag:$0x3], $0x80, s22, s16, $0xb8;
	[tilespmem:$0x1E400] =	vst v63  }
0x84: {  	_ =	swait.ge [sflag:s13], $0x4000  }
0x85: {  	[sflag:s13] =	ssyncset.done $0x0  }
0x86: {  	[sflag:s13] =	ssyncadd.s32 $0xFFFFC000  }
0x87: {  	_ =	swait.ge [sflag:s21], $0x4000  }
0x88: {  	[sflag:s21] =	ssyncset.done $0x0  }
0x89: {  	[sflag:s21] =	ssyncadd.s32 $0xFFFFC000  }
0x8a: {  	[spmem:s3] =	stream.indirect.scatter.add.f32 [tilespmem:s19], [sflag:$0x3], $0x80, s23, s16, $0xb8;
	[tilespmem:$0x1E400] =	vst v63  }
0x8b: {  	_ =	swait.ge [sflag:s13], $0x4000  }
0x8c: {  	s25 =	sadd.s32 $0x1, s25;
	[sflag:s13] =	ssyncset.done $0x0  }
0x8d: {  	p0 =	sne.s32 s25, s11;
	[sflag:s13] =	ssyncadd.s32 $0xFFFFC000  }
.Ltmp2:
0x8e: {  	[bflag:$0x0] =	sbarrier.arrive $0xFFFF;
	(pc) =	sbr.rel @p0 .LBB2_1-.Ltmp2, $4  }
0x8f: {  	[hbm:s24], [sflag:s6] =	dma.local [spmem:s12], $0x2780  }
0x90: {  	_ =	swait.ge [sflag:s13], $0x2780  }
0x91: {  	[sflag:s13] =	ssyncset.done $0x0  }
0x92: {  	[sflag:s13] =	ssyncadd.s32 $0xFFFFD880  }
0x93: {  	_ =	sfence.sel $0x180000  }
0x94: {  	[bflag:$0x0] =	sbarrier.arrive $0xFFFF  }
0x95: {  	p0 =	sne.s32 s2, $0x0;
	_ =	strace $0x90000047  }
0x96: {  	s0 =	sadd.s32 @!p0 $0x100000, s0;
	[bflag:$0x2] =	sbarrier.arrive $0xFFFF  }
0x97: {  	[sflag:s0] =	ssyncadd.tile.s32 @!p0 $0x1;
	_ =	shalt  }
.Lfunc_end2:
_tile_overlayer_lowered:
.L_overlay_start_2:
0x98: {  	(tag) =	ssettag $0x2  }
0x99: {  	s0 =	rddreg [dreg:$0x0];
	s2 =	stileid.u32  }
0x9a: {  	s1 =	rddreg [dreg:$0x1];
	p0 =	sne.s32 s2, $0x0  }
0x9b: {  	s3 =	rddreg [dreg:$0x2];
	[bflag:$0x3] =	sbarrier.arrive $0xFFFF;
	s2 =	simm.s32 @!p0 $0x1C03  }
0x9c: {  	[timem:s3], [sflag:s2] =	dma.local @!p0 [hbm:s0], s1  }
0x9d: {  	s0 =	simm.s32 @!p0 $0x3  }
0x9e: {  	_ =	swait.ge @!p0 [sflag:s0], s1  }
0x9f: {  	s1 =	ssub.s32 @!p0 $0x0, s1;
	[sflag:s0] =	ssyncset.done @!p0 $0x0  }
0xa0: {  	[sflag:s0] =	ssyncadd.s32 @!p0 s1  }
0xa1: {  	[bflag:$0x3] =	sbarrier.arrive $0xFFFF  }
0xa2: {  	_ =	shalt  }

</sc_bundles>
